<compile_context>
chip_gen: v7x
topology: tpu7x:2x2x1
jax: 0.10.2.dev20260603
libtpu: 0.0.44.dev20260713+nightly
codegen_flags: <defaults>
</compile_context>

<pallas_src>
import jax
import jax.numpy as jnp
from jax import lax
from jax.experimental import pallas as pl
from jax.experimental.pallas import tpu as pltpu
from jax.experimental.pallas import tpu_sc as plsc

C = 4
MAXL = 8
DELTA_V = 0.5
DELTA_D = 1.5
ROWS = 256
LANES = 1024
R_CHUNK = 64
NCH = ROWS // R_CHUNK


NWORKERS = 32
WQ = 4
WPX = (ROWS * LANES) // WQ
SC_CHUNK = 16384
TAB = 64


PIMG = ROWS * LANES


def _sc_pass1_body(inst_hbm, ker_hbm, tm_hbm, emb_hbm, out_hbm,
                   inst_v, ker_v, tm_v, e0_v, e1_v, e2_v, e3_v,
                   tab_v, out_v):
    cid = lax.axis_index("c")
    sid = lax.axis_index("s")
    wid = sid * 2 + cid
    base = wid * WPX
    img = wid // WQ
    ibase = (wid % WQ) * WPX
    ebase = img * (C * PIMG)
    zero16 = jnp.zeros((16,), jnp.float32)
    lane = lax.iota(jnp.int32, 16)
    ones = jnp.ones((16,), jnp.float32)
    for f in range(MAXL * 6):
        tab_v[pl.ds(f * 16, 16)] = zero16
    ev = (e0_v, e1_v, e2_v, e3_v)

    def chunk_body(t, carry):
        start = base + t * SC_CHUNK
        estart = ebase + ibase + t * SC_CHUNK
        pltpu.sync_copy(inst_hbm.at[pl.ds(start, SC_CHUNK)], inst_v)
        pltpu.sync_copy(ker_hbm.at[pl.ds(start, SC_CHUNK)], ker_v)
        pltpu.sync_copy(tm_hbm.at[pl.ds(start, SC_CHUNK)], tm_v)
        for c in range(C):
            pltpu.sync_copy(emb_hbm.at[pl.ds(estart + c * PIMG, SC_CHUNK)],
                            ev[c])

        @plsc.parallel_loop(0, SC_CHUNK // 16, unroll=8)
        def vec_body(j):
            off = j * 16
            inst16 = inst_v[pl.ds(off, 16)]
            ker16 = ker_v[pl.ds(off, 16)]
            tm16 = tm_v[pl.ds(off, 16)]
            instf = jnp.where(tm16 > 0.5, inst16, 0.0)
            ikf = jnp.where(ker16 > 0.5, instf, 0.0)
            ii = instf.astype(jnp.int32)
            ik = ikf.astype(jnp.int32)
            mk = ik != 0
            mi = ii != 0
            ikb = ik * 96 + lane
            iib = ii * 96 + (16 + lane)
            plsc.addupdate_scatter(tab_v, [ikb], ones, mask=mk)
            plsc.addupdate_scatter(tab_v, [iib], ones, mask=mi)
            for c in range(C):
                ec = ev[c][pl.ds(off, 16)]
                plsc.addupdate_scatter(tab_v, [ikb + ((2 + c) * 16)], ec,
                                       mask=mk)

        return carry

    lax.fori_loop(0, WPX // SC_CHUNK, chunk_body, 0)
    s = [jnp.sum(tab_v[pl.ds(f * 16, 16)]) for f in range(MAXL * 6)]
    wpx = float(WPX)
    s[0] = wpx - sum(s[l * 6] for l in range(1, MAXL))
    s[1] = wpx - sum(s[l * 6 + 1] for l in range(1, MAXL))
    for g in range(3):
        acc = zero16
        for k in range(16):
            acc = jnp.where(lane == k, s[g * 16 + k], acc)
        out_v[pl.ds(g * 16, 16)] = acc
    out_v[pl.ds(48, 16)] = zero16
    pltpu.sync_copy(out_v, out_hbm.at[pl.ds(wid * TAB, TAB)])


def _sc_pass1(inst_f, ker_f, tm_f, emb_f):
    return pl.kernel(
        _sc_pass1_body,
        out_type=jax.ShapeDtypeStruct((NWORKERS * TAB,), jnp.float32),
        mesh=plsc.VectorSubcoreMesh(core_axis_name="c", subcore_axis_name="s"),
        compiler_params=pltpu.CompilerParams(needs_layout_passes=False),
        scratch_types=[
            pltpu.VMEM((SC_CHUNK,), jnp.float32),
            pltpu.VMEM((SC_CHUNK,), jnp.float32),
            pltpu.VMEM((SC_CHUNK,), jnp.float32),
            pltpu.VMEM((SC_CHUNK,), jnp.float32),
            pltpu.VMEM((SC_CHUNK,), jnp.float32),
            pltpu.VMEM((SC_CHUNK,), jnp.float32),
            pltpu.VMEM((SC_CHUNK,), jnp.float32),
            pltpu.VMEM((MAXL * 6 * 16,), jnp.float32),
            pltpu.VMEM((TAB,), jnp.float32),
        ],
    )(inst_f, ker_f, tm_f, emb_f)


def _finalize(counts_k, cnt_i, sum_v, emb_mean, msq):
    lbl = lax.broadcasted_iota(jnp.int32, (1, MAXL), 1)
    present = counts_k > 0.0
    num_instance = jnp.sum(present.astype(jnp.float32))
    per_lbl = sum_v / jnp.maximum(cnt_i, 1.0)
    nz = jnp.logical_and(present, lbl != 0)
    first_nz = jnp.min(jnp.where(nz, lbl, MAXL))
    agg_mask = jnp.logical_and(nz, lbl != first_nz)
    n_agg = jnp.sum(agg_mask.astype(jnp.float32))
    l_agg = jnp.sum(jnp.where(agg_mask, per_lbl, 0.0)) / jnp.maximum(n_agg, 1.0)

    lr = lax.broadcasted_iota(jnp.int32, (MAXL, MAXL), 0)
    lc = lax.broadcasted_iota(jnp.int32, (MAXL, MAXL), 1)
    pres_r = jnp.broadcast_to(present.reshape(MAXL, 1), (MAXL, MAXL))
    pres_c = jnp.broadcast_to(present.reshape(1, MAXL), (MAXL, MAXL))
    pair_mask = pres_r & pres_c & (lr != lc) & (lr != 0) & (lc != 0)
    g = jnp.dot(emb_mean, emb_mean.T, preferred_element_type=jnp.float32)
    pd2 = msq.reshape(MAXL, 1) + msq.reshape(1, MAXL) - 2.0 * g
    pd2 = jnp.where(pair_mask, jnp.maximum(pd2, 0.0), float(C))
    pd = jnp.sqrt(pd2)
    pdm = jnp.maximum(2.0 * DELTA_D - pd, 0.0) ** 2
    ldv = jnp.log(pdm + 1.0)
    n_pair = jnp.sum(pair_mask.astype(jnp.float32))
    l_dis = jnp.sum(jnp.where(pair_mask, ldv, 0.0)) / jnp.maximum(n_pair, 1.0)
    l_dis = jnp.where(num_instance > 2.0, l_dis, 0.0)

    reg_mask = jnp.logical_and(present, lbl != 0)
    rv = jnp.log(jnp.sqrt(jnp.where(reg_mask, msq, 1.0)) + 1.0)
    l_reg = jnp.sum(jnp.where(reg_mask, rv, 0.0)) / jnp.maximum(
        num_instance, 1.0) * 0.001
    loss = l_agg + l_dis + l_reg
    return jnp.where(num_instance > 1.0, loss, 0.0)


def _pass2_body(stats_ref, emb_ref, inst_ref, tm_ref, out_ref, acc_ref):
    j = pl.program_id(1)

    @pl.when(j == 0)
    def _():
        acc_ref[...] = jnp.zeros_like(acc_ref)

    stats = stats_ref[0]
    ck = stats[:, 0].reshape(1, MAXL)
    sums = stats[:, 2:2 + C]
    emb_mean = sums / jnp.maximum(ck, 1.0).reshape(MAXL, 1)
    zero_row = (lax.broadcasted_iota(jnp.int32, (MAXL, C), 0) == 0)
    emb_mean = jnp.where(zero_row, 0.0, emb_mean)
    msq = jnp.sum(emb_mean * emb_mean, axis=1).reshape(1, MAXL)

    e = emb_ref[0]
    inst = inst_ref[0]
    tm = tm_ref[0]
    inst_m = jnp.where(tm > 0.5, inst, 0.0)
    esq = e[0] * e[0] + e[1] * e[1] + e[2] * e[2] + e[3] * e[3]
    sel_dot = jnp.zeros_like(inst)
    sel_msq = jnp.zeros_like(inst)
    ohs = []
    for l in range(MAXL):
        oh = (inst_m == float(l)).astype(jnp.float32)
        ohs.append(oh)
        dot = (e[0] * emb_mean[l, 0] + e[1] * emb_mean[l, 1]
               + e[2] * emb_mean[l, 2] + e[3] * emb_mean[l, 3])
        sel_dot += oh * dot
        sel_msq += oh * msq[0, l]
    d2 = jnp.maximum(esq - 2.0 * sel_dot + sel_msq, 0.0)
    d = jnp.sqrt(d2)
    t = jnp.maximum(d - DELTA_V, 0.0)
    v = jnp.log(t * t + 1.0)
    for l in range(MAXL):
        acc_ref[l] += jnp.sum(ohs[l] * v, axis=0)

    @pl.when(j == NCH - 1)
    def _():
        sum_v = jnp.sum(acc_ref[...], axis=1).reshape(1, MAXL)
        cnt_i = stats[:, 1].reshape(1, MAXL)
        loss = _finalize(ck, cnt_i, sum_v, emb_mean, msq)
        out_ref[0, 0, :] = jnp.full((128,), loss, jnp.float32)


def _pass2_tc(stats, emb_t, inst, tm):
    B = inst.shape[0]
    grid = (B, NCH)
    return pl.pallas_call(
        _pass2_body,
        grid=grid,
        in_specs=[
            pl.BlockSpec((1, MAXL, 6), lambda b, j: (b, 0, 0)),
            pl.BlockSpec((1, C, R_CHUNK, LANES), lambda b, j: (b, 0, j, 0)),
            pl.BlockSpec((1, R_CHUNK, LANES), lambda b, j: (b, j, 0)),
            pl.BlockSpec((1, R_CHUNK, LANES), lambda b, j: (b, j, 0)),
        ],
        out_specs=pl.BlockSpec((1, 1, 128), lambda b, j: (b, 0, 0)),
        out_shape=jax.ShapeDtypeStruct((B, 1, 128), jnp.float32),
        scratch_shapes=[pltpu.VMEM((MAXL, LANES), jnp.float32)],
        compiler_params=pltpu.CompilerParams(
            dimension_semantics=("arbitrary", "arbitrary")),
    )(stats, emb_t, inst, tm)


def kernel(emb, instance, kernel, training_mask):
    B, H, W, _ = emb.shape
    P = H * W
    emb_t = jnp.transpose(emb.reshape(B, P, C), (0, 2, 1))
    emb_t = emb_t.reshape(B, C, ROWS, LANES)
    inst = instance.reshape(B, ROWS, LANES)
    ker = kernel.reshape(B, ROWS, LANES)
    tm = training_mask.reshape(B, ROWS, LANES)
    stats = _sc_pass1(instance.reshape(-1), kernel.reshape(-1),
                      training_mask.reshape(-1), emb_t.reshape(-1))
    stats = stats.reshape(B, WQ, TAB)[:, :, :MAXL * 6]
    stats = jnp.sum(stats.reshape(B, WQ, MAXL, 6), axis=1)
    losses = _pass2_tc(stats, emb_t, inst, tm)
    return jnp.mean(losses[:, 0, 0])

# --- scband reference (transcript-rebuilt; emitter-appended) ---
"""Pipeline reference for scband-emb-loss-v1-44452911514024 (READ-ONLY COPY).

The authoritative reference and input builder live on the scoring server;
editing this copy changes nothing except your own understanding.
"""

import jax, jax.numpy as jnp
import numpy as np

FEATURE_DIM = 4
LOSS_WEIGHT = 1.0
DELTA_V = 0.5
DELTA_D = 1.5
MAXL = 8  # instance labels in [0, MAXL)


def setup_inputs(seed: int = 0) -> dict:
    key = jax.random.key(seed)
    k1, k2, k3, k4 = jax.random.split(key, 4)
    B, H, W = 8, 512, 512
    emb = jax.random.normal(k1, (B, H, W, FEATURE_DIM), dtype=jnp.float32)
    instance = jax.random.randint(k2, (B, H, W), 0, MAXL).astype(jnp.float32)
    kernel = jax.random.uniform(k3, (B, H, W), dtype=jnp.float32)
    training_mask = jax.random.uniform(k4, (B, H, W), dtype=jnp.float32)
    return {"emb": emb, "instance": instance, "kernel": kernel, "training_mask": training_mask}


def _single(emb, instance, kernel, training_mask):
    C = FEATURE_DIM
    emb = jnp.transpose(emb, (2, 0, 1)).reshape(C, -1)  # [C, P]
    tmask = (training_mask > 0.5).astype(jnp.float32)
    ker = (kernel > 0.5).astype(jnp.float32)
    inst = instance * tmask
    inst_k = (inst * ker).reshape(-1)
    inst = inst.reshape(-1)
    ik = inst_k.astype(jnp.int32)
    ii = inst.astype(jnp.int32)
    lbl = jnp.arange(MAXL)
    # unique labels of instance_kernel <-> labels with nonzero kernel-pixel count
    counts_k = jnp.zeros((MAXL,), jnp.float32).at[ik].add(1.0)
    present = counts_k > 0
    num_instance = jnp.sum(present.astype(jnp.int32))
    # per-label embedding means over kernel pixels; label 0 mean forced to zeros (original appends zeros)
    sums = jnp.zeros((MAXL, C), jnp.float32).at[ik].add(emb.T)
    emb_mean = sums / jnp.maximum(counts_k, 1.0)[:, None]
    emb_mean = emb_mean.at[0].set(0.0)
    # l_agg: per-pixel pull toward its instance mean
    px_mean = emb_mean[ii]
    d = jnp.linalg.norm(emb.T - px_mean, axis=1)
    d = jnp.maximum(d - DELTA_V, 0.0) ** 2
    v = jnp.log(d + 1.0)
    sum_v = jnp.zeros((MAXL,), jnp.float32).at[ii].add(v)
    cnt_i = jnp.zeros((MAXL,), jnp.float32).at[ii].add(1.0)
    per_lbl = sum_v / jnp.maximum(cnt_i, 1.0)
    nz = present & (lbl != 0)
    first_nz = jnp.argmax(nz)  # original drops the first non-zero label (l_agg[1:])
    agg_mask = nz & (lbl != first_nz)
    n_agg = jnp.sum(agg_mask.astype(jnp.float32))
    l_agg = jnp.sum(jnp.where(agg_mask, per_lbl, 0.0)) / jnp.maximum(n_agg, 1.0)
    # l_dis: pairwise push between instance means (exclude label 0 and diagonal)
    pair_mask = (present[:, None] & present[None, :]
                 & (lbl[:, None] != lbl[None, :])
                 & (lbl[:, None] != 0) & (lbl[None, :] != 0))
    diff = emb_mean[:, None, :] - emb_mean[None, :, :]
    diff = jnp.where(pair_mask[:, :, None], diff, 1.0)
    pd = jnp.linalg.norm(diff, axis=2)
    pd = jnp.maximum(2.0 * DELTA_D - pd, 0.0) ** 2
    ldv = jnp.log(pd + 1.0)
    n_pair = jnp.sum(pair_mask.astype(jnp.float32))
    l_dis = jnp.sum(jnp.where(pair_mask, ldv, 0.0)) / jnp.maximum(n_pair, 1.0)
    l_dis = jnp.where(num_instance > 2, l_dis, 0.0)
    # l_reg: over all unique labels; label 0 column is zeros -> log(1)=0 numerator, counted in denominator
    reg_mask = present & (lbl != 0)
    mean_safe = jnp.where(reg_mask[:, None], emb_mean, 1.0)
    rv = jnp.log(jnp.linalg.norm(mean_safe, axis=1) + 1.0)
    l_reg = jnp.sum(jnp.where(reg_mask, rv, 0.0)) / jnp.maximum(num_instance.astype(jnp.float32), 1.0) * 0.001
    loss = 1.0 * l_agg + 1.0 * l_dis + l_reg
    return jnp.where(num_instance > 1, loss, 0.0)


def reference(emb, instance, kernel, training_mask):
    B = emb.shape[0]
    losses = [_single(emb[i], instance[i], kernel[i], training_mask[i]) for i in range(B)]
    loss_batch = jnp.stack(losses) * LOSS_WEIGHT
    return jnp.mean(loss_batch)

if __name__ == "__main__":
    import jax
    _d = setup_inputs()
    print(jax.jit(kernel)(*tuple(_d.values())))

</pallas_src>

<mosaic_0001>
#map = affine_map<(d0, d1) -> (0)>
module attributes {stable_mosaic.version = 14 : i64} {
  func.func @_sc_pass1_body(%arg0: i32, %arg1: i32, %arg2: memref<2097152xf32, #tpu.memory_space<hbm>>, %arg3: memref<2097152xf32, #tpu.memory_space<hbm>>, %arg4: memref<2097152xf32, #tpu.memory_space<hbm>>, %arg5: memref<8388608xf32, #tpu.memory_space<hbm>>, %arg6: memref<2048xf32, #tpu.memory_space<hbm>>, %arg7: memref<16384xf32, #tpu.memory_space<vmem>>, %arg8: memref<16384xf32, #tpu.memory_space<vmem>>, %arg9: memref<16384xf32, #tpu.memory_space<vmem>>, %arg10: memref<16384xf32, #tpu.memory_space<vmem>>, %arg11: memref<16384xf32, #tpu.memory_space<vmem>>, %arg12: memref<16384xf32, #tpu.memory_space<vmem>>, %arg13: memref<16384xf32, #tpu.memory_space<vmem>>, %arg14: memref<768xf32, #tpu.memory_space<vmem>>, %arg15: memref<64xf32, #tpu.memory_space<vmem>>) attributes {dimension_semantics = [#tpu.dimension_semantics<core_parallel>, #tpu.dimension_semantics<subcore_parallel>], iteration_bounds = array<i64: 2, 16>, scalar_prefetch = 0 : i64, scratch_operands = 9 : i64, tpu.core_type = #tpu.core_type<sc_vector_subcore>, window_params = [{transform_indices = #map}, {transform_indices = #map}, {transform_indices = #map}, {transform_indices = #map}, {transform_indices = #map}]} {
    %mul3A = arith.constant 2 : i32
    %mul3A_0 = arith.muli %arg1, %mul3A : i32
    %add3A = arith.addi %mul3A_0, %arg0 : i32
    %mul3A_1 = arith.constant 65536 : i32
    %mul3A_2 = arith.muli %add3A, %mul3A_1 : i32
    %jit3A = arith.constant 4 : i32
    %div3A = arith.divsi %add3A, %jit3A : i32
    %sign3A = arith.constant 0 : i32
    %sign3A_3 = arith.cmpi sgt, %add3A, %sign3A : i32
    %sign3A_4 = arith.extui %sign3A_3 : i1 to i32
    %sign3A_5 = arith.constant 0 : i32
    %sign3A_6 = arith.cmpi slt, %add3A, %sign3A_5 : i32
    %sign3A_7 = arith.extui %sign3A_6 : i1 to i32
    %sign3A_8 = arith.subi %sign3A_4, %sign3A_7 : i32
    %sign3A_9 = arith.constant 0 : i32
    %sign3A_10 = arith.cmpi sgt, %jit3A, %sign3A_9 : i32
    %sign3A_11 = arith.extui %sign3A_10 : i1 to i32
    %sign3A_12 = arith.constant 0 : i32
    %sign3A_13 = arith.cmpi slt, %jit3A, %sign3A_12 : i32
    %sign3A_14 = arith.extui %sign3A_13 : i1 to i32
    %sign3A_15 = arith.subi %sign3A_11, %sign3A_14 : i32
    %ne3A = arith.cmpi ne, %sign3A_8, %sign3A_15 : i32
    %rem3A = arith.remsi %add3A, %jit3A : i32
    %ne3A_16 = arith.constant 0 : i32
    %ne3A_17 = arith.cmpi ne, %rem3A, %ne3A_16 : i32
    %and3A = arith.andi %ne3A, %ne3A_17 : i1
    %sub3A = arith.constant 1 : i32
    %sub3A_18 = arith.subi %div3A, %sub3A : i32
    %select_n3A = arith.select %and3A, %sub3A_18, %div3A : i32
    %jit3A_19 = arith.constant 4 : i32
    %eq3A = arith.constant 0 : i32
    %eq3A_20 = arith.cmpi eq, %jit3A_19, %eq3A : i32
    %jit3A_21 = arith.constant 1 : i32
    %select_n3A_22 = arith.select %eq3A_20, %jit3A_21, %jit3A_19 : i32
    %rem3A_23 = arith.remsi %add3A, %select_n3A_22 : i32
    %ne3A_24 = arith.constant 0 : i32
    %ne3A_25 = arith.cmpi ne, %rem3A_23, %ne3A_24 : i32
    %lt3A = arith.constant 0 : i32
    %lt3A_26 = arith.cmpi slt, %rem3A_23, %lt3A : i32
    %lt3A_27 = arith.constant 0 : i32
    %lt3A_28 = arith.cmpi slt, %select_n3A_22, %lt3A_27 : i32
    %ne3A_29 = arith.xori %lt3A_26, %lt3A_28 : i1
    %and3A_30 = arith.andi %ne3A_29, %ne3A_25 : i1
    %add3A_31 = arith.addi %rem3A_23, %select_n3A_22 : i32
    %select_n3A_32 = arith.select %and3A_30, %add3A_31, %rem3A_23 : i32
    %mul3A_33 = arith.constant 65536 : i32
    %mul3A_34 = arith.muli %select_n3A_32, %mul3A_33 : i32
    %mul3A_35 = arith.constant 1048576 : i32
    %mul3A_36 = arith.muli %select_n3A, %mul3A_35 : i32
    %broadcast_in_dim3A = arith.constant 0.000000e+00 : f32
    %broadcast_in_dim3A_37 = vector.broadcast %broadcast_in_dim3A : f32 to vector<16xf32>
    %iota3A = tpu.iota {dimensions = array<i32: 0>} : vector<16xi32>
    %broadcast_in_dim3A_38 = arith.constant 1.000000e+00 : f32
    %broadcast_in_dim3A_39 = vector.broadcast %broadcast_in_dim3A_38 : f32 to vector<16xf32>
    %swap3A = arith.constant 0 : index
    %swap3A_40 = tpu.vector_load %arg14[%swap3A] {strides = array<i32>} : memref<768xf32, #tpu.memory_space<vmem>>, vector<16xf32>,
    tpu.vector_store %arg14[%swap3A], %broadcast_in_dim3A_37 {strides = array<i32>} : memref<768xf32, #tpu.memory_space<vmem>>, vector<16xf32>,
    %swap3A_41 = arith.constant 16 : index
    %swap3A_42 = tpu.vector_load %arg14[%swap3A_41] {strides = array<i32>} : memref<768xf32, #tpu.memory_space<vmem>>, vector<16xf32>,
    tpu.vector_store %arg14[%swap3A_41], %broadcast_in_dim3A_37 {strides = array<i32>} : memref<768xf32, #tpu.memory_space<vmem>>, vector<16xf32>,
    %swap3A_43 = arith.constant 32 : index
    %swap3A_44 = tpu.vector_load %arg14[%swap3A_43] {strides = array<i32>} : memref<768xf32, #tpu.memory_space<vmem>>, vector<16xf32>,
    tpu.vector_store %arg14[%swap3A_43], %broadcast_in_dim3A_37 {strides = array<i32>} : memref<768xf32, #tpu.memory_space<vmem>>, vector<16xf32>,
    %swap3A_45 = arith.constant 48 : index
    %swap3A_46 = tpu.vector_load %arg14[%swap3A_45] {strides = array<i32>} : memref<768xf32, #tpu.memory_space<vmem>>, vector<16xf32>,
    tpu.vector_store %arg14[%swap3A_45], %broadcast_in_dim3A_37 {strides = array<i32>} : memref<768xf32, #tpu.memory_space<vmem>>, vector<16xf32>,
    %swap3A_47 = arith.constant 64 : index
    %swap3A_48 = tpu.vector_load %arg14[%swap3A_47] {strides = array<i32>} : memref<768xf32, #tpu.memory_space<vmem>>, vector<16xf32>,
    tpu.vector_store %arg14[%swap3A_47], %broadcast_in_dim3A_37 {strides = array<i32>} : memref<768xf32, #tpu.memory_space<vmem>>, vector<16xf32>,
    %swap3A_49 = arith.constant 80 : index
    %swap3A_50 = tpu.vector_load %arg14[%swap3A_49] {strides = array<i32>} : memref<768xf32, #tpu.memory_space<vmem>>, vector<16xf32>,
    tpu.vector_store %arg14[%swap3A_49], %broadcast_in_dim3A_37 {strides = array<i32>} : memref<768xf32, #tpu.memory_space<vmem>>, vector<16xf32>,
    %swap3A_51 = arith.constant 96 : index
    %swap3A_52 = tpu.vector_load %arg14[%swap3A_51] {strides = array<i32>} : memref<768xf32, #tpu.memory_space<vmem>>, vector<16xf32>,
    tpu.vector_store %arg14[%swap3A_51], %broadcast_in_dim3A_37 {strides = array<i32>} : memref<768xf32, #tpu.memory_space<vmem>>, vector<16xf32>,
    %swap3A_53 = arith.constant 112 : index
    %swap3A_54 = tpu.vector_load %arg14[%swap3A_53] {strides = array<i32>} : memref<768xf32, #tpu.memory_space<vmem>>, vector<16xf32>,
    tpu.vector_store %arg14[%swap3A_53], %broadcast_in_dim3A_37 {strides = array<i32>} : memref<768xf32, #tpu.memory_space<vmem>>, vector<16xf32>,
    %swap3A_55 = arith.constant 128 : index
    %swap3A_56 = tpu.vector_load %arg14[%swap3A_55] {strides = array<i32>} : memref<768xf32, #tpu.memory_space<vmem>>, vector<16xf32>,
    tpu.vector_store %arg14[%swap3A_55], %broadcast_in_dim3A_37 {strides = array<i32>} : memref<768xf32, #tpu.memory_space<vmem>>, vector<16xf32>,
    %swap3A_57 = arith.constant 144 : index
    %swap3A_58 = tpu.vector_load %arg14[%swap3A_57] {strides = array<i32>} : memref<768xf32, #tpu.memory_space<vmem>>, vector<16xf32>,
    tpu.vector_store %arg14[%swap3A_57], %broadcast_in_dim3A_37 {strides = array<i32>} : memref<768xf32, #tpu.memory_space<vmem>>, vector<16xf32>,
    %swap3A_59 = arith.constant 160 : index
    %swap3A_60 = tpu.vector_load %arg14[%swap3A_59] {strides = array<i32>} : memref<768xf32, #tpu.memory_space<vmem>>, vector<16xf32>,
    tpu.vector_store %arg14[%swap3A_59], %broadcast_in_dim3A_37 {strides = array<i32>} : memref<768xf32, #tpu.memory_space<vmem>>, vector<16xf32>,
    %swap3A_61 = arith.constant 176 : index
    %swap3A_62 = tpu.vector_load %arg14[%swap3A_61] {strides = array<i32>} : memref<768xf32, #tpu.memory_space<vmem>>, vector<16xf32>,
    tpu.vector_store %arg14[%swap3A_61], %broadcast_in_dim3A_37 {strides = array<i32>} : memref<768xf32, #tpu.memory_space<vmem>>, vector<16xf32>,
    %swap3A_63 = arith.constant 192 : index
    %swap3A_64 = tpu.vector_load %arg14[%swap3A_63] {strides = array<i32>} : memref<768xf32, #tpu.memory_space<vmem>>, vector<16xf32>,
    tpu.vector_store %arg14[%swap3A_63], %broadcast_in_dim3A_37 {strides = array<i32>} : memref<768xf32, #tpu.memory_space<vmem>>, vector<16xf32>,
    %swap3A_65 = arith.constant 208 : index
    %swap3A_66 = tpu.vector_load %arg14[%swap3A_65] {strides = array<i32>} : memref<768xf32, #tpu.memory_space<vmem>>, vector<16xf32>,
    tpu.vector_store %arg14[%swap3A_65], %broadcast_in_dim3A_37 {strides = array<i32>} : memref<768xf32, #tpu.memory_space<vmem>>, vector<16xf32>,
    %swap3A_67 = arith.constant 224 : index
    %swap3A_68 = tpu.vector_load %arg14[%swap3A_67] {strides = array<i32>} : memref<768xf32, #tpu.memory_space<vmem>>, vector<16xf32>,
    tpu.vector_store %arg14[%swap3A_67], %broadcast_in_dim3A_37 {strides = array<i32>} : memref<768xf32, #tpu.memory_space<vmem>>, vector<16xf32>,
    %swap3A_69 = arith.constant 240 : index
    %swap3A_70 = tpu.vector_load %arg14[%swap3A_69] {strides = array<i32>} : memref<768xf32, #tpu.memory_space<vmem>>, vector<16xf32>,
    tpu.vector_store %arg14[%swap3A_69], %broadcast_in_dim3A_37 {strides = array<i32>} : memref<768xf32, #tpu.memory_space<vmem>>, vector<16xf32>,
    %swap3A_71 = arith.constant 256 : index
    %swap3A_72 = tpu.vector_load %arg14[%swap3A_71] {strides = array<i32>} : memref<768xf32, #tpu.memory_space<vmem>>, vector<16xf32>,
    tpu.vector_store %arg14[%swap3A_71], %broadcast_in_dim3A_37 {strides = array<i32>} : memref<768xf32, #tpu.memory_space<vmem>>, vector<16xf32>,
    %swap3A_73 = arith.constant 272 : index
    %swap3A_74 = tpu.vector_load %arg14[%swap3A_73] {strides = array<i32>} : memref<768xf32, #tpu.memory_space<vmem>>, vector<16xf32>,
    tpu.vector_store %arg14[%swap3A_73], %broadcast_in_dim3A_37 {strides = array<i32>} : memref<768xf32, #tpu.memory_space<vmem>>, vector<16xf32>,
    %swap3A_75 = arith.constant 288 : index
    %swap3A_76 = tpu.vector_load %arg14[%swap3A_75] {strides = array<i32>} : memref<768xf32, #tpu.memory_space<vmem>>, vector<16xf32>,
    tpu.vector_store %arg14[%swap3A_75], %broadcast_in_dim3A_37 {strides = array<i32>} : memref<768xf32, #tpu.memory_space<vmem>>, vector<16xf32>,
    %swap3A_77 = arith.constant 304 : index
    %swap3A_78 = tpu.vector_load %arg14[%swap3A_77] {strides = array<i32>} : memref<768xf32, #tpu.memory_space<vmem>>, vector<16xf32>,
    tpu.vector_store %arg14[%swap3A_77], %broadcast_in_dim3A_37 {strides = array<i32>} : memref<768xf32, #tpu.memory_space<vmem>>, vector<16xf32>,
    %swap3A_79 = arith.constant 320 : index
    %swap3A_80 = tpu.vector_load %arg14[%swap3A_79] {strides = array<i32>} : memref<768xf32, #tpu.memory_space<vmem>>, vector<16xf32>,
    tpu.vector_store %arg14[%swap3A_79], %broadcast_in_dim3A_37 {strides = array<i32>} : memref<768xf32, #tpu.memory_space<vmem>>, vector<16xf32>,
    %swap3A_81 = arith.constant 336 : index
    %swap3A_82 = tpu.vector_load %arg14[%swap3A_81] {strides = array<i32>} : memref<768xf32, #tpu.memory_space<vmem>>, vector<16xf32>,
    tpu.vector_store %arg14[%swap3A_81], %broadcast_in_dim3A_37 {strides = array<i32>} : memref<768xf32, #tpu.memory_space<vmem>>, vector<16xf32>,
    %swap3A_83 = arith.constant 352 : index
    %swap3A_84 = tpu.vector_load %arg14[%swap3A_83] {strides = array<i32>} : memref<768xf32, #tpu.memory_space<vmem>>, vector<16xf32>,
    tpu.vector_store %arg14[%swap3A_83], %broadcast_in_dim3A_37 {strides = array<i32>} : memref<768xf32, #tpu.memory_space<vmem>>, vector<16xf32>,
    %swap3A_85 = arith.constant 368 : index
    %swap3A_86 = tpu.vector_load %arg14[%swap3A_85] {strides = array<i32>} : memref<768xf32, #tpu.memory_space<vmem>>, vector<16xf32>,
    tpu.vector_store %arg14[%swap3A_85], %broadcast_in_dim3A_37 {strides = array<i32>} : memref<768xf32, #tpu.memory_space<vmem>>, vector<16xf32>,
    %swap3A_87 = arith.constant 384 : index
    %swap3A_88 = tpu.vector_load %arg14[%swap3A_87] {strides = array<i32>} : memref<768xf32, #tpu.memory_space<vmem>>, vector<16xf32>,
    tpu.vector_store %arg14[%swap3A_87], %broadcast_in_dim3A_37 {strides = array<i32>} : memref<768xf32, #tpu.memory_space<vmem>>, vector<16xf32>,
    %swap3A_89 = arith.constant 400 : index
    %swap3A_90 = tpu.vector_load %arg14[%swap3A_89] {strides = array<i32>} : memref<768xf32, #tpu.memory_space<vmem>>, vector<16xf32>,
    tpu.vector_store %arg14[%swap3A_89], %broadcast_in_dim3A_37 {strides = array<i32>} : memref<768xf32, #tpu.memory_space<vmem>>, vector<16xf32>,
    %swap3A_91 = arith.constant 416 : index
    %swap3A_92 = tpu.vector_load %arg14[%swap3A_91] {strides = array<i32>} : memref<768xf32, #tpu.memory_space<vmem>>, vector<16xf32>,
    tpu.vector_store %arg14[%swap3A_91], %broadcast_in_dim3A_37 {strides = array<i32>} : memref<768xf32, #tpu.memory_space<vmem>>, vector<16xf32>,
    %swap3A_93 = arith.constant 432 : index
    %swap3A_94 = tpu.vector_load %arg14[%swap3A_93] {strides = array<i32>} : memref<768xf32, #tpu.memory_space<vmem>>, vector<16xf32>,
    tpu.vector_store %arg14[%swap3A_93], %broadcast_in_dim3A_37 {strides = array<i32>} : memref<768xf32, #tpu.memory_space<vmem>>, vector<16xf32>,
    %swap3A_95 = arith.constant 448 : index
    %swap3A_96 = tpu.vector_load %arg14[%swap3A_95] {strides = array<i32>} : memref<768xf32, #tpu.memory_space<vmem>>, vector<16xf32>,
    tpu.vector_store %arg14[%swap3A_95], %broadcast_in_dim3A_37 {strides = array<i32>} : memref<768xf32, #tpu.memory_space<vmem>>, vector<16xf32>,
    %swap3A_97 = arith.constant 464 : index
    %swap3A_98 = tpu.vector_load %arg14[%swap3A_97] {strides = array<i32>} : memref<768xf32, #tpu.memory_space<vmem>>, vector<16xf32>,
    tpu.vector_store %arg14[%swap3A_97], %broadcast_in_dim3A_37 {strides = array<i32>} : memref<768xf32, #tpu.memory_space<vmem>>, vector<16xf32>,
    %swap3A_99 = arith.constant 480 : index
    %swap3A_100 = tpu.vector_load %arg14[%swap3A_99] {strides = array<i32>} : memref<768xf32, #tpu.memory_space<vmem>>, vector<16xf32>,
    tpu.vector_store %arg14[%swap3A_99], %broadcast_in_dim3A_37 {strides = array<i32>} : memref<768xf32, #tpu.memory_space<vmem>>, vector<16xf32>,
    %swap3A_101 = arith.constant 496 : index
    %swap3A_102 = tpu.vector_load %arg14[%swap3A_101] {strides = array<i32>} : memref<768xf32, #tpu.memory_space<vmem>>, vector<16xf32>,
    tpu.vector_store %arg14[%swap3A_101], %broadcast_in_dim3A_37 {strides = array<i32>} : memref<768xf32, #tpu.memory_space<vmem>>, vector<16xf32>,
    %swap3A_103 = arith.constant 512 : index
    %swap3A_104 = tpu.vector_load %arg14[%swap3A_103] {strides = array<i32>} : memref<768xf32, #tpu.memory_space<vmem>>, vector<16xf32>,
    tpu.vector_store %arg14[%swap3A_103], %broadcast_in_dim3A_37 {strides = array<i32>} : memref<768xf32, #tpu.memory_space<vmem>>, vector<16xf32>,
    %swap3A_105 = arith.constant 528 : index
    %swap3A_106 = tpu.vector_load %arg14[%swap3A_105] {strides = array<i32>} : memref<768xf32, #tpu.memory_space<vmem>>, vector<16xf32>,
    tpu.vector_store %arg14[%swap3A_105], %broadcast_in_dim3A_37 {strides = array<i32>} : memref<768xf32, #tpu.memory_space<vmem>>, vector<16xf32>,
    %swap3A_107 = arith.constant 544 : index
    %swap3A_108 = tpu.vector_load %arg14[%swap3A_107] {strides = array<i32>} : memref<768xf32, #tpu.memory_space<vmem>>, vector<16xf32>,
    tpu.vector_store %arg14[%swap3A_107], %broadcast_in_dim3A_37 {strides = array<i32>} : memref<768xf32, #tpu.memory_space<vmem>>, vector<16xf32>,
    %swap3A_109 = arith.constant 560 : index
    %swap3A_110 = tpu.vector_load %arg14[%swap3A_109] {strides = array<i32>} : memref<768xf32, #tpu.memory_space<vmem>>, vector<16xf32>,
    tpu.vector_store %arg14[%swap3A_109], %broadcast_in_dim3A_37 {strides = array<i32>} : memref<768xf32, #tpu.memory_space<vmem>>, vector<16xf32>,
    %swap3A_111 = arith.constant 576 : index
    %swap3A_112 = tpu.vector_load %arg14[%swap3A_111] {strides = array<i32>} : memref<768xf32, #tpu.memory_space<vmem>>, vector<16xf32>,
    tpu.vector_store %arg14[%swap3A_111], %broadcast_in_dim3A_37 {strides = array<i32>} : memref<768xf32, #tpu.memory_space<vmem>>, vector<16xf32>,
    %swap3A_113 = arith.constant 592 : index
    %swap3A_114 = tpu.vector_load %arg14[%swap3A_113] {strides = array<i32>} : memref<768xf32, #tpu.memory_space<vmem>>, vector<16xf32>,
    tpu.vector_store %arg14[%swap3A_113], %broadcast_in_dim3A_37 {strides = array<i32>} : memref<768xf32, #tpu.memory_space<vmem>>, vector<16xf32>,
    %swap3A_115 = arith.constant 608 : index
    %swap3A_116 = tpu.vector_load %arg14[%swap3A_115] {strides = array<i32>} : memref<768xf32, #tpu.memory_space<vmem>>, vector<16xf32>,
    tpu.vector_store %arg14[%swap3A_115], %broadcast_in_dim3A_37 {strides = array<i32>} : memref<768xf32, #tpu.memory_space<vmem>>, vector<16xf32>,
    %swap3A_117 = arith.constant 624 : index
    %swap3A_118 = tpu.vector_load %arg14[%swap3A_117] {strides = array<i32>} : memref<768xf32, #tpu.memory_space<vmem>>, vector<16xf32>,
    tpu.vector_store %arg14[%swap3A_117], %broadcast_in_dim3A_37 {strides = array<i32>} : memref<768xf32, #tpu.memory_space<vmem>>, vector<16xf32>,
    %swap3A_119 = arith.constant 640 : index
    %swap3A_120 = tpu.vector_load %arg14[%swap3A_119] {strides = array<i32>} : memref<768xf32, #tpu.memory_space<vmem>>, vector<16xf32>,
    tpu.vector_store %arg14[%swap3A_119], %broadcast_in_dim3A_37 {strides = array<i32>} : memref<768xf32, #tpu.memory_space<vmem>>, vector<16xf32>,
    %swap3A_121 = arith.constant 656 : index
    %swap3A_122 = tpu.vector_load %arg14[%swap3A_121] {strides = array<i32>} : memref<768xf32, #tpu.memory_space<vmem>>, vector<16xf32>,
    tpu.vector_store %arg14[%swap3A_121], %broadcast_in_dim3A_37 {strides = array<i32>} : memref<768xf32, #tpu.memory_space<vmem>>, vector<16xf32>,
    %swap3A_123 = arith.constant 672 : index
    %swap3A_124 = tpu.vector_load %arg14[%swap3A_123] {strides = array<i32>} : memref<768xf32, #tpu.memory_space<vmem>>, vector<16xf32>,
    tpu.vector_store %arg14[%swap3A_123], %broadcast_in_dim3A_37 {strides = array<i32>} : memref<768xf32, #tpu.memory_space<vmem>>, vector<16xf32>,
    %swap3A_125 = arith.constant 688 : index
    %swap3A_126 = tpu.vector_load %arg14[%swap3A_125] {strides = array<i32>} : memref<768xf32, #tpu.memory_space<vmem>>, vector<16xf32>,
    tpu.vector_store %arg14[%swap3A_125], %broadcast_in_dim3A_37 {strides = array<i32>} : memref<768xf32, #tpu.memory_space<vmem>>, vector<16xf32>,
    %swap3A_127 = arith.constant 704 : index
    %swap3A_128 = tpu.vector_load %arg14[%swap3A_127] {strides = array<i32>} : memref<768xf32, #tpu.memory_space<vmem>>, vector<16xf32>,
    tpu.vector_store %arg14[%swap3A_127], %broadcast_in_dim3A_37 {strides = array<i32>} : memref<768xf32, #tpu.memory_space<vmem>>, vector<16xf32>,
    %swap3A_129 = arith.constant 720 : index
    %swap3A_130 = tpu.vector_load %arg14[%swap3A_129] {strides = array<i32>} : memref<768xf32, #tpu.memory_space<vmem>>, vector<16xf32>,
    tpu.vector_store %arg14[%swap3A_129], %broadcast_in_dim3A_37 {strides = array<i32>} : memref<768xf32, #tpu.memory_space<vmem>>, vector<16xf32>,
    %swap3A_131 = arith.constant 736 : index
    %swap3A_132 = tpu.vector_load %arg14[%swap3A_131] {strides = array<i32>} : memref<768xf32, #tpu.memory_space<vmem>>, vector<16xf32>,
    tpu.vector_store %arg14[%swap3A_131], %broadcast_in_dim3A_37 {strides = array<i32>} : memref<768xf32, #tpu.memory_space<vmem>>, vector<16xf32>,
    %swap3A_133 = arith.constant 752 : index
    %swap3A_134 = tpu.vector_load %arg14[%swap3A_133] {strides = array<i32>} : memref<768xf32, #tpu.memory_space<vmem>>, vector<16xf32>,
    tpu.vector_store %arg14[%swap3A_133], %broadcast_in_dim3A_37 {strides = array<i32>} : memref<768xf32, #tpu.memory_space<vmem>>, vector<16xf32>,
    %scan3A = arith.constant 0 : i32
    %scan3A_135 = arith.constant 0 : i32
    %scan3A_136 = arith.constant 4 : i32
    %scan3A_137 = arith.addi %scan3A_135, %scan3A_136 : i32
    %scan3A_138 = arith.constant 1 : i32
    scf.for %scan3A_696 = %scan3A_135 to %scan3A_137 step %scan3A_138  : i32 {
      %mul3A_697 = arith.constant 16384 : i32
      %mul3A_698 = arith.muli %scan3A_696, %mul3A_697 : i32
      %add3A_699 = arith.addi %mul3A_2, %mul3A_698 : i32
      %add3A_700 = arith.addi %mul3A_36, %mul3A_34 : i32
      %mul3A_701 = arith.constant 16384 : i32
      %mul3A_702 = arith.muli %scan3A_696, %mul3A_701 : i32
      %add3A_703 = arith.addi %add3A_700, %mul3A_702 : i32
      "tpu.region"() ({
        %run_scoped3A = tpu.sem_alloc : memref<!tpu.dma_semaphore, #tpu.memory_space<semaphore_mem>>
        %dma_start3A = tpu.memref_slice %arg2[%add3A_699] : memref<2097152xf32, #tpu.memory_space<hbm>> -> memref<16384xf32, #tpu.memory_space<hbm>>
        %dma_start3A_714 = tpu.memref_slice %arg2[%add3A_699] : memref<2097152xf32, #tpu.memory_space<hbm>> -> memref<16384xf32, #tpu.memory_space<hbm>>
        tpu.enqueue_dma source(%dma_start3A_714 : memref<16384xf32, #tpu.memory_space<hbm>>) target(%arg7 : memref<16384xf32, #tpu.memory_space<vmem>>) target_semaphore(%run_scoped3A : memref<!tpu.dma_semaphore, #tpu.memory_space<semaphore_mem>>)
        %dma_wait3A = tpu.memref_slice %arg2[%add3A_699] : memref<2097152xf32, #tpu.memory_space<hbm>> -> memref<16384xf32, #tpu.memory_space<hbm>>
        %dma_wait3A_715 = tpu.memref_slice %arg2[%add3A_699] : memref<2097152xf32, #tpu.memory_space<hbm>> -> memref<16384xf32, #tpu.memory_space<hbm>>
        tpu.wait_dma2 semaphore(%run_scoped3A : memref<!tpu.dma_semaphore, #tpu.memory_space<semaphore_mem>>) src(%dma_wait3A_715 : memref<16384xf32, #tpu.memory_space<hbm>>) dst(%arg7 : memref<16384xf32, #tpu.memory_space<vmem>>)
        tpu.yield
      }) : () -> ()
      "tpu.region"() ({
        %run_scoped3A = tpu.sem_alloc : memref<!tpu.dma_semaphore, #tpu.memory_space<semaphore_mem>>
        %dma_start3A = tpu.memref_slice %arg3[%add3A_699] : memref<2097152xf32, #tpu.memory_space<hbm>> -> memref<16384xf32, #tpu.memory_space<hbm>>
        %dma_start3A_714 = tpu.memref_slice %arg3[%add3A_699] : memref<2097152xf32, #tpu.memory_space<hbm>> -> memref<16384xf32, #tpu.memory_space<hbm>>
        tpu.enqueue_dma source(%dma_start3A_714 : memref<16384xf32, #tpu.memory_space<hbm>>) target(%arg8 : memref<16384xf32, #tpu.memory_space<vmem>>) target_semaphore(%run_scoped3A : memref<!tpu.dma_semaphore, #tpu.memory_space<semaphore_mem>>)
        %dma_wait3A = tpu.memref_slice %arg3[%add3A_699] : memref<2097152xf32, #tpu.memory_space<hbm>> -> memref<16384xf32, #tpu.memory_space<hbm>>
        %dma_wait3A_715 = tpu.memref_slice %arg3[%add3A_699] : memref<2097152xf32, #tpu.memory_space<hbm>> -> memref<16384xf32, #tpu.memory_space<hbm>>
        tpu.wait_dma2 semaphore(%run_scoped3A : memref<!tpu.dma_semaphore, #tpu.memory_space<semaphore_mem>>) src(%dma_wait3A_715 : memref<16384xf32, #tpu.memory_space<hbm>>) dst(%arg8 : memref<16384xf32, #tpu.memory_space<vmem>>)
        tpu.yield
      }) : () -> ()
      "tpu.region"() ({
        %run_scoped3A = tpu.sem_alloc : memref<!tpu.dma_semaphore, #tpu.memory_space<semaphore_mem>>
        %dma_start3A = tpu.memref_slice %arg4[%add3A_699] : memref<2097152xf32, #tpu.memory_space<hbm>> -> memref<16384xf32, #tpu.memory_space<hbm>>
        %dma_start3A_714 = tpu.memref_slice %arg4[%add3A_699] : memref<2097152xf32, #tpu.memory_space<hbm>> -> memref<16384xf32, #tpu.memory_space<hbm>>
        tpu.enqueue_dma source(%dma_start3A_714 : memref<16384xf32, #tpu.memory_space<hbm>>) target(%arg9 : memref<16384xf32, #tpu.memory_space<vmem>>) target_semaphore(%run_scoped3A : memref<!tpu.dma_semaphore, #tpu.memory_space<semaphore_mem>>)
        %dma_wait3A = tpu.memref_slice %arg4[%add3A_699] : memref<2097152xf32, #tpu.memory_space<hbm>> -> memref<16384xf32, #tpu.memory_space<hbm>>
        %dma_wait3A_715 = tpu.memref_slice %arg4[%add3A_699] : memref<2097152xf32, #tpu.memory_space<hbm>> -> memref<16384xf32, #tpu.memory_space<hbm>>
        tpu.wait_dma2 semaphore(%run_scoped3A : memref<!tpu.dma_semaphore, #tpu.memory_space<semaphore_mem>>) src(%dma_wait3A_715 : memref<16384xf32, #tpu.memory_space<hbm>>) dst(%arg9 : memref<16384xf32, #tpu.memory_space<vmem>>)
        tpu.yield
      }) : () -> ()
      %add3A_704 = arith.constant 0 : i32
      %add3A_705 = arith.addi %add3A_703, %add3A_704 : i32
      "tpu.region"() ({
        %run_scoped3A = tpu.sem_alloc : memref<!tpu.dma_semaphore, #tpu.memory_space<semaphore_mem>>
        %dma_start3A = tpu.memref_slice %arg5[%add3A_705] : memref<8388608xf32, #tpu.memory_space<hbm>> -> memref<16384xf32, #tpu.memory_space<hbm>>
        %dma_start3A_714 = tpu.memref_slice %arg5[%add3A_705] : memref<8388608xf32, #tpu.memory_space<hbm>> -> memref<16384xf32, #tpu.memory_space<hbm>>
        tpu.enqueue_dma source(%dma_start3A_714 : memref<16384xf32, #tpu.memory_space<hbm>>) target(%arg10 : memref<16384xf32, #tpu.memory_space<vmem>>) target_semaphore(%run_scoped3A : memref<!tpu.dma_semaphore, #tpu.memory_space<semaphore_mem>>)
        %dma_wait3A = tpu.memref_slice %arg5[%add3A_705] : memref<8388608xf32, #tpu.memory_space<hbm>> -> memref<16384xf32, #tpu.memory_space<hbm>>
        %dma_wait3A_715 = tpu.memref_slice %arg5[%add3A_705] : memref<8388608xf32, #tpu.memory_space<hbm>> -> memref<16384xf32, #tpu.memory_space<hbm>>
        tpu.wait_dma2 semaphore(%run_scoped3A : memref<!tpu.dma_semaphore, #tpu.memory_space<semaphore_mem>>) src(%dma_wait3A_715 : memref<16384xf32, #tpu.memory_space<hbm>>) dst(%arg10 : memref<16384xf32, #tpu.memory_space<vmem>>)
        tpu.yield
      }) : () -> ()
      %add3A_706 = arith.constant 262144 : i32
      %add3A_707 = arith.addi %add3A_703, %add3A_706 : i32
      "tpu.region"() ({
        %run_scoped3A = tpu.sem_alloc : memref<!tpu.dma_semaphore, #tpu.memory_space<semaphore_mem>>
        %dma_start3A = tpu.memref_slice %arg5[%add3A_707] : memref<8388608xf32, #tpu.memory_space<hbm>> -> memref<16384xf32, #tpu.memory_space<hbm>>
        %dma_start3A_714 = tpu.memref_slice %arg5[%add3A_707] : memref<8388608xf32, #tpu.memory_space<hbm>> -> memref<16384xf32, #tpu.memory_space<hbm>>
        tpu.enqueue_dma source(%dma_start3A_714 : memref<16384xf32, #tpu.memory_space<hbm>>) target(%arg11 : memref<16384xf32, #tpu.memory_space<vmem>>) target_semaphore(%run_scoped3A : memref<!tpu.dma_semaphore, #tpu.memory_space<semaphore_mem>>)
        %dma_wait3A = tpu.memref_slice %arg5[%add3A_707] : memref<8388608xf32, #tpu.memory_space<hbm>> -> memref<16384xf32, #tpu.memory_space<hbm>>
        %dma_wait3A_715 = tpu.memref_slice %arg5[%add3A_707] : memref<8388608xf32, #tpu.memory_space<hbm>> -> memref<16384xf32, #tpu.memory_space<hbm>>
        tpu.wait_dma2 semaphore(%run_scoped3A : memref<!tpu.dma_semaphore, #tpu.memory_space<semaphore_mem>>) src(%dma_wait3A_715 : memref<16384xf32, #tpu.memory_space<hbm>>) dst(%arg11 : memref<16384xf32, #tpu.memory_space<vmem>>)
        tpu.yield
      }) : () -> ()
      %add3A_708 = arith.constant 524288 : i32
      %add3A_709 = arith.addi %add3A_703, %add3A_708 : i32
      "tpu.region"() ({
        %run_scoped3A = tpu.sem_alloc : memref<!tpu.dma_semaphore, #tpu.memory_space<semaphore_mem>>
        %dma_start3A = tpu.memref_slice %arg5[%add3A_709] : memref<8388608xf32, #tpu.memory_space<hbm>> -> memref<16384xf32, #tpu.memory_space<hbm>>
        %dma_start3A_714 = tpu.memref_slice %arg5[%add3A_709] : memref<8388608xf32, #tpu.memory_space<hbm>> -> memref<16384xf32, #tpu.memory_space<hbm>>
        tpu.enqueue_dma source(%dma_start3A_714 : memref<16384xf32, #tpu.memory_space<hbm>>) target(%arg12 : memref<16384xf32, #tpu.memory_space<vmem>>) target_semaphore(%run_scoped3A : memref<!tpu.dma_semaphore, #tpu.memory_space<semaphore_mem>>)
        %dma_wait3A = tpu.memref_slice %arg5[%add3A_709] : memref<8388608xf32, #tpu.memory_space<hbm>> -> memref<16384xf32, #tpu.memory_space<hbm>>
        %dma_wait3A_715 = tpu.memref_slice %arg5[%add3A_709] : memref<8388608xf32, #tpu.memory_space<hbm>> -> memref<16384xf32, #tpu.memory_space<hbm>>
        tpu.wait_dma2 semaphore(%run_scoped3A : memref<!tpu.dma_semaphore, #tpu.memory_space<semaphore_mem>>) src(%dma_wait3A_715 : memref<16384xf32, #tpu.memory_space<hbm>>) dst(%arg12 : memref<16384xf32, #tpu.memory_space<vmem>>)
        tpu.yield
      }) : () -> ()
      %add3A_710 = arith.constant 786432 : i32
      %add3A_711 = arith.addi %add3A_703, %add3A_710 : i32
      "tpu.region"() ({
        %run_scoped3A = tpu.sem_alloc : memref<!tpu.dma_semaphore, #tpu.memory_space<semaphore_mem>>
        %dma_start3A = tpu.memref_slice %arg5[%add3A_711] : memref<8388608xf32, #tpu.memory_space<hbm>> -> memref<16384xf32, #tpu.memory_space<hbm>>
        %dma_start3A_714 = tpu.memref_slice %arg5[%add3A_711] : memref<8388608xf32, #tpu.memory_space<hbm>> -> memref<16384xf32, #tpu.memory_space<hbm>>
        tpu.enqueue_dma source(%dma_start3A_714 : memref<16384xf32, #tpu.memory_space<hbm>>) target(%arg13 : memref<16384xf32, #tpu.memory_space<vmem>>) target_semaphore(%run_scoped3A : memref<!tpu.dma_semaphore, #tpu.memory_space<semaphore_mem>>)
        %dma_wait3A = tpu.memref_slice %arg5[%add3A_711] : memref<8388608xf32, #tpu.memory_space<hbm>> -> memref<16384xf32, #tpu.memory_space<hbm>>
        %dma_wait3A_715 = tpu.memref_slice %arg5[%add3A_711] : memref<8388608xf32, #tpu.memory_space<hbm>> -> memref<16384xf32, #tpu.memory_space<hbm>>
        tpu.wait_dma2 semaphore(%run_scoped3A : memref<!tpu.dma_semaphore, #tpu.memory_space<semaphore_mem>>) src(%dma_wait3A_715 : memref<16384xf32, #tpu.memory_space<hbm>>) dst(%arg13 : memref<16384xf32, #tpu.memory_space<vmem>>)
        tpu.yield
      }) : () -> ()
      %parallel_loop3A = arith.constant 0 : i32
      %parallel_loop3A_712 = arith.constant 1024 : i32
      %parallel_loop3A_713 = arith.constant 1 : i32
      scf.for %parallel_loop3A_714 = %parallel_loop3A to %parallel_loop3A_712 step %parallel_loop3A_713  : i32 {
        %parallel_loop3A_715 = arith.constant 16 : i32
        %parallel_loop3A_716 = arith.muli %parallel_loop3A_714, %parallel_loop3A_715 : i32
        %parallel_loop3A_717 = arith.index_cast %parallel_loop3A_716 : i32 to index
        %parallel_loop3A_718 = tpu.vector_load %arg7[%parallel_loop3A_717] {strides = array<i32>} : memref<16384xf32, #tpu.memory_space<vmem>>, vector<16xf32>,
        %parallel_loop3A_719 = arith.index_cast %parallel_loop3A_716 : i32 to index
        %parallel_loop3A_720 = tpu.vector_load %arg8[%parallel_loop3A_719] {strides = array<i32>} : memref<16384xf32, #tpu.memory_space<vmem>>, vector<16xf32>,
        %parallel_loop3A_721 = arith.index_cast %parallel_loop3A_716 : i32 to index
        %parallel_loop3A_722 = tpu.vector_load %arg9[%parallel_loop3A_721] {strides = array<i32>} : memref<16384xf32, #tpu.memory_space<vmem>>, vector<16xf32>,
        %parallel_loop3A_723 = arith.constant 5.000000e-01 : f32
        %parallel_loop3A_724 = vector.broadcast %parallel_loop3A_723 : f32 to vector<16xf32>
        %parallel_loop3A_725 = arith.cmpf ogt, %parallel_loop3A_722, %parallel_loop3A_724 : vector<16xf32>
        %parallel_loop3A_726 = arith.constant 0.000000e+00 : f32
        %parallel_loop3A_727 = vector.broadcast %parallel_loop3A_726 : f32 to vector<16xf32>
        %parallel_loop3A_728 = arith.select %parallel_loop3A_725, %parallel_loop3A_718, %parallel_loop3A_727 : vector<16xi1>, vector<16xf32>
        %parallel_loop3A_729 = arith.constant 5.000000e-01 : f32
        %parallel_loop3A_730 = vector.broadcast %parallel_loop3A_729 : f32 to vector<16xf32>
        %parallel_loop3A_731 = arith.cmpf ogt, %parallel_loop3A_720, %parallel_loop3A_730 : vector<16xf32>
        %parallel_loop3A_732 = arith.constant 0.000000e+00 : f32
        %parallel_loop3A_733 = vector.broadcast %parallel_loop3A_732 : f32 to vector<16xf32>
        %parallel_loop3A_734 = arith.select %parallel_loop3A_731, %parallel_loop3A_728, %parallel_loop3A_733 : vector<16xi1>, vector<16xf32>
        %parallel_loop3A_735 = arith.fptosi %parallel_loop3A_728 : vector<16xf32> to vector<16xi32>
        %parallel_loop3A_736 = arith.fptosi %parallel_loop3A_734 : vector<16xf32> to vector<16xi32>
        %parallel_loop3A_737 = arith.constant 0 : i32
        %parallel_loop3A_738 = vector.broadcast %parallel_loop3A_737 : i32 to vector<16xi32>
        %parallel_loop3A_739 = arith.cmpi ne, %parallel_loop3A_736, %parallel_loop3A_738 : vector<16xi32>
        %parallel_loop3A_740 = arith.constant 0 : i32
        %parallel_loop3A_741 = vector.broadcast %parallel_loop3A_740 : i32 to vector<16xi32>
        %parallel_loop3A_742 = arith.cmpi ne, %parallel_loop3A_735, %parallel_loop3A_741 : vector<16xi32>
        %parallel_loop3A_743 = arith.constant 96 : i32
        %parallel_loop3A_744 = vector.broadcast %parallel_loop3A_743 : i32 to vector<16xi32>
        %parallel_loop3A_745 = arith.muli %parallel_loop3A_736, %parallel_loop3A_744 : vector<16xi32>
        %parallel_loop3A_746 = arith.addi %parallel_loop3A_745, %iota3A : vector<16xi32>
        %parallel_loop3A_747 = arith.constant 96 : i32
        %parallel_loop3A_748 = vector.broadcast %parallel_loop3A_747 : i32 to vector<16xi32>
        %parallel_loop3A_749 = arith.muli %parallel_loop3A_735, %parallel_loop3A_748 : vector<16xi32>
        %parallel_loop3A_750 = arith.constant 16 : i32
        %parallel_loop3A_751 = vector.broadcast %parallel_loop3A_750 : i32 to vector<16xi32>
        %parallel_loop3A_752 = arith.addi %parallel_loop3A_751, %iota3A : vector<16xi32>
        %parallel_loop3A_753 = arith.addi %parallel_loop3A_749, %parallel_loop3A_752 : vector<16xi32>
        tpu.vector_store_idx %arg14[%parallel_loop3A_746], %broadcast_in_dim3A_39 masked %parallel_loop3A_739 {add = true} : memref<768xf32, #tpu.memory_space<vmem>>[vector<16xi32>], vector<16xf32>, vector<16xi1>
        tpu.vector_store_idx %arg14[%parallel_loop3A_753], %broadcast_in_dim3A_39 masked %parallel_loop3A_742 {add = true} : memref<768xf32, #tpu.memory_space<vmem>>[vector<16xi32>], vector<16xf32>, vector<16xi1>
        %parallel_loop3A_754 = arith.index_cast %parallel_loop3A_716 : i32 to index
        %parallel_loop3A_755 = tpu.vector_load %arg10[%parallel_loop3A_754] {strides = array<i32>} : memref<16384xf32, #tpu.memory_space<vmem>>, vector<16xf32>,
        %parallel_loop3A_756 = arith.constant 32 : i32
        %parallel_loop3A_757 = vector.broadcast %parallel_loop3A_756 : i32 to vector<16xi32>
        %parallel_loop3A_758 = arith.addi %parallel_loop3A_746, %parallel_loop3A_757 : vector<16xi32>
        tpu.vector_store_idx %arg14[%parallel_loop3A_758], %parallel_loop3A_755 masked %parallel_loop3A_739 {add = true} : memref<768xf32, #tpu.memory_space<vmem>>[vector<16xi32>], vector<16xf32>, vector<16xi1>
        %parallel_loop3A_759 = arith.index_cast %parallel_loop3A_716 : i32 to index
        %parallel_loop3A_760 = tpu.vector_load %arg11[%parallel_loop3A_759] {strides = array<i32>} : memref<16384xf32, #tpu.memory_space<vmem>>, vector<16xf32>,
        %parallel_loop3A_761 = arith.constant 48 : i32
        %parallel_loop3A_762 = vector.broadcast %parallel_loop3A_761 : i32 to vector<16xi32>
        %parallel_loop3A_763 = arith.addi %parallel_loop3A_746, %parallel_loop3A_762 : vector<16xi32>
        tpu.vector_store_idx %arg14[%parallel_loop3A_763], %parallel_loop3A_760 masked %parallel_loop3A_739 {add = true} : memref<768xf32, #tpu.memory_space<vmem>>[vector<16xi32>], vector<16xf32>, vector<16xi1>
        %parallel_loop3A_764 = arith.index_cast %parallel_loop3A_716 : i32 to index
        %parallel_loop3A_765 = tpu.vector_load %arg12[%parallel_loop3A_764] {strides = array<i32>} : memref<16384xf32, #tpu.memory_space<vmem>>, vector<16xf32>,
        %parallel_loop3A_766 = arith.constant 64 : i32
        %parallel_loop3A_767 = vector.broadcast %parallel_loop3A_766 : i32 to vector<16xi32>
        %parallel_loop3A_768 = arith.addi %parallel_loop3A_746, %parallel_loop3A_767 : vector<16xi32>
        tpu.vector_store_idx %arg14[%parallel_loop3A_768], %parallel_loop3A_765 masked %parallel_loop3A_739 {add = true} : memref<768xf32, #tpu.memory_space<vmem>>[vector<16xi32>], vector<16xf32>, vector<16xi1>
        %parallel_loop3A_769 = arith.index_cast %parallel_loop3A_716 : i32 to index
        %parallel_loop3A_770 = tpu.vector_load %arg13[%parallel_loop3A_769] {strides = array<i32>} : memref<16384xf32, #tpu.memory_space<vmem>>, vector<16xf32>,
        %parallel_loop3A_771 = arith.constant 80 : i32
        %parallel_loop3A_772 = vector.broadcast %parallel_loop3A_771 : i32 to vector<16xi32>
        %parallel_loop3A_773 = arith.addi %parallel_loop3A_746, %parallel_loop3A_772 : vector<16xi32>
        tpu.vector_store_idx %arg14[%parallel_loop3A_773], %parallel_loop3A_770 masked %parallel_loop3A_739 {add = true} : memref<768xf32, #tpu.memory_space<vmem>>[vector<16xi32>], vector<16xf32>, vector<16xi1>
      } {sc.loop_unroll_factor = 8 : i64, sc.parallel_access}
    }
    %scan3A_139 = arith.constant 4 : i32
    %get3A = arith.constant 0 : index
    %get3A_140 = tpu.vector_load %arg14[%get3A] {strides = array<i32>} : memref<768xf32, #tpu.memory_space<vmem>>, vector<16xf32>,
    %reduce_sum3A = arith.constant true
    %reduce_sum3A_141 = vector.broadcast %reduce_sum3A : i1 to vector<16xi1>
    %reduce_sum3A_142 = tpu.scan <sum>, %get3A_140 masked %reduce_sum3A_141 : vector<16xf32>, vector<16xi1> -> vector<16xf32>
    %reduce_sum3A_143 = vector.extract %reduce_sum3A_142[15] : f32 from vector<16xf32>
    %get3A_144 = arith.constant 16 : index
    %get3A_145 = tpu.vector_load %arg14[%get3A_144] {strides = array<i32>} : memref<768xf32, #tpu.memory_space<vmem>>, vector<16xf32>,
    %reduce_sum3A_146 = arith.constant true
    %reduce_sum3A_147 = vector.broadcast %reduce_sum3A_146 : i1 to vector<16xi1>
    %reduce_sum3A_148 = tpu.scan <sum>, %get3A_145 masked %reduce_sum3A_147 : vector<16xf32>, vector<16xi1> -> vector<16xf32>
    %reduce_sum3A_149 = vector.extract %reduce_sum3A_148[15] : f32 from vector<16xf32>
    %get3A_150 = arith.constant 32 : index
    %get3A_151 = tpu.vector_load %arg14[%get3A_150] {strides = array<i32>} : memref<768xf32, #tpu.memory_space<vmem>>, vector<16xf32>,
    %reduce_sum3A_152 = arith.constant true
    %reduce_sum3A_153 = vector.broadcast %reduce_sum3A_152 : i1 to vector<16xi1>
    %reduce_sum3A_154 = tpu.scan <sum>, %get3A_151 masked %reduce_sum3A_153 : vector<16xf32>, vector<16xi1> -> vector<16xf32>
    %reduce_sum3A_155 = vector.extract %reduce_sum3A_154[15] : f32 from vector<16xf32>
    %get3A_156 = arith.constant 48 : index
    %get3A_157 = tpu.vector_load %arg14[%get3A_156] {strides = array<i32>} : memref<768xf32, #tpu.memory_space<vmem>>, vector<16xf32>,
    %reduce_sum3A_158 = arith.constant true
    %reduce_sum3A_159 = vector.broadcast %reduce_sum3A_158 : i1 to vector<16xi1>
    %reduce_sum3A_160 = tpu.scan <sum>, %get3A_157 masked %reduce_sum3A_159 : vector<16xf32>, vector<16xi1> -> vector<16xf32>
    %reduce_sum3A_161 = vector.extract %reduce_sum3A_160[15] : f32 from vector<16xf32>
    %get3A_162 = arith.constant 64 : index
    %get3A_163 = tpu.vector_load %arg14[%get3A_162] {strides = array<i32>} : memref<768xf32, #tpu.memory_space<vmem>>, vector<16xf32>,
    %reduce_sum3A_164 = arith.constant true
    %reduce_sum3A_165 = vector.broadcast %reduce_sum3A_164 : i1 to vector<16xi1>
    %reduce_sum3A_166 = tpu.scan <sum>, %get3A_163 masked %reduce_sum3A_165 : vector<16xf32>, vector<16xi1> -> vector<16xf32>
    %reduce_sum3A_167 = vector.extract %reduce_sum3A_166[15] : f32 from vector<16xf32>
    %get3A_168 = arith.constant 80 : index
    %get3A_169 = tpu.vector_load %arg14[%get3A_168] {strides = array<i32>} : memref<768xf32, #tpu.memory_space<vmem>>, vector<16xf32>,
    %reduce_sum3A_170 = arith.constant true
    %reduce_sum3A_171 = vector.broadcast %reduce_sum3A_170 : i1 to vector<16xi1>
    %reduce_sum3A_172 = tpu.scan <sum>, %get3A_169 masked %reduce_sum3A_171 : vector<16xf32>, vector<16xi1> -> vector<16xf32>
    %reduce_sum3A_173 = vector.extract %reduce_sum3A_172[15] : f32 from vector<16xf32>
    %get3A_174 = arith.constant 96 : index
    %get3A_175 = tpu.vector_load %arg14[%get3A_174] {strides = array<i32>} : memref<768xf32, #tpu.memory_space<vmem>>, vector<16xf32>,
    %reduce_sum3A_176 = arith.constant true
    %reduce_sum3A_177 = vector.broadcast %reduce_sum3A_176 : i1 to vector<16xi1>
    %reduce_sum3A_178 = tpu.scan <sum>, %get3A_175 masked %reduce_sum3A_177 : vector<16xf32>, vector<16xi1> -> vector<16xf32>
    %reduce_sum3A_179 = vector.extract %reduce_sum3A_178[15] : f32 from vector<16xf32>
    %get3A_180 = arith.constant 112 : index
    %get3A_181 = tpu.vector_load %arg14[%get3A_180] {strides = array<i32>} : memref<768xf32, #tpu.memory_space<vmem>>, vector<16xf32>,
    %reduce_sum3A_182 = arith.constant true
    %reduce_sum3A_183 = vector.broadcast %reduce_sum3A_182 : i1 to vector<16xi1>
    %reduce_sum3A_184 = tpu.scan <sum>, %get3A_181 masked %reduce_sum3A_183 : vector<16xf32>, vector<16xi1> -> vector<16xf32>
    %reduce_sum3A_185 = vector.extract %reduce_sum3A_184[15] : f32 from vector<16xf32>
    %get3A_186 = arith.constant 128 : index
    %get3A_187 = tpu.vector_load %arg14[%get3A_186] {strides = array<i32>} : memref<768xf32, #tpu.memory_space<vmem>>, vector<16xf32>,
    %reduce_sum3A_188 = arith.constant true
    %reduce_sum3A_189 = vector.broadcast %reduce_sum3A_188 : i1 to vector<16xi1>
    %reduce_sum3A_190 = tpu.scan <sum>, %get3A_187 masked %reduce_sum3A_189 : vector<16xf32>, vector<16xi1> -> vector<16xf32>
    %reduce_sum3A_191 = vector.extract %reduce_sum3A_190[15] : f32 from vector<16xf32>
    %get3A_192 = arith.constant 144 : index
    %get3A_193 = tpu.vector_load %arg14[%get3A_192] {strides = array<i32>} : memref<768xf32, #tpu.memory_space<vmem>>, vector<16xf32>,
    %reduce_sum3A_194 = arith.constant true
    %reduce_sum3A_195 = vector.broadcast %reduce_sum3A_194 : i1 to vector<16xi1>
    %reduce_sum3A_196 = tpu.scan <sum>, %get3A_193 masked %reduce_sum3A_195 : vector<16xf32>, vector<16xi1> -> vector<16xf32>
    %reduce_sum3A_197 = vector.extract %reduce_sum3A_196[15] : f32 from vector<16xf32>
    %get3A_198 = arith.constant 160 : index
    %get3A_199 = tpu.vector_load %arg14[%get3A_198] {strides = array<i32>} : memref<768xf32, #tpu.memory_space<vmem>>, vector<16xf32>,
    %reduce_sum3A_200 = arith.constant true
    %reduce_sum3A_201 = vector.broadcast %reduce_sum3A_200 : i1 to vector<16xi1>
    %reduce_sum3A_202 = tpu.scan <sum>, %get3A_199 masked %reduce_sum3A_201 : vector<16xf32>, vector<16xi1> -> vector<16xf32>
    %reduce_sum3A_203 = vector.extract %reduce_sum3A_202[15] : f32 from vector<16xf32>
    %get3A_204 = arith.constant 176 : index
    %get3A_205 = tpu.vector_load %arg14[%get3A_204] {strides = array<i32>} : memref<768xf32, #tpu.memory_space<vmem>>, vector<16xf32>,
    %reduce_sum3A_206 = arith.constant true
    %reduce_sum3A_207 = vector.broadcast %reduce_sum3A_206 : i1 to vector<16xi1>
    %reduce_sum3A_208 = tpu.scan <sum>, %get3A_205 masked %reduce_sum3A_207 : vector<16xf32>, vector<16xi1> -> vector<16xf32>
    %reduce_sum3A_209 = vector.extract %reduce_sum3A_208[15] : f32 from vector<16xf32>
    %get3A_210 = arith.constant 192 : index
    %get3A_211 = tpu.vector_load %arg14[%get3A_210] {strides = array<i32>} : memref<768xf32, #tpu.memory_space<vmem>>, vector<16xf32>,
    %reduce_sum3A_212 = arith.constant true
    %reduce_sum3A_213 = vector.broadcast %reduce_sum3A_212 : i1 to vector<16xi1>
    %reduce_sum3A_214 = tpu.scan <sum>, %get3A_211 masked %reduce_sum3A_213 : vector<16xf32>, vector<16xi1> -> vector<16xf32>
    %reduce_sum3A_215 = vector.extract %reduce_sum3A_214[15] : f32 from vector<16xf32>
    %get3A_216 = arith.constant 208 : index
    %get3A_217 = tpu.vector_load %arg14[%get3A_216] {strides = array<i32>} : memref<768xf32, #tpu.memory_space<vmem>>, vector<16xf32>,
    %reduce_sum3A_218 = arith.constant true
    %reduce_sum3A_219 = vector.broadcast %reduce_sum3A_218 : i1 to vector<16xi1>
    %reduce_sum3A_220 = tpu.scan <sum>, %get3A_217 masked %reduce_sum3A_219 : vector<16xf32>, vector<16xi1> -> vector<16xf32>
    %reduce_sum3A_221 = vector.extract %reduce_sum3A_220[15] : f32 from vector<16xf32>
    %get3A_222 = arith.constant 224 : index
    %get3A_223 = tpu.vector_load %arg14[%get3A_222] {strides = array<i32>} : memref<768xf32, #tpu.memory_space<vmem>>, vector<16xf32>,
    %reduce_sum3A_224 = arith.constant true
    %reduce_sum3A_225 = vector.broadcast %reduce_sum3A_224 : i1 to vector<16xi1>
    %reduce_sum3A_226 = tpu.scan <sum>, %get3A_223 masked %reduce_sum3A_225 : vector<16xf32>, vector<16xi1> -> vector<16xf32>
    %reduce_sum3A_227 = vector.extract %reduce_sum3A_226[15] : f32 from vector<16xf32>
    %get3A_228 = arith.constant 240 : index
    %get3A_229 = tpu.vector_load %arg14[%get3A_228] {strides = array<i32>} : memref<768xf32, #tpu.memory_space<vmem>>, vector<16xf32>,
    %reduce_sum3A_230 = arith.constant true
    %reduce_sum3A_231 = vector.broadcast %reduce_sum3A_230 : i1 to vector<16xi1>
    %reduce_sum3A_232 = tpu.scan <sum>, %get3A_229 masked %reduce_sum3A_231 : vector<16xf32>, vector<16xi1> -> vector<16xf32>
    %reduce_sum3A_233 = vector.extract %reduce_sum3A_232[15] : f32 from vector<16xf32>
    %get3A_234 = arith.constant 256 : index
    %get3A_235 = tpu.vector_load %arg14[%get3A_234] {strides = array<i32>} : memref<768xf32, #tpu.memory_space<vmem>>, vector<16xf32>,
    %reduce_sum3A_236 = arith.constant true
    %reduce_sum3A_237 = vector.broadcast %reduce_sum3A_236 : i1 to vector<16xi1>
    %reduce_sum3A_238 = tpu.scan <sum>, %get3A_235 masked %reduce_sum3A_237 : vector<16xf32>, vector<16xi1> -> vector<16xf32>
    %reduce_sum3A_239 = vector.extract %reduce_sum3A_238[15] : f32 from vector<16xf32>
    %get3A_240 = arith.constant 272 : index
    %get3A_241 = tpu.vector_load %arg14[%get3A_240] {strides = array<i32>} : memref<768xf32, #tpu.memory_space<vmem>>, vector<16xf32>,
    %reduce_sum3A_242 = arith.constant true
    %reduce_sum3A_243 = vector.broadcast %reduce_sum3A_242 : i1 to vector<16xi1>
    %reduce_sum3A_244 = tpu.scan <sum>, %get3A_241 masked %reduce_sum3A_243 : vector<16xf32>, vector<16xi1> -> vector<16xf32>
    %reduce_sum3A_245 = vector.extract %reduce_sum3A_244[15] : f32 from vector<16xf32>
    %get3A_246 = arith.constant 288 : index
    %get3A_247 = tpu.vector_load %arg14[%get3A_246] {strides = array<i32>} : memref<768xf32, #tpu.memory_space<vmem>>, vector<16xf32>,
    %reduce_sum3A_248 = arith.constant true
    %reduce_sum3A_249 = vector.broadcast %reduce_sum3A_248 : i1 to vector<16xi1>
    %reduce_sum3A_250 = tpu.scan <sum>, %get3A_247 masked %reduce_sum3A_249 : vector<16xf32>, vector<16xi1> -> vector<16xf32>
    %reduce_sum3A_251 = vector.extract %reduce_sum3A_250[15] : f32 from vector<16xf32>
    %get3A_252 = arith.constant 304 : index
    %get3A_253 = tpu.vector_load %arg14[%get3A_252] {strides = array<i32>} : memref<768xf32, #tpu.memory_space<vmem>>, vector<16xf32>,
    %reduce_sum3A_254 = arith.constant true
    %reduce_sum3A_255 = vector.broadcast %reduce_sum3A_254 : i1 to vector<16xi1>
    %reduce_sum3A_256 = tpu.scan <sum>, %get3A_253 masked %reduce_sum3A_255 : vector<16xf32>, vector<16xi1> -> vector<16xf32>
    %reduce_sum3A_257 = vector.extract %reduce_sum3A_256[15] : f32 from vector<16xf32>
    %get3A_258 = arith.constant 320 : index
    %get3A_259 = tpu.vector_load %arg14[%get3A_258] {strides = array<i32>} : memref<768xf32, #tpu.memory_space<vmem>>, vector<16xf32>,
    %reduce_sum3A_260 = arith.constant true
    %reduce_sum3A_261 = vector.broadcast %reduce_sum3A_260 : i1 to vector<16xi1>
    %reduce_sum3A_262 = tpu.scan <sum>, %get3A_259 masked %reduce_sum3A_261 : vector<16xf32>, vector<16xi1> -> vector<16xf32>
    %reduce_sum3A_263 = vector.extract %reduce_sum3A_262[15] : f32 from vector<16xf32>
    %get3A_264 = arith.constant 336 : index
    %get3A_265 = tpu.vector_load %arg14[%get3A_264] {strides = array<i32>} : memref<768xf32, #tpu.memory_space<vmem>>, vector<16xf32>,
    %reduce_sum3A_266 = arith.constant true
    %reduce_sum3A_267 = vector.broadcast %reduce_sum3A_266 : i1 to vector<16xi1>
    %reduce_sum3A_268 = tpu.scan <sum>, %get3A_265 masked %reduce_sum3A_267 : vector<16xf32>, vector<16xi1> -> vector<16xf32>
    %reduce_sum3A_269 = vector.extract %reduce_sum3A_268[15] : f32 from vector<16xf32>
    %get3A_270 = arith.constant 352 : index
    %get3A_271 = tpu.vector_load %arg14[%get3A_270] {strides = array<i32>} : memref<768xf32, #tpu.memory_space<vmem>>, vector<16xf32>,
    %reduce_sum3A_272 = arith.constant true
    %reduce_sum3A_273 = vector.broadcast %reduce_sum3A_272 : i1 to vector<16xi1>
    %reduce_sum3A_274 = tpu.scan <sum>, %get3A_271 masked %reduce_sum3A_273 : vector<16xf32>, vector<16xi1> -> vector<16xf32>
    %reduce_sum3A_275 = vector.extract %reduce_sum3A_274[15] : f32 from vector<16xf32>
    %get3A_276 = arith.constant 368 : index
    %get3A_277 = tpu.vector_load %arg14[%get3A_276] {strides = array<i32>} : memref<768xf32, #tpu.memory_space<vmem>>, vector<16xf32>,
    %reduce_sum3A_278 = arith.constant true
    %reduce_sum3A_279 = vector.broadcast %reduce_sum3A_278 : i1 to vector<16xi1>
    %reduce_sum3A_280 = tpu.scan <sum>, %get3A_277 masked %reduce_sum3A_279 : vector<16xf32>, vector<16xi1> -> vector<16xf32>
    %reduce_sum3A_281 = vector.extract %reduce_sum3A_280[15] : f32 from vector<16xf32>
    %get3A_282 = arith.constant 384 : index
    %get3A_283 = tpu.vector_load %arg14[%get3A_282] {strides = array<i32>} : memref<768xf32, #tpu.memory_space<vmem>>, vector<16xf32>,
    %reduce_sum3A_284 = arith.constant true
    %reduce_sum3A_285 = vector.broadcast %reduce_sum3A_284 : i1 to vector<16xi1>
    %reduce_sum3A_286 = tpu.scan <sum>, %get3A_283 masked %reduce_sum3A_285 : vector<16xf32>, vector<16xi1> -> vector<16xf32>
    %reduce_sum3A_287 = vector.extract %reduce_sum3A_286[15] : f32 from vector<16xf32>
    %get3A_288 = arith.constant 400 : index
    %get3A_289 = tpu.vector_load %arg14[%get3A_288] {strides = array<i32>} : memref<768xf32, #tpu.memory_space<vmem>>, vector<16xf32>,
    %reduce_sum3A_290 = arith.constant true
    %reduce_sum3A_291 = vector.broadcast %reduce_sum3A_290 : i1 to vector<16xi1>
    %reduce_sum3A_292 = tpu.scan <sum>, %get3A_289 masked %reduce_sum3A_291 : vector<16xf32>, vector<16xi1> -> vector<16xf32>
    %reduce_sum3A_293 = vector.extract %reduce_sum3A_292[15] : f32 from vector<16xf32>
    %get3A_294 = arith.constant 416 : index
    %get3A_295 = tpu.vector_load %arg14[%get3A_294] {strides = array<i32>} : memref<768xf32, #tpu.memory_space<vmem>>, vector<16xf32>,
    %reduce_sum3A_296 = arith.constant true
    %reduce_sum3A_297 = vector.broadcast %reduce_sum3A_296 : i1 to vector<16xi1>
    %reduce_sum3A_298 = tpu.scan <sum>, %get3A_295 masked %reduce_sum3A_297 : vector<16xf32>, vector<16xi1> -> vector<16xf32>
    %reduce_sum3A_299 = vector.extract %reduce_sum3A_298[15] : f32 from vector<16xf32>
    %get3A_300 = arith.constant 432 : index
    %get3A_301 = tpu.vector_load %arg14[%get3A_300] {strides = array<i32>} : memref<768xf32, #tpu.memory_space<vmem>>, vector<16xf32>,
    %reduce_sum3A_302 = arith.constant true
    %reduce_sum3A_303 = vector.broadcast %reduce_sum3A_302 : i1 to vector<16xi1>
    %reduce_sum3A_304 = tpu.scan <sum>, %get3A_301 masked %reduce_sum3A_303 : vector<16xf32>, vector<16xi1> -> vector<16xf32>
    %reduce_sum3A_305 = vector.extract %reduce_sum3A_304[15] : f32 from vector<16xf32>
    %get3A_306 = arith.constant 448 : index
    %get3A_307 = tpu.vector_load %arg14[%get3A_306] {strides = array<i32>} : memref<768xf32, #tpu.memory_space<vmem>>, vector<16xf32>,
    %reduce_sum3A_308 = arith.constant true
    %reduce_sum3A_309 = vector.broadcast %reduce_sum3A_308 : i1 to vector<16xi1>
    %reduce_sum3A_310 = tpu.scan <sum>, %get3A_307 masked %reduce_sum3A_309 : vector<16xf32>, vector<16xi1> -> vector<16xf32>
    %reduce_sum3A_311 = vector.extract %reduce_sum3A_310[15] : f32 from vector<16xf32>
    %get3A_312 = arith.constant 464 : index
    %get3A_313 = tpu.vector_load %arg14[%get3A_312] {strides = array<i32>} : memref<768xf32, #tpu.memory_space<vmem>>, vector<16xf32>,
    %reduce_sum3A_314 = arith.constant true
    %reduce_sum3A_315 = vector.broadcast %reduce_sum3A_314 : i1 to vector<16xi1>
    %reduce_sum3A_316 = tpu.scan <sum>, %get3A_313 masked %reduce_sum3A_315 : vector<16xf32>, vector<16xi1> -> vector<16xf32>
    %reduce_sum3A_317 = vector.extract %reduce_sum3A_316[15] : f32 from vector<16xf32>
    %get3A_318 = arith.constant 480 : index
    %get3A_319 = tpu.vector_load %arg14[%get3A_318] {strides = array<i32>} : memref<768xf32, #tpu.memory_space<vmem>>, vector<16xf32>,
    %reduce_sum3A_320 = arith.constant true
    %reduce_sum3A_321 = vector.broadcast %reduce_sum3A_320 : i1 to vector<16xi1>
    %reduce_sum3A_322 = tpu.scan <sum>, %get3A_319 masked %reduce_sum3A_321 : vector<16xf32>, vector<16xi1> -> vector<16xf32>
    %reduce_sum3A_323 = vector.extract %reduce_sum3A_322[15] : f32 from vector<16xf32>
    %get3A_324 = arith.constant 496 : index
    %get3A_325 = tpu.vector_load %arg14[%get3A_324] {strides = array<i32>} : memref<768xf32, #tpu.memory_space<vmem>>, vector<16xf32>,
    %reduce_sum3A_326 = arith.constant true
    %reduce_sum3A_327 = vector.broadcast %reduce_sum3A_326 : i1 to vector<16xi1>
    %reduce_sum3A_328 = tpu.scan <sum>, %get3A_325 masked %reduce_sum3A_327 : vector<16xf32>, vector<16xi1> -> vector<16xf32>
    %reduce_sum3A_329 = vector.extract %reduce_sum3A_328[15] : f32 from vector<16xf32>
    %get3A_330 = arith.constant 512 : index
    %get3A_331 = tpu.vector_load %arg14[%get3A_330] {strides = array<i32>} : memref<768xf32, #tpu.memory_space<vmem>>, vector<16xf32>,
    %reduce_sum3A_332 = arith.constant true
    %reduce_sum3A_333 = vector.broadcast %reduce_sum3A_332 : i1 to vector<16xi1>
    %reduce_sum3A_334 = tpu.scan <sum>, %get3A_331 masked %reduce_sum3A_333 : vector<16xf32>, vector<16xi1> -> vector<16xf32>
    %reduce_sum3A_335 = vector.extract %reduce_sum3A_334[15] : f32 from vector<16xf32>
    %get3A_336 = arith.constant 528 : index
    %get3A_337 = tpu.vector_load %arg14[%get3A_336] {strides = array<i32>} : memref<768xf32, #tpu.memory_space<vmem>>, vector<16xf32>,
    %reduce_sum3A_338 = arith.constant true
    %reduce_sum3A_339 = vector.broadcast %reduce_sum3A_338 : i1 to vector<16xi1>
    %reduce_sum3A_340 = tpu.scan <sum>, %get3A_337 masked %reduce_sum3A_339 : vector<16xf32>, vector<16xi1> -> vector<16xf32>
    %reduce_sum3A_341 = vector.extract %reduce_sum3A_340[15] : f32 from vector<16xf32>
    %get3A_342 = arith.constant 544 : index
    %get3A_343 = tpu.vector_load %arg14[%get3A_342] {strides = array<i32>} : memref<768xf32, #tpu.memory_space<vmem>>, vector<16xf32>,
    %reduce_sum3A_344 = arith.constant true
    %reduce_sum3A_345 = vector.broadcast %reduce_sum3A_344 : i1 to vector<16xi1>
    %reduce_sum3A_346 = tpu.scan <sum>, %get3A_343 masked %reduce_sum3A_345 : vector<16xf32>, vector<16xi1> -> vector<16xf32>
    %reduce_sum3A_347 = vector.extract %reduce_sum3A_346[15] : f32 from vector<16xf32>
    %get3A_348 = arith.constant 560 : index
    %get3A_349 = tpu.vector_load %arg14[%get3A_348] {strides = array<i32>} : memref<768xf32, #tpu.memory_space<vmem>>, vector<16xf32>,
    %reduce_sum3A_350 = arith.constant true
    %reduce_sum3A_351 = vector.broadcast %reduce_sum3A_350 : i1 to vector<16xi1>
    %reduce_sum3A_352 = tpu.scan <sum>, %get3A_349 masked %reduce_sum3A_351 : vector<16xf32>, vector<16xi1> -> vector<16xf32>
    %reduce_sum3A_353 = vector.extract %reduce_sum3A_352[15] : f32 from vector<16xf32>
    %get3A_354 = arith.constant 576 : index
    %get3A_355 = tpu.vector_load %arg14[%get3A_354] {strides = array<i32>} : memref<768xf32, #tpu.memory_space<vmem>>, vector<16xf32>,
    %reduce_sum3A_356 = arith.constant true
    %reduce_sum3A_357 = vector.broadcast %reduce_sum3A_356 : i1 to vector<16xi1>
    %reduce_sum3A_358 = tpu.scan <sum>, %get3A_355 masked %reduce_sum3A_357 : vector<16xf32>, vector<16xi1> -> vector<16xf32>
    %reduce_sum3A_359 = vector.extract %reduce_sum3A_358[15] : f32 from vector<16xf32>
    %get3A_360 = arith.constant 592 : index
    %get3A_361 = tpu.vector_load %arg14[%get3A_360] {strides = array<i32>} : memref<768xf32, #tpu.memory_space<vmem>>, vector<16xf32>,
    %reduce_sum3A_362 = arith.constant true
    %reduce_sum3A_363 = vector.broadcast %reduce_sum3A_362 : i1 to vector<16xi1>
    %reduce_sum3A_364 = tpu.scan <sum>, %get3A_361 masked %reduce_sum3A_363 : vector<16xf32>, vector<16xi1> -> vector<16xf32>
    %reduce_sum3A_365 = vector.extract %reduce_sum3A_364[15] : f32 from vector<16xf32>
    %get3A_366 = arith.constant 608 : index
    %get3A_367 = tpu.vector_load %arg14[%get3A_366] {strides = array<i32>} : memref<768xf32, #tpu.memory_space<vmem>>, vector<16xf32>,
    %reduce_sum3A_368 = arith.constant true
    %reduce_sum3A_369 = vector.broadcast %reduce_sum3A_368 : i1 to vector<16xi1>
    %reduce_sum3A_370 = tpu.scan <sum>, %get3A_367 masked %reduce_sum3A_369 : vector<16xf32>, vector<16xi1> -> vector<16xf32>
    %reduce_sum3A_371 = vector.extract %reduce_sum3A_370[15] : f32 from vector<16xf32>
    %get3A_372 = arith.constant 624 : index
    %get3A_373 = tpu.vector_load %arg14[%get3A_372] {strides = array<i32>} : memref<768xf32, #tpu.memory_space<vmem>>, vector<16xf32>,
    %reduce_sum3A_374 = arith.constant true
    %reduce_sum3A_375 = vector.broadcast %reduce_sum3A_374 : i1 to vector<16xi1>
    %reduce_sum3A_376 = tpu.scan <sum>, %get3A_373 masked %reduce_sum3A_375 : vector<16xf32>, vector<16xi1> -> vector<16xf32>
    %reduce_sum3A_377 = vector.extract %reduce_sum3A_376[15] : f32 from vector<16xf32>
    %get3A_378 = arith.constant 640 : index
    %get3A_379 = tpu.vector_load %arg14[%get3A_378] {strides = array<i32>} : memref<768xf32, #tpu.memory_space<vmem>>, vector<16xf32>,
    %reduce_sum3A_380 = arith.constant true
    %reduce_sum3A_381 = vector.broadcast %reduce_sum3A_380 : i1 to vector<16xi1>
    %reduce_sum3A_382 = tpu.scan <sum>, %get3A_379 masked %reduce_sum3A_381 : vector<16xf32>, vector<16xi1> -> vector<16xf32>
    %reduce_sum3A_383 = vector.extract %reduce_sum3A_382[15] : f32 from vector<16xf32>
    %get3A_384 = arith.constant 656 : index
    %get3A_385 = tpu.vector_load %arg14[%get3A_384] {strides = array<i32>} : memref<768xf32, #tpu.memory_space<vmem>>, vector<16xf32>,
    %reduce_sum3A_386 = arith.constant true
    %reduce_sum3A_387 = vector.broadcast %reduce_sum3A_386 : i1 to vector<16xi1>
    %reduce_sum3A_388 = tpu.scan <sum>, %get3A_385 masked %reduce_sum3A_387 : vector<16xf32>, vector<16xi1> -> vector<16xf32>
    %reduce_sum3A_389 = vector.extract %reduce_sum3A_388[15] : f32 from vector<16xf32>
    %get3A_390 = arith.constant 672 : index
    %get3A_391 = tpu.vector_load %arg14[%get3A_390] {strides = array<i32>} : memref<768xf32, #tpu.memory_space<vmem>>, vector<16xf32>,
    %reduce_sum3A_392 = arith.constant true
    %reduce_sum3A_393 = vector.broadcast %reduce_sum3A_392 : i1 to vector<16xi1>
    %reduce_sum3A_394 = tpu.scan <sum>, %get3A_391 masked %reduce_sum3A_393 : vector<16xf32>, vector<16xi1> -> vector<16xf32>
    %reduce_sum3A_395 = vector.extract %reduce_sum3A_394[15] : f32 from vector<16xf32>
    %get3A_396 = arith.constant 688 : index
    %get3A_397 = tpu.vector_load %arg14[%get3A_396] {strides = array<i32>} : memref<768xf32, #tpu.memory_space<vmem>>, vector<16xf32>,
    %reduce_sum3A_398 = arith.constant true
    %reduce_sum3A_399 = vector.broadcast %reduce_sum3A_398 : i1 to vector<16xi1>
    %reduce_sum3A_400 = tpu.scan <sum>, %get3A_397 masked %reduce_sum3A_399 : vector<16xf32>, vector<16xi1> -> vector<16xf32>
    %reduce_sum3A_401 = vector.extract %reduce_sum3A_400[15] : f32 from vector<16xf32>
    %get3A_402 = arith.constant 704 : index
    %get3A_403 = tpu.vector_load %arg14[%get3A_402] {strides = array<i32>} : memref<768xf32, #tpu.memory_space<vmem>>, vector<16xf32>,
    %reduce_sum3A_404 = arith.constant true
    %reduce_sum3A_405 = vector.broadcast %reduce_sum3A_404 : i1 to vector<16xi1>
    %reduce_sum3A_406 = tpu.scan <sum>, %get3A_403 masked %reduce_sum3A_405 : vector<16xf32>, vector<16xi1> -> vector<16xf32>
    %reduce_sum3A_407 = vector.extract %reduce_sum3A_406[15] : f32 from vector<16xf32>
    %get3A_408 = arith.constant 720 : index
    %get3A_409 = tpu.vector_load %arg14[%get3A_408] {strides = array<i32>} : memref<768xf32, #tpu.memory_space<vmem>>, vector<16xf32>,
    %reduce_sum3A_410 = arith.constant true
    %reduce_sum3A_411 = vector.broadcast %reduce_sum3A_410 : i1 to vector<16xi1>
    %reduce_sum3A_412 = tpu.scan <sum>, %get3A_409 masked %reduce_sum3A_411 : vector<16xf32>, vector<16xi1> -> vector<16xf32>
    %reduce_sum3A_413 = vector.extract %reduce_sum3A_412[15] : f32 from vector<16xf32>
    %get3A_414 = arith.constant 736 : index
    %get3A_415 = tpu.vector_load %arg14[%get3A_414] {strides = array<i32>} : memref<768xf32, #tpu.memory_space<vmem>>, vector<16xf32>,
    %reduce_sum3A_416 = arith.constant true
    %reduce_sum3A_417 = vector.broadcast %reduce_sum3A_416 : i1 to vector<16xi1>
    %reduce_sum3A_418 = tpu.scan <sum>, %get3A_415 masked %reduce_sum3A_417 : vector<16xf32>, vector<16xi1> -> vector<16xf32>
    %reduce_sum3A_419 = vector.extract %reduce_sum3A_418[15] : f32 from vector<16xf32>
    %get3A_420 = arith.constant 752 : index
    %get3A_421 = tpu.vector_load %arg14[%get3A_420] {strides = array<i32>} : memref<768xf32, #tpu.memory_space<vmem>>, vector<16xf32>,
    %reduce_sum3A_422 = arith.constant true
    %reduce_sum3A_423 = vector.broadcast %reduce_sum3A_422 : i1 to vector<16xi1>
    %reduce_sum3A_424 = tpu.scan <sum>, %get3A_421 masked %reduce_sum3A_423 : vector<16xf32>, vector<16xi1> -> vector<16xf32>
    %reduce_sum3A_425 = vector.extract %reduce_sum3A_424[15] : f32 from vector<16xf32>
    %add3A_426 = arith.constant 0.000000e+00 : f32
    %add3A_427 = arith.addf %add3A_426, %reduce_sum3A_179 : f32
    %add3A_428 = arith.addf %add3A_427, %reduce_sum3A_215 : f32
    %add3A_429 = arith.addf %add3A_428, %reduce_sum3A_251 : f32
    %add3A_430 = arith.addf %add3A_429, %reduce_sum3A_287 : f32
    %add3A_431 = arith.addf %add3A_430, %reduce_sum3A_323 : f32
    %add3A_432 = arith.addf %add3A_431, %reduce_sum3A_359 : f32
    %add3A_433 = arith.addf %add3A_432, %reduce_sum3A_395 : f32
    %sub3A_434 = arith.constant 6.553600e+04 : f32
    %sub3A_435 = arith.subf %sub3A_434, %add3A_433 : f32
    %add3A_436 = arith.constant 0.000000e+00 : f32
    %add3A_437 = arith.addf %add3A_436, %reduce_sum3A_185 : f32
    %add3A_438 = arith.addf %add3A_437, %reduce_sum3A_221 : f32
    %add3A_439 = arith.addf %add3A_438, %reduce_sum3A_257 : f32
    %add3A_440 = arith.addf %add3A_439, %reduce_sum3A_293 : f32
    %add3A_441 = arith.addf %add3A_440, %reduce_sum3A_329 : f32
    %add3A_442 = arith.addf %add3A_441, %reduce_sum3A_365 : f32
    %add3A_443 = arith.addf %add3A_442, %reduce_sum3A_401 : f32
    %sub3A_444 = arith.constant 6.553600e+04 : f32
    %sub3A_445 = arith.subf %sub3A_444, %add3A_443 : f32
    %eq3A_446 = arith.constant 0 : i32
    %eq3A_447 = vector.broadcast %eq3A_446 : i32 to vector<16xi32>
    %eq3A_448 = arith.cmpi eq, %iota3A, %eq3A_447 : vector<16xi32>
    %broadcast_in_dim3A_449 = vector.broadcast %sub3A_435 : f32 to vector<16xf32>
    %select_n3A_450 = arith.select %eq3A_448, %broadcast_in_dim3A_449, %broadcast_in_dim3A_37 : vector<16xi1>, vector<16xf32>
    %eq3A_451 = arith.constant 1 : i32
    %eq3A_452 = vector.broadcast %eq3A_451 : i32 to vector<16xi32>
    %eq3A_453 = arith.cmpi eq, %iota3A, %eq3A_452 : vector<16xi32>
    %broadcast_in_dim3A_454 = vector.broadcast %sub3A_445 : f32 to vector<16xf32>
    %select_n3A_455 = arith.select %eq3A_453, %broadcast_in_dim3A_454, %select_n3A_450 : vector<16xi1>, vector<16xf32>
    %eq3A_456 = arith.constant 2 : i32
    %eq3A_457 = vector.broadcast %eq3A_456 : i32 to vector<16xi32>
    %eq3A_458 = arith.cmpi eq, %iota3A, %eq3A_457 : vector<16xi32>
    %broadcast_in_dim3A_459 = vector.broadcast %reduce_sum3A_155 : f32 to vector<16xf32>
    %select_n3A_460 = arith.select %eq3A_458, %broadcast_in_dim3A_459, %select_n3A_455 : vector<16xi1>, vector<16xf32>
    %eq3A_461 = arith.constant 3 : i32
    %eq3A_462 = vector.broadcast %eq3A_461 : i32 to vector<16xi32>
    %eq3A_463 = arith.cmpi eq, %iota3A, %eq3A_462 : vector<16xi32>
    %broadcast_in_dim3A_464 = vector.broadcast %reduce_sum3A_161 : f32 to vector<16xf32>
    %select_n3A_465 = arith.select %eq3A_463, %broadcast_in_dim3A_464, %select_n3A_460 : vector<16xi1>, vector<16xf32>
    %eq3A_466 = arith.constant 4 : i32
    %eq3A_467 = vector.broadcast %eq3A_466 : i32 to vector<16xi32>
    %eq3A_468 = arith.cmpi eq, %iota3A, %eq3A_467 : vector<16xi32>
    %broadcast_in_dim3A_469 = vector.broadcast %reduce_sum3A_167 : f32 to vector<16xf32>
    %select_n3A_470 = arith.select %eq3A_468, %broadcast_in_dim3A_469, %select_n3A_465 : vector<16xi1>, vector<16xf32>
    %eq3A_471 = arith.constant 5 : i32
    %eq3A_472 = vector.broadcast %eq3A_471 : i32 to vector<16xi32>
    %eq3A_473 = arith.cmpi eq, %iota3A, %eq3A_472 : vector<16xi32>
    %broadcast_in_dim3A_474 = vector.broadcast %reduce_sum3A_173 : f32 to vector<16xf32>
    %select_n3A_475 = arith.select %eq3A_473, %broadcast_in_dim3A_474, %select_n3A_470 : vector<16xi1>, vector<16xf32>
    %eq3A_476 = arith.constant 6 : i32
    %eq3A_477 = vector.broadcast %eq3A_476 : i32 to vector<16xi32>
    %eq3A_478 = arith.cmpi eq, %iota3A, %eq3A_477 : vector<16xi32>
    %broadcast_in_dim3A_479 = vector.broadcast %reduce_sum3A_179 : f32 to vector<16xf32>
    %select_n3A_480 = arith.select %eq3A_478, %broadcast_in_dim3A_479, %select_n3A_475 : vector<16xi1>, vector<16xf32>
    %eq3A_481 = arith.constant 7 : i32
    %eq3A_482 = vector.broadcast %eq3A_481 : i32 to vector<16xi32>
    %eq3A_483 = arith.cmpi eq, %iota3A, %eq3A_482 : vector<16xi32>
    %broadcast_in_dim3A_484 = vector.broadcast %reduce_sum3A_185 : f32 to vector<16xf32>
    %select_n3A_485 = arith.select %eq3A_483, %broadcast_in_dim3A_484, %select_n3A_480 : vector<16xi1>, vector<16xf32>
    %eq3A_486 = arith.constant 8 : i32
    %eq3A_487 = vector.broadcast %eq3A_486 : i32 to vector<16xi32>
    %eq3A_488 = arith.cmpi eq, %iota3A, %eq3A_487 : vector<16xi32>
    %broadcast_in_dim3A_489 = vector.broadcast %reduce_sum3A_191 : f32 to vector<16xf32>
    %select_n3A_490 = arith.select %eq3A_488, %broadcast_in_dim3A_489, %select_n3A_485 : vector<16xi1>, vector<16xf32>
    %eq3A_491 = arith.constant 9 : i32
    %eq3A_492 = vector.broadcast %eq3A_491 : i32 to vector<16xi32>
    %eq3A_493 = arith.cmpi eq, %iota3A, %eq3A_492 : vector<16xi32>
    %broadcast_in_dim3A_494 = vector.broadcast %reduce_sum3A_197 : f32 to vector<16xf32>
    %select_n3A_495 = arith.select %eq3A_493, %broadcast_in_dim3A_494, %select_n3A_490 : vector<16xi1>, vector<16xf32>
    %eq3A_496 = arith.constant 10 : i32
    %eq3A_497 = vector.broadcast %eq3A_496 : i32 to vector<16xi32>
    %eq3A_498 = arith.cmpi eq, %iota3A, %eq3A_497 : vector<16xi32>
    %broadcast_in_dim3A_499 = vector.broadcast %reduce_sum3A_203 : f32 to vector<16xf32>
    %select_n3A_500 = arith.select %eq3A_498, %broadcast_in_dim3A_499, %select_n3A_495 : vector<16xi1>, vector<16xf32>
    %eq3A_501 = arith.constant 11 : i32
    %eq3A_502 = vector.broadcast %eq3A_501 : i32 to vector<16xi32>
    %eq3A_503 = arith.cmpi eq, %iota3A, %eq3A_502 : vector<16xi32>
    %broadcast_in_dim3A_504 = vector.broadcast %reduce_sum3A_209 : f32 to vector<16xf32>
    %select_n3A_505 = arith.select %eq3A_503, %broadcast_in_dim3A_504, %select_n3A_500 : vector<16xi1>, vector<16xf32>
    %eq3A_506 = arith.constant 12 : i32
    %eq3A_507 = vector.broadcast %eq3A_506 : i32 to vector<16xi32>
    %eq3A_508 = arith.cmpi eq, %iota3A, %eq3A_507 : vector<16xi32>
    %broadcast_in_dim3A_509 = vector.broadcast %reduce_sum3A_215 : f32 to vector<16xf32>
    %select_n3A_510 = arith.select %eq3A_508, %broadcast_in_dim3A_509, %select_n3A_505 : vector<16xi1>, vector<16xf32>
    %eq3A_511 = arith.constant 13 : i32
    %eq3A_512 = vector.broadcast %eq3A_511 : i32 to vector<16xi32>
    %eq3A_513 = arith.cmpi eq, %iota3A, %eq3A_512 : vector<16xi32>
    %broadcast_in_dim3A_514 = vector.broadcast %reduce_sum3A_221 : f32 to vector<16xf32>
    %select_n3A_515 = arith.select %eq3A_513, %broadcast_in_dim3A_514, %select_n3A_510 : vector<16xi1>, vector<16xf32>
    %eq3A_516 = arith.constant 14 : i32
    %eq3A_517 = vector.broadcast %eq3A_516 : i32 to vector<16xi32>
    %eq3A_518 = arith.cmpi eq, %iota3A, %eq3A_517 : vector<16xi32>
    %broadcast_in_dim3A_519 = vector.broadcast %reduce_sum3A_227 : f32 to vector<16xf32>
    %select_n3A_520 = arith.select %eq3A_518, %broadcast_in_dim3A_519, %select_n3A_515 : vector<16xi1>, vector<16xf32>
    %eq3A_521 = arith.constant 15 : i32
    %eq3A_522 = vector.broadcast %eq3A_521 : i32 to vector<16xi32>
    %eq3A_523 = arith.cmpi eq, %iota3A, %eq3A_522 : vector<16xi32>
    %broadcast_in_dim3A_524 = vector.broadcast %reduce_sum3A_233 : f32 to vector<16xf32>
    %select_n3A_525 = arith.select %eq3A_523, %broadcast_in_dim3A_524, %select_n3A_520 : vector<16xi1>, vector<16xf32>
    %swap3A_526 = arith.constant 0 : index
    %swap3A_527 = tpu.vector_load %arg15[%swap3A_526] {strides = array<i32>} : memref<64xf32, #tpu.memory_space<vmem>>, vector<16xf32>,
    tpu.vector_store %arg15[%swap3A_526], %select_n3A_525 {strides = array<i32>} : memref<64xf32, #tpu.memory_space<vmem>>, vector<16xf32>,
    %eq3A_528 = arith.constant 0 : i32
    %eq3A_529 = vector.broadcast %eq3A_528 : i32 to vector<16xi32>
    %eq3A_530 = arith.cmpi eq, %iota3A, %eq3A_529 : vector<16xi32>
    %broadcast_in_dim3A_531 = vector.broadcast %reduce_sum3A_239 : f32 to vector<16xf32>
    %select_n3A_532 = arith.select %eq3A_530, %broadcast_in_dim3A_531, %broadcast_in_dim3A_37 : vector<16xi1>, vector<16xf32>
    %eq3A_533 = arith.constant 1 : i32
    %eq3A_534 = vector.broadcast %eq3A_533 : i32 to vector<16xi32>
    %eq3A_535 = arith.cmpi eq, %iota3A, %eq3A_534 : vector<16xi32>
    %broadcast_in_dim3A_536 = vector.broadcast %reduce_sum3A_245 : f32 to vector<16xf32>
    %select_n3A_537 = arith.select %eq3A_535, %broadcast_in_dim3A_536, %select_n3A_532 : vector<16xi1>, vector<16xf32>
    %eq3A_538 = arith.constant 2 : i32
    %eq3A_539 = vector.broadcast %eq3A_538 : i32 to vector<16xi32>
    %eq3A_540 = arith.cmpi eq, %iota3A, %eq3A_539 : vector<16xi32>
    %broadcast_in_dim3A_541 = vector.broadcast %reduce_sum3A_251 : f32 to vector<16xf32>
    %select_n3A_542 = arith.select %eq3A_540, %broadcast_in_dim3A_541, %select_n3A_537 : vector<16xi1>, vector<16xf32>
    %eq3A_543 = arith.constant 3 : i32
    %eq3A_544 = vector.broadcast %eq3A_543 : i32 to vector<16xi32>
    %eq3A_545 = arith.cmpi eq, %iota3A, %eq3A_544 : vector<16xi32>
    %broadcast_in_dim3A_546 = vector.broadcast %reduce_sum3A_257 : f32 to vector<16xf32>
    %select_n3A_547 = arith.select %eq3A_545, %broadcast_in_dim3A_546, %select_n3A_542 : vector<16xi1>, vector<16xf32>
    %eq3A_548 = arith.constant 4 : i32
    %eq3A_549 = vector.broadcast %eq3A_548 : i32 to vector<16xi32>
    %eq3A_550 = arith.cmpi eq, %iota3A, %eq3A_549 : vector<16xi32>
    %broadcast_in_dim3A_551 = vector.broadcast %reduce_sum3A_263 : f32 to vector<16xf32>
    %select_n3A_552 = arith.select %eq3A_550, %broadcast_in_dim3A_551, %select_n3A_547 : vector<16xi1>, vector<16xf32>
    %eq3A_553 = arith.constant 5 : i32
    %eq3A_554 = vector.broadcast %eq3A_553 : i32 to vector<16xi32>
    %eq3A_555 = arith.cmpi eq, %iota3A, %eq3A_554 : vector<16xi32>
    %broadcast_in_dim3A_556 = vector.broadcast %reduce_sum3A_269 : f32 to vector<16xf32>
    %select_n3A_557 = arith.select %eq3A_555, %broadcast_in_dim3A_556, %select_n3A_552 : vector<16xi1>, vector<16xf32>
    %eq3A_558 = arith.constant 6 : i32
    %eq3A_559 = vector.broadcast %eq3A_558 : i32 to vector<16xi32>
    %eq3A_560 = arith.cmpi eq, %iota3A, %eq3A_559 : vector<16xi32>
    %broadcast_in_dim3A_561 = vector.broadcast %reduce_sum3A_275 : f32 to vector<16xf32>
    %select_n3A_562 = arith.select %eq3A_560, %broadcast_in_dim3A_561, %select_n3A_557 : vector<16xi1>, vector<16xf32>
    %eq3A_563 = arith.constant 7 : i32
    %eq3A_564 = vector.broadcast %eq3A_563 : i32 to vector<16xi32>
    %eq3A_565 = arith.cmpi eq, %iota3A, %eq3A_564 : vector<16xi32>
    %broadcast_in_dim3A_566 = vector.broadcast %reduce_sum3A_281 : f32 to vector<16xf32>
    %select_n3A_567 = arith.select %eq3A_565, %broadcast_in_dim3A_566, %select_n3A_562 : vector<16xi1>, vector<16xf32>
    %eq3A_568 = arith.constant 8 : i32
    %eq3A_569 = vector.broadcast %eq3A_568 : i32 to vector<16xi32>
    %eq3A_570 = arith.cmpi eq, %iota3A, %eq3A_569 : vector<16xi32>
    %broadcast_in_dim3A_571 = vector.broadcast %reduce_sum3A_287 : f32 to vector<16xf32>
    %select_n3A_572 = arith.select %eq3A_570, %broadcast_in_dim3A_571, %select_n3A_567 : vector<16xi1>, vector<16xf32>
    %eq3A_573 = arith.constant 9 : i32
    %eq3A_574 = vector.broadcast %eq3A_573 : i32 to vector<16xi32>
    %eq3A_575 = arith.cmpi eq, %iota3A, %eq3A_574 : vector<16xi32>
    %broadcast_in_dim3A_576 = vector.broadcast %reduce_sum3A_293 : f32 to vector<16xf32>
    %select_n3A_577 = arith.select %eq3A_575, %broadcast_in_dim3A_576, %select_n3A_572 : vector<16xi1>, vector<16xf32>
    %eq3A_578 = arith.constant 10 : i32
    %eq3A_579 = vector.broadcast %eq3A_578 : i32 to vector<16xi32>
    %eq3A_580 = arith.cmpi eq, %iota3A, %eq3A_579 : vector<16xi32>
    %broadcast_in_dim3A_581 = vector.broadcast %reduce_sum3A_299 : f32 to vector<16xf32>
    %select_n3A_582 = arith.select %eq3A_580, %broadcast_in_dim3A_581, %select_n3A_577 : vector<16xi1>, vector<16xf32>
    %eq3A_583 = arith.constant 11 : i32
    %eq3A_584 = vector.broadcast %eq3A_583 : i32 to vector<16xi32>
    %eq3A_585 = arith.cmpi eq, %iota3A, %eq3A_584 : vector<16xi32>
    %broadcast_in_dim3A_586 = vector.broadcast %reduce_sum3A_305 : f32 to vector<16xf32>
    %select_n3A_587 = arith.select %eq3A_585, %broadcast_in_dim3A_586, %select_n3A_582 : vector<16xi1>, vector<16xf32>
    %eq3A_588 = arith.constant 12 : i32
    %eq3A_589 = vector.broadcast %eq3A_588 : i32 to vector<16xi32>
    %eq3A_590 = arith.cmpi eq, %iota3A, %eq3A_589 : vector<16xi32>
    %broadcast_in_dim3A_591 = vector.broadcast %reduce_sum3A_311 : f32 to vector<16xf32>
    %select_n3A_592 = arith.select %eq3A_590, %broadcast_in_dim3A_591, %select_n3A_587 : vector<16xi1>, vector<16xf32>
    %eq3A_593 = arith.constant 13 : i32
    %eq3A_594 = vector.broadcast %eq3A_593 : i32 to vector<16xi32>
    %eq3A_595 = arith.cmpi eq, %iota3A, %eq3A_594 : vector<16xi32>
    %broadcast_in_dim3A_596 = vector.broadcast %reduce_sum3A_317 : f32 to vector<16xf32>
    %select_n3A_597 = arith.select %eq3A_595, %broadcast_in_dim3A_596, %select_n3A_592 : vector<16xi1>, vector<16xf32>
    %eq3A_598 = arith.constant 14 : i32
    %eq3A_599 = vector.broadcast %eq3A_598 : i32 to vector<16xi32>
    %eq3A_600 = arith.cmpi eq, %iota3A, %eq3A_599 : vector<16xi32>
    %broadcast_in_dim3A_601 = vector.broadcast %reduce_sum3A_323 : f32 to vector<16xf32>
    %select_n3A_602 = arith.select %eq3A_600, %broadcast_in_dim3A_601, %select_n3A_597 : vector<16xi1>, vector<16xf32>
    %eq3A_603 = arith.constant 15 : i32
    %eq3A_604 = vector.broadcast %eq3A_603 : i32 to vector<16xi32>
    %eq3A_605 = arith.cmpi eq, %iota3A, %eq3A_604 : vector<16xi32>
    %broadcast_in_dim3A_606 = vector.broadcast %reduce_sum3A_329 : f32 to vector<16xf32>
    %select_n3A_607 = arith.select %eq3A_605, %broadcast_in_dim3A_606, %select_n3A_602 : vector<16xi1>, vector<16xf32>
    %swap3A_608 = arith.constant 16 : index
    %swap3A_609 = tpu.vector_load %arg15[%swap3A_608] {strides = array<i32>} : memref<64xf32, #tpu.memory_space<vmem>>, vector<16xf32>,
    tpu.vector_store %arg15[%swap3A_608], %select_n3A_607 {strides = array<i32>} : memref<64xf32, #tpu.memory_space<vmem>>, vector<16xf32>,
    %eq3A_610 = arith.constant 0 : i32
    %eq3A_611 = vector.broadcast %eq3A_610 : i32 to vector<16xi32>
    %eq3A_612 = arith.cmpi eq, %iota3A, %eq3A_611 : vector<16xi32>
    %broadcast_in_dim3A_613 = vector.broadcast %reduce_sum3A_335 : f32 to vector<16xf32>
    %select_n3A_614 = arith.select %eq3A_612, %broadcast_in_dim3A_613, %broadcast_in_dim3A_37 : vector<16xi1>, vector<16xf32>
    %eq3A_615 = arith.constant 1 : i32
    %eq3A_616 = vector.broadcast %eq3A_615 : i32 to vector<16xi32>
    %eq3A_617 = arith.cmpi eq, %iota3A, %eq3A_616 : vector<16xi32>
    %broadcast_in_dim3A_618 = vector.broadcast %reduce_sum3A_341 : f32 to vector<16xf32>
    %select_n3A_619 = arith.select %eq3A_617, %broadcast_in_dim3A_618, %select_n3A_614 : vector<16xi1>, vector<16xf32>
    %eq3A_620 = arith.constant 2 : i32
    %eq3A_621 = vector.broadcast %eq3A_620 : i32 to vector<16xi32>
    %eq3A_622 = arith.cmpi eq, %iota3A, %eq3A_621 : vector<16xi32>
    %broadcast_in_dim3A_623 = vector.broadcast %reduce_sum3A_347 : f32 to vector<16xf32>
    %select_n3A_624 = arith.select %eq3A_622, %broadcast_in_dim3A_623, %select_n3A_619 : vector<16xi1>, vector<16xf32>
    %eq3A_625 = arith.constant 3 : i32
    %eq3A_626 = vector.broadcast %eq3A_625 : i32 to vector<16xi32>
    %eq3A_627 = arith.cmpi eq, %iota3A, %eq3A_626 : vector<16xi32>
    %broadcast_in_dim3A_628 = vector.broadcast %reduce_sum3A_353 : f32 to vector<16xf32>
    %select_n3A_629 = arith.select %eq3A_627, %broadcast_in_dim3A_628, %select_n3A_624 : vector<16xi1>, vector<16xf32>
    %eq3A_630 = arith.constant 4 : i32
    %eq3A_631 = vector.broadcast %eq3A_630 : i32 to vector<16xi32>
    %eq3A_632 = arith.cmpi eq, %iota3A, %eq3A_631 : vector<16xi32>
    %broadcast_in_dim3A_633 = vector.broadcast %reduce_sum3A_359 : f32 to vector<16xf32>
    %select_n3A_634 = arith.select %eq3A_632, %broadcast_in_dim3A_633, %select_n3A_629 : vector<16xi1>, vector<16xf32>
    %eq3A_635 = arith.constant 5 : i32
    %eq3A_636 = vector.broadcast %eq3A_635 : i32 to vector<16xi32>
    %eq3A_637 = arith.cmpi eq, %iota3A, %eq3A_636 : vector<16xi32>
    %broadcast_in_dim3A_638 = vector.broadcast %reduce_sum3A_365 : f32 to vector<16xf32>
    %select_n3A_639 = arith.select %eq3A_637, %broadcast_in_dim3A_638, %select_n3A_634 : vector<16xi1>, vector<16xf32>
    %eq3A_640 = arith.constant 6 : i32
    %eq3A_641 = vector.broadcast %eq3A_640 : i32 to vector<16xi32>
    %eq3A_642 = arith.cmpi eq, %iota3A, %eq3A_641 : vector<16xi32>
    %broadcast_in_dim3A_643 = vector.broadcast %reduce_sum3A_371 : f32 to vector<16xf32>
    %select_n3A_644 = arith.select %eq3A_642, %broadcast_in_dim3A_643, %select_n3A_639 : vector<16xi1>, vector<16xf32>
    %eq3A_645 = arith.constant 7 : i32
    %eq3A_646 = vector.broadcast %eq3A_645 : i32 to vector<16xi32>
    %eq3A_647 = arith.cmpi eq, %iota3A, %eq3A_646 : vector<16xi32>
    %broadcast_in_dim3A_648 = vector.broadcast %reduce_sum3A_377 : f32 to vector<16xf32>
    %select_n3A_649 = arith.select %eq3A_647, %broadcast_in_dim3A_648, %select_n3A_644 : vector<16xi1>, vector<16xf32>
    %eq3A_650 = arith.constant 8 : i32
    %eq3A_651 = vector.broadcast %eq3A_650 : i32 to vector<16xi32>
    %eq3A_652 = arith.cmpi eq, %iota3A, %eq3A_651 : vector<16xi32>
    %broadcast_in_dim3A_653 = vector.broadcast %reduce_sum3A_383 : f32 to vector<16xf32>
    %select_n3A_654 = arith.select %eq3A_652, %broadcast_in_dim3A_653, %select_n3A_649 : vector<16xi1>, vector<16xf32>
    %eq3A_655 = arith.constant 9 : i32
    %eq3A_656 = vector.broadcast %eq3A_655 : i32 to vector<16xi32>
    %eq3A_657 = arith.cmpi eq, %iota3A, %eq3A_656 : vector<16xi32>
    %broadcast_in_dim3A_658 = vector.broadcast %reduce_sum3A_389 : f32 to vector<16xf32>
    %select_n3A_659 = arith.select %eq3A_657, %broadcast_in_dim3A_658, %select_n3A_654 : vector<16xi1>, vector<16xf32>
    %eq3A_660 = arith.constant 10 : i32
    %eq3A_661 = vector.broadcast %eq3A_660 : i32 to vector<16xi32>
    %eq3A_662 = arith.cmpi eq, %iota3A, %eq3A_661 : vector<16xi32>
    %broadcast_in_dim3A_663 = vector.broadcast %reduce_sum3A_395 : f32 to vector<16xf32>
    %select_n3A_664 = arith.select %eq3A_662, %broadcast_in_dim3A_663, %select_n3A_659 : vector<16xi1>, vector<16xf32>
    %eq3A_665 = arith.constant 11 : i32
    %eq3A_666 = vector.broadcast %eq3A_665 : i32 to vector<16xi32>
    %eq3A_667 = arith.cmpi eq, %iota3A, %eq3A_666 : vector<16xi32>
    %broadcast_in_dim3A_668 = vector.broadcast %reduce_sum3A_401 : f32 to vector<16xf32>
    %select_n3A_669 = arith.select %eq3A_667, %broadcast_in_dim3A_668, %select_n3A_664 : vector<16xi1>, vector<16xf32>
    %eq3A_670 = arith.constant 12 : i32
    %eq3A_671 = vector.broadcast %eq3A_670 : i32 to vector<16xi32>
    %eq3A_672 = arith.cmpi eq, %iota3A, %eq3A_671 : vector<16xi32>
    %broadcast_in_dim3A_673 = vector.broadcast %reduce_sum3A_407 : f32 to vector<16xf32>
    %select_n3A_674 = arith.select %eq3A_672, %broadcast_in_dim3A_673, %select_n3A_669 : vector<16xi1>, vector<16xf32>
    %eq3A_675 = arith.constant 13 : i32
    %eq3A_676 = vector.broadcast %eq3A_675 : i32 to vector<16xi32>
    %eq3A_677 = arith.cmpi eq, %iota3A, %eq3A_676 : vector<16xi32>
    %broadcast_in_dim3A_678 = vector.broadcast %reduce_sum3A_413 : f32 to vector<16xf32>
    %select_n3A_679 = arith.select %eq3A_677, %broadcast_in_dim3A_678, %select_n3A_674 : vector<16xi1>, vector<16xf32>
    %eq3A_680 = arith.constant 14 : i32
    %eq3A_681 = vector.broadcast %eq3A_680 : i32 to vector<16xi32>
    %eq3A_682 = arith.cmpi eq, %iota3A, %eq3A_681 : vector<16xi32>
    %broadcast_in_dim3A_683 = vector.broadcast %reduce_sum3A_419 : f32 to vector<16xf32>
    %select_n3A_684 = arith.select %eq3A_682, %broadcast_in_dim3A_683, %select_n3A_679 : vector<16xi1>, vector<16xf32>
    %eq3A_685 = arith.constant 15 : i32
    %eq3A_686 = vector.broadcast %eq3A_685 : i32 to vector<16xi32>
    %eq3A_687 = arith.cmpi eq, %iota3A, %eq3A_686 : vector<16xi32>
    %broadcast_in_dim3A_688 = vector.broadcast %reduce_sum3A_425 : f32 to vector<16xf32>
    %select_n3A_689 = arith.select %eq3A_687, %broadcast_in_dim3A_688, %select_n3A_684 : vector<16xi1>, vector<16xf32>
    %swap3A_690 = arith.constant 32 : index
    %swap3A_691 = tpu.vector_load %arg15[%swap3A_690] {strides = array<i32>} : memref<64xf32, #tpu.memory_space<vmem>>, vector<16xf32>,
    tpu.vector_store %arg15[%swap3A_690], %select_n3A_689 {strides = array<i32>} : memref<64xf32, #tpu.memory_space<vmem>>, vector<16xf32>,
    %swap3A_692 = arith.constant 48 : index
    %swap3A_693 = tpu.vector_load %arg15[%swap3A_692] {strides = array<i32>} : memref<64xf32, #tpu.memory_space<vmem>>, vector<16xf32>,
    tpu.vector_store %arg15[%swap3A_692], %broadcast_in_dim3A_37 {strides = array<i32>} : memref<64xf32, #tpu.memory_space<vmem>>, vector<16xf32>,
    %mul3A_694 = arith.constant 64 : i32
    %mul3A_695 = arith.muli %add3A, %mul3A_694 : i32
    "tpu.region"() ({
      %run_scoped3A = tpu.sem_alloc : memref<!tpu.dma_semaphore, #tpu.memory_space<semaphore_mem>>
      %dma_start3A = tpu.memref_slice %arg6[%mul3A_695] : memref<2048xf32, #tpu.memory_space<hbm>> -> memref<64xf32, #tpu.memory_space<hbm>>
      %dma_start3A_696 = tpu.memref_slice %arg6[%mul3A_695] : memref<2048xf32, #tpu.memory_space<hbm>> -> memref<64xf32, #tpu.memory_space<hbm>>
      tpu.enqueue_dma source(%arg15 : memref<64xf32, #tpu.memory_space<vmem>>) target(%dma_start3A_696 : memref<64xf32, #tpu.memory_space<hbm>>) target_semaphore(%run_scoped3A : memref<!tpu.dma_semaphore, #tpu.memory_space<semaphore_mem>>)
      %dma_wait3A = tpu.memref_slice %arg6[%mul3A_695] : memref<2048xf32, #tpu.memory_space<hbm>> -> memref<64xf32, #tpu.memory_space<hbm>>
      %dma_wait3A_697 = tpu.memref_slice %arg6[%mul3A_695] : memref<2048xf32, #tpu.memory_space<hbm>> -> memref<64xf32, #tpu.memory_space<hbm>>
      tpu.wait_dma2 semaphore(%run_scoped3A : memref<!tpu.dma_semaphore, #tpu.memory_space<semaphore_mem>>) src(%arg15 : memref<64xf32, #tpu.memory_space<vmem>>) dst(%dma_wait3A_697 : memref<64xf32, #tpu.memory_space<hbm>>)
      tpu.yield
    }) : () -> ()
    return
  }
}

module attributes {stable_mosaic.version = 14 : i64} {
  func.func @_pass2_body(%arg0: i32, %arg1: i32, %arg2: memref<1x8x6xf32, #tpu.memory_space<vmem>>, %arg3: memref<1x4x64x1024xf32, #tpu.memory_space<vmem>>, %arg4: memref<1x64x1024xf32, #tpu.memory_space<vmem>>, %arg5: memref<1x64x1024xf32, #tpu.memory_space<vmem>>, %arg6: memref<1x1x128xf32, #tpu.memory_space<vmem>>, %arg7: memref<8x1024xf32, #tpu.memory_space<vmem>>) attributes {dimension_semantics = [#tpu.dimension_semantics<arbitrary>, #tpu.dimension_semantics<arbitrary>], iteration_bounds = array<i64: 8, 4>, scalar_prefetch = 0 : i64, scratch_operands = 1 : i64, tpu.core_type = #tpu.core_type<tc>, window_params = [{transform_indices = @transform_0, window_bounds = array<i64: 1, 8, 6>}, {transform_indices = @transform_1, window_bounds = array<i64: 1, 4, 64, 1024>}, {transform_indices = @transform_2, window_bounds = array<i64: 1, 64, 1024>}, {transform_indices = @transform_3, window_bounds = array<i64: 1, 64, 1024>}, {transform_indices = @transform_4, window_bounds = array<i64: 1, 1, 128>}]} {
    %eq3A = arith.constant 0 : i32
    %eq3A_0 = arith.cmpi eq, %arg1, %eq3A : i32
    %convert_element_type3A = arith.extui %eq3A_0 : i1 to i32
    %cond3A = arith.constant 0 : i32
    %cond3A_1 = arith.cmpi ne, %convert_element_type3A, %cond3A : i32
    scf.if %cond3A_1 {
      %broadcast_in_dim3A_500 = arith.constant 0.000000e+00 : f32
      %broadcast_in_dim3A_501 = vector.broadcast %broadcast_in_dim3A_500 : f32 to vector<8x1024xf32>
      %swap3A_502 = arith.constant 0 : index
      %swap3A_503 = arith.constant 0 : index
      %swap3A_504 = vector.load %arg7[%swap3A_502, %swap3A_503] : memref<8x1024xf32, #tpu.memory_space<vmem>>, vector<8x1024xf32>
      tpu.vector_store %arg7[%swap3A_502, %swap3A_503], %broadcast_in_dim3A_501 {strides = array<i32>} : memref<8x1024xf32, #tpu.memory_space<vmem>>, vector<8x1024xf32>,
    } else {
    }
    %get3A = arith.constant 0 : index
    %get3A_2 = arith.constant 0 : index
    %get3A_3 = arith.constant 0 : index
    %get3A_4 = vector.load %arg2[%get3A, %get3A_2, %get3A_3] : memref<1x8x6xf32, #tpu.memory_space<vmem>>, vector<1x8x6xf32>
    %get3A_5 = vector.shape_cast %get3A_4 : vector<1x8x6xf32> to vector<8x6xf32>
    %slice3A = vector.extract_strided_slice %get3A_5 {offsets = [0, 0], sizes = [8, 1], strides = [1, 1]} : vector<8x6xf32> to vector<8x1xf32>
    %squeeze3A = vector.shape_cast %slice3A : vector<8x1xf32> to vector<8xf32>
    %reshape3A = vector.shape_cast %squeeze3A : vector<8xf32> to vector<1x8xf32>
    %slice3A_6 = vector.extract_strided_slice %get3A_5 {offsets = [0, 2], sizes = [8, 4], strides = [1, 1]} : vector<8x6xf32> to vector<8x4xf32>
    %max3A = arith.constant 1.000000e+00 : f32
    %max3A_7 = vector.broadcast %max3A : f32 to vector<1x8xf32>
    %max3A_8 = arith.maximumf %reshape3A, %max3A_7 : vector<1x8xf32>
    %reshape3A_9 = vector.shape_cast %max3A_8 : vector<1x8xf32> to vector<8x1xf32>
    %div3A = vector.broadcast %reshape3A_9 : vector<8x1xf32> to vector<8x4xf32>
    %div3A_10 = arith.divf %slice3A_6, %div3A : vector<8x4xf32>
    %iota3A = tpu.iota {dimensions = array<i32: 0>} : vector<8x4xi32>
    %eq3A_11 = arith.constant 0 : i32
    %eq3A_12 = vector.broadcast %eq3A_11 : i32 to vector<8x4xi32>
    %eq3A_13 = arith.cmpi eq, %iota3A, %eq3A_12 : vector<8x4xi32>
    %jit3A = arith.constant 0.000000e+00 : f32
    %broadcast_in_dim3A = vector.broadcast %jit3A : f32 to vector<8x4xf32>
    %select_n3A = arith.select %eq3A_13, %broadcast_in_dim3A, %div3A_10 : vector<8x4xi1>, vector<8x4xf32>
    %mul3A = arith.mulf %select_n3A, %select_n3A : vector<8x4xf32>
    %reduce_sum3A = arith.constant dense<0.000000e+00> : vector<8xf32>
    %reduce_sum3A_14 = vector.multi_reduction <add>, %mul3A, %reduce_sum3A [1] : vector<8x4xf32> to vector<8xf32>
    %reshape3A_15 = vector.shape_cast %reduce_sum3A_14 : vector<8xf32> to vector<1x8xf32>
    %get3A_16 = arith.constant 0 : index
    %get3A_17 = arith.constant 0 : index
    %get3A_18 = arith.constant 0 : index
    %get3A_19 = arith.constant 0 : index
    %get3A_20 = vector.load %arg3[%get3A_16, %get3A_17, %get3A_18, %get3A_19] : memref<1x4x64x1024xf32, #tpu.memory_space<vmem>>, vector<1x4x64x1024xf32>
    %get3A_21 = vector.shape_cast %get3A_20 : vector<1x4x64x1024xf32> to vector<4x64x1024xf32>
    %get3A_22 = arith.constant 0 : index
    %get3A_23 = arith.constant 0 : index
    %get3A_24 = arith.constant 0 : index
    %get3A_25 = vector.load %arg4[%get3A_22, %get3A_23, %get3A_24] : memref<1x64x1024xf32, #tpu.memory_space<vmem>>, vector<1x64x1024xf32>
    %get3A_26 = vector.shape_cast %get3A_25 : vector<1x64x1024xf32> to vector<64x1024xf32>
    %get3A_27 = arith.constant 0 : index
    %get3A_28 = arith.constant 0 : index
    %get3A_29 = arith.constant 0 : index
    %get3A_30 = vector.load %arg5[%get3A_27, %get3A_28, %get3A_29] : memref<1x64x1024xf32, #tpu.memory_space<vmem>>, vector<1x64x1024xf32>
    %get3A_31 = vector.shape_cast %get3A_30 : vector<1x64x1024xf32> to vector<64x1024xf32>
    %gt3A = arith.constant 5.000000e-01 : f32
    %gt3A_32 = vector.broadcast %gt3A : f32 to vector<64x1024xf32>
    %gt3A_33 = arith.cmpf ogt, %get3A_31, %gt3A_32 : vector<64x1024xf32>
    %jit3A_34 = arith.constant 0.000000e+00 : f32
    %broadcast_in_dim3A_35 = vector.broadcast %jit3A_34 : f32 to vector<64x1024xf32>
    %select_n3A_36 = arith.select %gt3A_33, %get3A_26, %broadcast_in_dim3A_35 : vector<64x1024xi1>, vector<64x1024xf32>
    %slice3A_37 = vector.extract_strided_slice %get3A_21 {offsets = [0, 0, 0], sizes = [1, 64, 1024], strides = [1, 1, 1]} : vector<4x64x1024xf32> to vector<1x64x1024xf32>
    %squeeze3A_38 = vector.shape_cast %slice3A_37 : vector<1x64x1024xf32> to vector<64x1024xf32>
    %slice3A_39 = vector.extract_strided_slice %get3A_21 {offsets = [0, 0, 0], sizes = [1, 64, 1024], strides = [1, 1, 1]} : vector<4x64x1024xf32> to vector<1x64x1024xf32>
    %squeeze3A_40 = vector.shape_cast %slice3A_39 : vector<1x64x1024xf32> to vector<64x1024xf32>
    %mul3A_41 = arith.mulf %squeeze3A_38, %squeeze3A_40 : vector<64x1024xf32>
    %slice3A_42 = vector.extract_strided_slice %get3A_21 {offsets = [1, 0, 0], sizes = [1, 64, 1024], strides = [1, 1, 1]} : vector<4x64x1024xf32> to vector<1x64x1024xf32>
    %squeeze3A_43 = vector.shape_cast %slice3A_42 : vector<1x64x1024xf32> to vector<64x1024xf32>
    %slice3A_44 = vector.extract_strided_slice %get3A_21 {offsets = [1, 0, 0], sizes = [1, 64, 1024], strides = [1, 1, 1]} : vector<4x64x1024xf32> to vector<1x64x1024xf32>
    %squeeze3A_45 = vector.shape_cast %slice3A_44 : vector<1x64x1024xf32> to vector<64x1024xf32>
    %mul3A_46 = arith.mulf %squeeze3A_43, %squeeze3A_45 : vector<64x1024xf32>
    %add3A = arith.addf %mul3A_41, %mul3A_46 : vector<64x1024xf32>
    %slice3A_47 = vector.extract_strided_slice %get3A_21 {offsets = [2, 0, 0], sizes = [1, 64, 1024], strides = [1, 1, 1]} : vector<4x64x1024xf32> to vector<1x64x1024xf32>
    %squeeze3A_48 = vector.shape_cast %slice3A_47 : vector<1x64x1024xf32> to vector<64x1024xf32>
    %slice3A_49 = vector.extract_strided_slice %get3A_21 {offsets = [2, 0, 0], sizes = [1, 64, 1024], strides = [1, 1, 1]} : vector<4x64x1024xf32> to vector<1x64x1024xf32>
    %squeeze3A_50 = vector.shape_cast %slice3A_49 : vector<1x64x1024xf32> to vector<64x1024xf32>
    %mul3A_51 = arith.mulf %squeeze3A_48, %squeeze3A_50 : vector<64x1024xf32>
    %add3A_52 = arith.addf %add3A, %mul3A_51 : vector<64x1024xf32>
    %slice3A_53 = vector.extract_strided_slice %get3A_21 {offsets = [3, 0, 0], sizes = [1, 64, 1024], strides = [1, 1, 1]} : vector<4x64x1024xf32> to vector<1x64x1024xf32>
    %squeeze3A_54 = vector.shape_cast %slice3A_53 : vector<1x64x1024xf32> to vector<64x1024xf32>
    %slice3A_55 = vector.extract_strided_slice %get3A_21 {offsets = [3, 0, 0], sizes = [1, 64, 1024], strides = [1, 1, 1]} : vector<4x64x1024xf32> to vector<1x64x1024xf32>
    %squeeze3A_56 = vector.shape_cast %slice3A_55 : vector<1x64x1024xf32> to vector<64x1024xf32>
    %mul3A_57 = arith.mulf %squeeze3A_54, %squeeze3A_56 : vector<64x1024xf32>
    %add3A_58 = arith.addf %add3A_52, %mul3A_57 : vector<64x1024xf32>
    %broadcast_in_dim3A_59 = arith.constant 0.000000e+00 : f32
    %broadcast_in_dim3A_60 = vector.broadcast %broadcast_in_dim3A_59 : f32 to vector<64x1024xf32>
    %broadcast_in_dim3A_61 = arith.constant 0.000000e+00 : f32
    %broadcast_in_dim3A_62 = vector.broadcast %broadcast_in_dim3A_61 : f32 to vector<64x1024xf32>
    %eq3A_63 = arith.constant 0.000000e+00 : f32
    %eq3A_64 = vector.broadcast %eq3A_63 : f32 to vector<64x1024xf32>
    %eq3A_65 = arith.cmpf oeq, %select_n3A_36, %eq3A_64 : vector<64x1024xf32>
    %convert_element_type3A_66 = arith.extui %eq3A_65 : vector<64x1024xi1> to vector<64x1024xi32>
    %convert_element_type3A_67 = arith.sitofp %convert_element_type3A_66 : vector<64x1024xi32> to vector<64x1024xf32>
    %slice3A_68 = vector.extract_strided_slice %get3A_21 {offsets = [0, 0, 0], sizes = [1, 64, 1024], strides = [1, 1, 1]} : vector<4x64x1024xf32> to vector<1x64x1024xf32>
    %squeeze3A_69 = vector.shape_cast %slice3A_68 : vector<1x64x1024xf32> to vector<64x1024xf32>
    %slice3A_70 = vector.extract_strided_slice %select_n3A {offsets = [0, 0], sizes = [1, 1], strides = [1, 1]} : vector<8x4xf32> to vector<1x1xf32>
    %squeeze3A_71 = vector.extract %slice3A_70[0, 0] : f32 from vector<1x1xf32>
    %mul3A_72 = vector.broadcast %squeeze3A_71 : f32 to vector<64x1024xf32>
    %mul3A_73 = arith.mulf %squeeze3A_69, %mul3A_72 : vector<64x1024xf32>
    %slice3A_74 = vector.extract_strided_slice %get3A_21 {offsets = [1, 0, 0], sizes = [1, 64, 1024], strides = [1, 1, 1]} : vector<4x64x1024xf32> to vector<1x64x1024xf32>
    %squeeze3A_75 = vector.shape_cast %slice3A_74 : vector<1x64x1024xf32> to vector<64x1024xf32>
    %slice3A_76 = vector.extract_strided_slice %select_n3A {offsets = [0, 1], sizes = [1, 1], strides = [1, 1]} : vector<8x4xf32> to vector<1x1xf32>
    %squeeze3A_77 = vector.extract %slice3A_76[0, 0] : f32 from vector<1x1xf32>
    %mul3A_78 = vector.broadcast %squeeze3A_77 : f32 to vector<64x1024xf32>
    %mul3A_79 = arith.mulf %squeeze3A_75, %mul3A_78 : vector<64x1024xf32>
    %add3A_80 = arith.addf %mul3A_73, %mul3A_79 : vector<64x1024xf32>
    %slice3A_81 = vector.extract_strided_slice %get3A_21 {offsets = [2, 0, 0], sizes = [1, 64, 1024], strides = [1, 1, 1]} : vector<4x64x1024xf32> to vector<1x64x1024xf32>
    %squeeze3A_82 = vector.shape_cast %slice3A_81 : vector<1x64x1024xf32> to vector<64x1024xf32>
    %slice3A_83 = vector.extract_strided_slice %select_n3A {offsets = [0, 2], sizes = [1, 1], strides = [1, 1]} : vector<8x4xf32> to vector<1x1xf32>
    %squeeze3A_84 = vector.extract %slice3A_83[0, 0] : f32 from vector<1x1xf32>
    %mul3A_85 = vector.broadcast %squeeze3A_84 : f32 to vector<64x1024xf32>
    %mul3A_86 = arith.mulf %squeeze3A_82, %mul3A_85 : vector<64x1024xf32>
    %add3A_87 = arith.addf %add3A_80, %mul3A_86 : vector<64x1024xf32>
    %slice3A_88 = vector.extract_strided_slice %get3A_21 {offsets = [3, 0, 0], sizes = [1, 64, 1024], strides = [1, 1, 1]} : vector<4x64x1024xf32> to vector<1x64x1024xf32>
    %squeeze3A_89 = vector.shape_cast %slice3A_88 : vector<1x64x1024xf32> to vector<64x1024xf32>
    %slice3A_90 = vector.extract_strided_slice %select_n3A {offsets = [0, 3], sizes = [1, 1], strides = [1, 1]} : vector<8x4xf32> to vector<1x1xf32>
    %squeeze3A_91 = vector.extract %slice3A_90[0, 0] : f32 from vector<1x1xf32>
    %mul3A_92 = vector.broadcast %squeeze3A_91 : f32 to vector<64x1024xf32>
    %mul3A_93 = arith.mulf %squeeze3A_89, %mul3A_92 : vector<64x1024xf32>
    %add3A_94 = arith.addf %add3A_87, %mul3A_93 : vector<64x1024xf32>
    %mul3A_95 = arith.mulf %convert_element_type3A_67, %add3A_94 : vector<64x1024xf32>
    %add3A_96 = arith.addf %broadcast_in_dim3A_60, %mul3A_95 : vector<64x1024xf32>
    %slice3A_97 = vector.extract_strided_slice %reshape3A_15 {offsets = [0, 0], sizes = [1, 1], strides = [1, 1]} : vector<1x8xf32> to vector<1x1xf32>
    %squeeze3A_98 = vector.extract %slice3A_97[0, 0] : f32 from vector<1x1xf32>
    %mul3A_99 = vector.broadcast %squeeze3A_98 : f32 to vector<64x1024xf32>
    %mul3A_100 = arith.mulf %convert_element_type3A_67, %mul3A_99 : vector<64x1024xf32>
    %add3A_101 = arith.addf %broadcast_in_dim3A_62, %mul3A_100 : vector<64x1024xf32>
    %eq3A_102 = arith.constant 1.000000e+00 : f32
    %eq3A_103 = vector.broadcast %eq3A_102 : f32 to vector<64x1024xf32>
    %eq3A_104 = arith.cmpf oeq, %select_n3A_36, %eq3A_103 : vector<64x1024xf32>
    %convert_element_type3A_105 = arith.extui %eq3A_104 : vector<64x1024xi1> to vector<64x1024xi32>
    %convert_element_type3A_106 = arith.sitofp %convert_element_type3A_105 : vector<64x1024xi32> to vector<64x1024xf32>
    %slice3A_107 = vector.extract_strided_slice %get3A_21 {offsets = [0, 0, 0], sizes = [1, 64, 1024], strides = [1, 1, 1]} : vector<4x64x1024xf32> to vector<1x64x1024xf32>
    %squeeze3A_108 = vector.shape_cast %slice3A_107 : vector<1x64x1024xf32> to vector<64x1024xf32>
    %slice3A_109 = vector.extract_strided_slice %select_n3A {offsets = [1, 0], sizes = [1, 1], strides = [1, 1]} : vector<8x4xf32> to vector<1x1xf32>
    %squeeze3A_110 = vector.extract %slice3A_109[0, 0] : f32 from vector<1x1xf32>
    %mul3A_111 = vector.broadcast %squeeze3A_110 : f32 to vector<64x1024xf32>
    %mul3A_112 = arith.mulf %squeeze3A_108, %mul3A_111 : vector<64x1024xf32>
    %slice3A_113 = vector.extract_strided_slice %get3A_21 {offsets = [1, 0, 0], sizes = [1, 64, 1024], strides = [1, 1, 1]} : vector<4x64x1024xf32> to vector<1x64x1024xf32>
    %squeeze3A_114 = vector.shape_cast %slice3A_113 : vector<1x64x1024xf32> to vector<64x1024xf32>
    %slice3A_115 = vector.extract_strided_slice %select_n3A {offsets = [1, 1], sizes = [1, 1], strides = [1, 1]} : vector<8x4xf32> to vector<1x1xf32>
    %squeeze3A_116 = vector.extract %slice3A_115[0, 0] : f32 from vector<1x1xf32>
    %mul3A_117 = vector.broadcast %squeeze3A_116 : f32 to vector<64x1024xf32>
    %mul3A_118 = arith.mulf %squeeze3A_114, %mul3A_117 : vector<64x1024xf32>
    %add3A_119 = arith.addf %mul3A_112, %mul3A_118 : vector<64x1024xf32>
    %slice3A_120 = vector.extract_strided_slice %get3A_21 {offsets = [2, 0, 0], sizes = [1, 64, 1024], strides = [1, 1, 1]} : vector<4x64x1024xf32> to vector<1x64x1024xf32>
    %squeeze3A_121 = vector.shape_cast %slice3A_120 : vector<1x64x1024xf32> to vector<64x1024xf32>
    %slice3A_122 = vector.extract_strided_slice %select_n3A {offsets = [1, 2], sizes = [1, 1], strides = [1, 1]} : vector<8x4xf32> to vector<1x1xf32>
    %squeeze3A_123 = vector.extract %slice3A_122[0, 0] : f32 from vector<1x1xf32>
    %mul3A_124 = vector.broadcast %squeeze3A_123 : f32 to vector<64x1024xf32>
    %mul3A_125 = arith.mulf %squeeze3A_121, %mul3A_124 : vector<64x1024xf32>
    %add3A_126 = arith.addf %add3A_119, %mul3A_125 : vector<64x1024xf32>
    %slice3A_127 = vector.extract_strided_slice %get3A_21 {offsets = [3, 0, 0], sizes = [1, 64, 1024], strides = [1, 1, 1]} : vector<4x64x1024xf32> to vector<1x64x1024xf32>
    %squeeze3A_128 = vector.shape_cast %slice3A_127 : vector<1x64x1024xf32> to vector<64x1024xf32>
    %slice3A_129 = vector.extract_strided_slice %select_n3A {offsets = [1, 3], sizes = [1, 1], strides = [1, 1]} : vector<8x4xf32> to vector<1x1xf32>
    %squeeze3A_130 = vector.extract %slice3A_129[0, 0] : f32 from vector<1x1xf32>
    %mul3A_131 = vector.broadcast %squeeze3A_130 : f32 to vector<64x1024xf32>
    %mul3A_132 = arith.mulf %squeeze3A_128, %mul3A_131 : vector<64x1024xf32>
    %add3A_133 = arith.addf %add3A_126, %mul3A_132 : vector<64x1024xf32>
    %mul3A_134 = arith.mulf %convert_element_type3A_106, %add3A_133 : vector<64x1024xf32>
    %add3A_135 = arith.addf %add3A_96, %mul3A_134 : vector<64x1024xf32>
    %slice3A_136 = vector.extract_strided_slice %reshape3A_15 {offsets = [0, 1], sizes = [1, 1], strides = [1, 1]} : vector<1x8xf32> to vector<1x1xf32>
    %squeeze3A_137 = vector.extract %slice3A_136[0, 0] : f32 from vector<1x1xf32>
    %mul3A_138 = vector.broadcast %squeeze3A_137 : f32 to vector<64x1024xf32>
    %mul3A_139 = arith.mulf %convert_element_type3A_106, %mul3A_138 : vector<64x1024xf32>
    %add3A_140 = arith.addf %add3A_101, %mul3A_139 : vector<64x1024xf32>
    %eq3A_141 = arith.constant 2.000000e+00 : f32
    %eq3A_142 = vector.broadcast %eq3A_141 : f32 to vector<64x1024xf32>
    %eq3A_143 = arith.cmpf oeq, %select_n3A_36, %eq3A_142 : vector<64x1024xf32>
    %convert_element_type3A_144 = arith.extui %eq3A_143 : vector<64x1024xi1> to vector<64x1024xi32>
    %convert_element_type3A_145 = arith.sitofp %convert_element_type3A_144 : vector<64x1024xi32> to vector<64x1024xf32>
    %slice3A_146 = vector.extract_strided_slice %get3A_21 {offsets = [0, 0, 0], sizes = [1, 64, 1024], strides = [1, 1, 1]} : vector<4x64x1024xf32> to vector<1x64x1024xf32>
    %squeeze3A_147 = vector.shape_cast %slice3A_146 : vector<1x64x1024xf32> to vector<64x1024xf32>
    %slice3A_148 = vector.extract_strided_slice %select_n3A {offsets = [2, 0], sizes = [1, 1], strides = [1, 1]} : vector<8x4xf32> to vector<1x1xf32>
    %squeeze3A_149 = vector.extract %slice3A_148[0, 0] : f32 from vector<1x1xf32>
    %mul3A_150 = vector.broadcast %squeeze3A_149 : f32 to vector<64x1024xf32>
    %mul3A_151 = arith.mulf %squeeze3A_147, %mul3A_150 : vector<64x1024xf32>
    %slice3A_152 = vector.extract_strided_slice %get3A_21 {offsets = [1, 0, 0], sizes = [1, 64, 1024], strides = [1, 1, 1]} : vector<4x64x1024xf32> to vector<1x64x1024xf32>
    %squeeze3A_153 = vector.shape_cast %slice3A_152 : vector<1x64x1024xf32> to vector<64x1024xf32>
    %slice3A_154 = vector.extract_strided_slice %select_n3A {offsets = [2, 1], sizes = [1, 1], strides = [1, 1]} : vector<8x4xf32> to vector<1x1xf32>
    %squeeze3A_155 = vector.extract %slice3A_154[0, 0] : f32 from vector<1x1xf32>
    %mul3A_156 = vector.broadcast %squeeze3A_155 : f32 to vector<64x1024xf32>
    %mul3A_157 = arith.mulf %squeeze3A_153, %mul3A_156 : vector<64x1024xf32>
    %add3A_158 = arith.addf %mul3A_151, %mul3A_157 : vector<64x1024xf32>
    %slice3A_159 = vector.extract_strided_slice %get3A_21 {offsets = [2, 0, 0], sizes = [1, 64, 1024], strides = [1, 1, 1]} : vector<4x64x1024xf32> to vector<1x64x1024xf32>
    %squeeze3A_160 = vector.shape_cast %slice3A_159 : vector<1x64x1024xf32> to vector<64x1024xf32>
    %slice3A_161 = vector.extract_strided_slice %select_n3A {offsets = [2, 2], sizes = [1, 1], strides = [1, 1]} : vector<8x4xf32> to vector<1x1xf32>
    %squeeze3A_162 = vector.extract %slice3A_161[0, 0] : f32 from vector<1x1xf32>
    %mul3A_163 = vector.broadcast %squeeze3A_162 : f32 to vector<64x1024xf32>
    %mul3A_164 = arith.mulf %squeeze3A_160, %mul3A_163 : vector<64x1024xf32>
    %add3A_165 = arith.addf %add3A_158, %mul3A_164 : vector<64x1024xf32>
    %slice3A_166 = vector.extract_strided_slice %get3A_21 {offsets = [3, 0, 0], sizes = [1, 64, 1024], strides = [1, 1, 1]} : vector<4x64x1024xf32> to vector<1x64x1024xf32>
    %squeeze3A_167 = vector.shape_cast %slice3A_166 : vector<1x64x1024xf32> to vector<64x1024xf32>
    %slice3A_168 = vector.extract_strided_slice %select_n3A {offsets = [2, 3], sizes = [1, 1], strides = [1, 1]} : vector<8x4xf32> to vector<1x1xf32>
    %squeeze3A_169 = vector.extract %slice3A_168[0, 0] : f32 from vector<1x1xf32>
    %mul3A_170 = vector.broadcast %squeeze3A_169 : f32 to vector<64x1024xf32>
    %mul3A_171 = arith.mulf %squeeze3A_167, %mul3A_170 : vector<64x1024xf32>
    %add3A_172 = arith.addf %add3A_165, %mul3A_171 : vector<64x1024xf32>
    %mul3A_173 = arith.mulf %convert_element_type3A_145, %add3A_172 : vector<64x1024xf32>
    %add3A_174 = arith.addf %add3A_135, %mul3A_173 : vector<64x1024xf32>
    %slice3A_175 = vector.extract_strided_slice %reshape3A_15 {offsets = [0, 2], sizes = [1, 1], strides = [1, 1]} : vector<1x8xf32> to vector<1x1xf32>
    %squeeze3A_176 = vector.extract %slice3A_175[0, 0] : f32 from vector<1x1xf32>
    %mul3A_177 = vector.broadcast %squeeze3A_176 : f32 to vector<64x1024xf32>
    %mul3A_178 = arith.mulf %convert_element_type3A_145, %mul3A_177 : vector<64x1024xf32>
    %add3A_179 = arith.addf %add3A_140, %mul3A_178 : vector<64x1024xf32>
    %eq3A_180 = arith.constant 3.000000e+00 : f32
    %eq3A_181 = vector.broadcast %eq3A_180 : f32 to vector<64x1024xf32>
    %eq3A_182 = arith.cmpf oeq, %select_n3A_36, %eq3A_181 : vector<64x1024xf32>
    %convert_element_type3A_183 = arith.extui %eq3A_182 : vector<64x1024xi1> to vector<64x1024xi32>
    %convert_element_type3A_184 = arith.sitofp %convert_element_type3A_183 : vector<64x1024xi32> to vector<64x1024xf32>
    %slice3A_185 = vector.extract_strided_slice %get3A_21 {offsets = [0, 0, 0], sizes = [1, 64, 1024], strides = [1, 1, 1]} : vector<4x64x1024xf32> to vector<1x64x1024xf32>
    %squeeze3A_186 = vector.shape_cast %slice3A_185 : vector<1x64x1024xf32> to vector<64x1024xf32>
    %slice3A_187 = vector.extract_strided_slice %select_n3A {offsets = [3, 0], sizes = [1, 1], strides = [1, 1]} : vector<8x4xf32> to vector<1x1xf32>
    %squeeze3A_188 = vector.extract %slice3A_187[0, 0] : f32 from vector<1x1xf32>
    %mul3A_189 = vector.broadcast %squeeze3A_188 : f32 to vector<64x1024xf32>
    %mul3A_190 = arith.mulf %squeeze3A_186, %mul3A_189 : vector<64x1024xf32>
    %slice3A_191 = vector.extract_strided_slice %get3A_21 {offsets = [1, 0, 0], sizes = [1, 64, 1024], strides = [1, 1, 1]} : vector<4x64x1024xf32> to vector<1x64x1024xf32>
    %squeeze3A_192 = vector.shape_cast %slice3A_191 : vector<1x64x1024xf32> to vector<64x1024xf32>
    %slice3A_193 = vector.extract_strided_slice %select_n3A {offsets = [3, 1], sizes = [1, 1], strides = [1, 1]} : vector<8x4xf32> to vector<1x1xf32>
    %squeeze3A_194 = vector.extract %slice3A_193[0, 0] : f32 from vector<1x1xf32>
    %mul3A_195 = vector.broadcast %squeeze3A_194 : f32 to vector<64x1024xf32>
    %mul3A_196 = arith.mulf %squeeze3A_192, %mul3A_195 : vector<64x1024xf32>
    %add3A_197 = arith.addf %mul3A_190, %mul3A_196 : vector<64x1024xf32>
    %slice3A_198 = vector.extract_strided_slice %get3A_21 {offsets = [2, 0, 0], sizes = [1, 64, 1024], strides = [1, 1, 1]} : vector<4x64x1024xf32> to vector<1x64x1024xf32>
    %squeeze3A_199 = vector.shape_cast %slice3A_198 : vector<1x64x1024xf32> to vector<64x1024xf32>
    %slice3A_200 = vector.extract_strided_slice %select_n3A {offsets = [3, 2], sizes = [1, 1], strides = [1, 1]} : vector<8x4xf32> to vector<1x1xf32>
    %squeeze3A_201 = vector.extract %slice3A_200[0, 0] : f32 from vector<1x1xf32>
    %mul3A_202 = vector.broadcast %squeeze3A_201 : f32 to vector<64x1024xf32>
    %mul3A_203 = arith.mulf %squeeze3A_199, %mul3A_202 : vector<64x1024xf32>
    %add3A_204 = arith.addf %add3A_197, %mul3A_203 : vector<64x1024xf32>
    %slice3A_205 = vector.extract_strided_slice %get3A_21 {offsets = [3, 0, 0], sizes = [1, 64, 1024], strides = [1, 1, 1]} : vector<4x64x1024xf32> to vector<1x64x1024xf32>
    %squeeze3A_206 = vector.shape_cast %slice3A_205 : vector<1x64x1024xf32> to vector<64x1024xf32>
    %slice3A_207 = vector.extract_strided_slice %select_n3A {offsets = [3, 3], sizes = [1, 1], strides = [1, 1]} : vector<8x4xf32> to vector<1x1xf32>
    %squeeze3A_208 = vector.extract %slice3A_207[0, 0] : f32 from vector<1x1xf32>
    %mul3A_209 = vector.broadcast %squeeze3A_208 : f32 to vector<64x1024xf32>
    %mul3A_210 = arith.mulf %squeeze3A_206, %mul3A_209 : vector<64x1024xf32>
    %add3A_211 = arith.addf %add3A_204, %mul3A_210 : vector<64x1024xf32>
    %mul3A_212 = arith.mulf %convert_element_type3A_184, %add3A_211 : vector<64x1024xf32>
    %add3A_213 = arith.addf %add3A_174, %mul3A_212 : vector<64x1024xf32>
    %slice3A_214 = vector.extract_strided_slice %reshape3A_15 {offsets = [0, 3], sizes = [1, 1], strides = [1, 1]} : vector<1x8xf32> to vector<1x1xf32>
    %squeeze3A_215 = vector.extract %slice3A_214[0, 0] : f32 from vector<1x1xf32>
    %mul3A_216 = vector.broadcast %squeeze3A_215 : f32 to vector<64x1024xf32>
    %mul3A_217 = arith.mulf %convert_element_type3A_184, %mul3A_216 : vector<64x1024xf32>
    %add3A_218 = arith.addf %add3A_179, %mul3A_217 : vector<64x1024xf32>
    %eq3A_219 = arith.constant 4.000000e+00 : f32
    %eq3A_220 = vector.broadcast %eq3A_219 : f32 to vector<64x1024xf32>
    %eq3A_221 = arith.cmpf oeq, %select_n3A_36, %eq3A_220 : vector<64x1024xf32>
    %convert_element_type3A_222 = arith.extui %eq3A_221 : vector<64x1024xi1> to vector<64x1024xi32>
    %convert_element_type3A_223 = arith.sitofp %convert_element_type3A_222 : vector<64x1024xi32> to vector<64x1024xf32>
    %slice3A_224 = vector.extract_strided_slice %get3A_21 {offsets = [0, 0, 0], sizes = [1, 64, 1024], strides = [1, 1, 1]} : vector<4x64x1024xf32> to vector<1x64x1024xf32>
    %squeeze3A_225 = vector.shape_cast %slice3A_224 : vector<1x64x1024xf32> to vector<64x1024xf32>
    %slice3A_226 = vector.extract_strided_slice %select_n3A {offsets = [4, 0], sizes = [1, 1], strides = [1, 1]} : vector<8x4xf32> to vector<1x1xf32>
    %squeeze3A_227 = vector.extract %slice3A_226[0, 0] : f32 from vector<1x1xf32>
    %mul3A_228 = vector.broadcast %squeeze3A_227 : f32 to vector<64x1024xf32>
    %mul3A_229 = arith.mulf %squeeze3A_225, %mul3A_228 : vector<64x1024xf32>
    %slice3A_230 = vector.extract_strided_slice %get3A_21 {offsets = [1, 0, 0], sizes = [1, 64, 1024], strides = [1, 1, 1]} : vector<4x64x1024xf32> to vector<1x64x1024xf32>
    %squeeze3A_231 = vector.shape_cast %slice3A_230 : vector<1x64x1024xf32> to vector<64x1024xf32>
    %slice3A_232 = vector.extract_strided_slice %select_n3A {offsets = [4, 1], sizes = [1, 1], strides = [1, 1]} : vector<8x4xf32> to vector<1x1xf32>
    %squeeze3A_233 = vector.extract %slice3A_232[0, 0] : f32 from vector<1x1xf32>
    %mul3A_234 = vector.broadcast %squeeze3A_233 : f32 to vector<64x1024xf32>
    %mul3A_235 = arith.mulf %squeeze3A_231, %mul3A_234 : vector<64x1024xf32>
    %add3A_236 = arith.addf %mul3A_229, %mul3A_235 : vector<64x1024xf32>
    %slice3A_237 = vector.extract_strided_slice %get3A_21 {offsets = [2, 0, 0], sizes = [1, 64, 1024], strides = [1, 1, 1]} : vector<4x64x1024xf32> to vector<1x64x1024xf32>
    %squeeze3A_238 = vector.shape_cast %slice3A_237 : vector<1x64x1024xf32> to vector<64x1024xf32>
    %slice3A_239 = vector.extract_strided_slice %select_n3A {offsets = [4, 2], sizes = [1, 1], strides = [1, 1]} : vector<8x4xf32> to vector<1x1xf32>
    %squeeze3A_240 = vector.extract %slice3A_239[0, 0] : f32 from vector<1x1xf32>
    %mul3A_241 = vector.broadcast %squeeze3A_240 : f32 to vector<64x1024xf32>
    %mul3A_242 = arith.mulf %squeeze3A_238, %mul3A_241 : vector<64x1024xf32>
    %add3A_243 = arith.addf %add3A_236, %mul3A_242 : vector<64x1024xf32>
    %slice3A_244 = vector.extract_strided_slice %get3A_21 {offsets = [3, 0, 0], sizes = [1, 64, 1024], strides = [1, 1, 1]} : vector<4x64x1024xf32> to vector<1x64x1024xf32>
    %squeeze3A_245 = vector.shape_cast %slice3A_244 : vector<1x64x1024xf32> to vector<64x1024xf32>
    %slice3A_246 = vector.extract_strided_slice %select_n3A {offsets = [4, 3], sizes = [1, 1], strides = [1, 1]} : vector<8x4xf32> to vector<1x1xf32>
    %squeeze3A_247 = vector.extract %slice3A_246[0, 0] : f32 from vector<1x1xf32>
    %mul3A_248 = vector.broadcast %squeeze3A_247 : f32 to vector<64x1024xf32>
    %mul3A_249 = arith.mulf %squeeze3A_245, %mul3A_248 : vector<64x1024xf32>
    %add3A_250 = arith.addf %add3A_243, %mul3A_249 : vector<64x1024xf32>
    %mul3A_251 = arith.mulf %convert_element_type3A_223, %add3A_250 : vector<64x1024xf32>
    %add3A_252 = arith.addf %add3A_213, %mul3A_251 : vector<64x1024xf32>
    %slice3A_253 = vector.extract_strided_slice %reshape3A_15 {offsets = [0, 4], sizes = [1, 1], strides = [1, 1]} : vector<1x8xf32> to vector<1x1xf32>
    %squeeze3A_254 = vector.extract %slice3A_253[0, 0] : f32 from vector<1x1xf32>
    %mul3A_255 = vector.broadcast %squeeze3A_254 : f32 to vector<64x1024xf32>
    %mul3A_256 = arith.mulf %convert_element_type3A_223, %mul3A_255 : vector<64x1024xf32>
    %add3A_257 = arith.addf %add3A_218, %mul3A_256 : vector<64x1024xf32>
    %eq3A_258 = arith.constant 5.000000e+00 : f32
    %eq3A_259 = vector.broadcast %eq3A_258 : f32 to vector<64x1024xf32>
    %eq3A_260 = arith.cmpf oeq, %select_n3A_36, %eq3A_259 : vector<64x1024xf32>
    %convert_element_type3A_261 = arith.extui %eq3A_260 : vector<64x1024xi1> to vector<64x1024xi32>
    %convert_element_type3A_262 = arith.sitofp %convert_element_type3A_261 : vector<64x1024xi32> to vector<64x1024xf32>
    %slice3A_263 = vector.extract_strided_slice %get3A_21 {offsets = [0, 0, 0], sizes = [1, 64, 1024], strides = [1, 1, 1]} : vector<4x64x1024xf32> to vector<1x64x1024xf32>
    %squeeze3A_264 = vector.shape_cast %slice3A_263 : vector<1x64x1024xf32> to vector<64x1024xf32>
    %slice3A_265 = vector.extract_strided_slice %select_n3A {offsets = [5, 0], sizes = [1, 1], strides = [1, 1]} : vector<8x4xf32> to vector<1x1xf32>
    %squeeze3A_266 = vector.extract %slice3A_265[0, 0] : f32 from vector<1x1xf32>
    %mul3A_267 = vector.broadcast %squeeze3A_266 : f32 to vector<64x1024xf32>
    %mul3A_268 = arith.mulf %squeeze3A_264, %mul3A_267 : vector<64x1024xf32>
    %slice3A_269 = vector.extract_strided_slice %get3A_21 {offsets = [1, 0, 0], sizes = [1, 64, 1024], strides = [1, 1, 1]} : vector<4x64x1024xf32> to vector<1x64x1024xf32>
    %squeeze3A_270 = vector.shape_cast %slice3A_269 : vector<1x64x1024xf32> to vector<64x1024xf32>
    %slice3A_271 = vector.extract_strided_slice %select_n3A {offsets = [5, 1], sizes = [1, 1], strides = [1, 1]} : vector<8x4xf32> to vector<1x1xf32>
    %squeeze3A_272 = vector.extract %slice3A_271[0, 0] : f32 from vector<1x1xf32>
    %mul3A_273 = vector.broadcast %squeeze3A_272 : f32 to vector<64x1024xf32>
    %mul3A_274 = arith.mulf %squeeze3A_270, %mul3A_273 : vector<64x1024xf32>
    %add3A_275 = arith.addf %mul3A_268, %mul3A_274 : vector<64x1024xf32>
    %slice3A_276 = vector.extract_strided_slice %get3A_21 {offsets = [2, 0, 0], sizes = [1, 64, 1024], strides = [1, 1, 1]} : vector<4x64x1024xf32> to vector<1x64x1024xf32>
    %squeeze3A_277 = vector.shape_cast %slice3A_276 : vector<1x64x1024xf32> to vector<64x1024xf32>
    %slice3A_278 = vector.extract_strided_slice %select_n3A {offsets = [5, 2], sizes = [1, 1], strides = [1, 1]} : vector<8x4xf32> to vector<1x1xf32>
    %squeeze3A_279 = vector.extract %slice3A_278[0, 0] : f32 from vector<1x1xf32>
    %mul3A_280 = vector.broadcast %squeeze3A_279 : f32 to vector<64x1024xf32>
    %mul3A_281 = arith.mulf %squeeze3A_277, %mul3A_280 : vector<64x1024xf32>
    %add3A_282 = arith.addf %add3A_275, %mul3A_281 : vector<64x1024xf32>
    %slice3A_283 = vector.extract_strided_slice %get3A_21 {offsets = [3, 0, 0], sizes = [1, 64, 1024], strides = [1, 1, 1]} : vector<4x64x1024xf32> to vector<1x64x1024xf32>
    %squeeze3A_284 = vector.shape_cast %slice3A_283 : vector<1x64x1024xf32> to vector<64x1024xf32>
    %slice3A_285 = vector.extract_strided_slice %select_n3A {offsets = [5, 3], sizes = [1, 1], strides = [1, 1]} : vector<8x4xf32> to vector<1x1xf32>
    %squeeze3A_286 = vector.extract %slice3A_285[0, 0] : f32 from vector<1x1xf32>
    %mul3A_287 = vector.broadcast %squeeze3A_286 : f32 to vector<64x1024xf32>
    %mul3A_288 = arith.mulf %squeeze3A_284, %mul3A_287 : vector<64x1024xf32>
    %add3A_289 = arith.addf %add3A_282, %mul3A_288 : vector<64x1024xf32>
    %mul3A_290 = arith.mulf %convert_element_type3A_262, %add3A_289 : vector<64x1024xf32>
    %add3A_291 = arith.addf %add3A_252, %mul3A_290 : vector<64x1024xf32>
    %slice3A_292 = vector.extract_strided_slice %reshape3A_15 {offsets = [0, 5], sizes = [1, 1], strides = [1, 1]} : vector<1x8xf32> to vector<1x1xf32>
    %squeeze3A_293 = vector.extract %slice3A_292[0, 0] : f32 from vector<1x1xf32>
    %mul3A_294 = vector.broadcast %squeeze3A_293 : f32 to vector<64x1024xf32>
    %mul3A_295 = arith.mulf %convert_element_type3A_262, %mul3A_294 : vector<64x1024xf32>
    %add3A_296 = arith.addf %add3A_257, %mul3A_295 : vector<64x1024xf32>
    %eq3A_297 = arith.constant 6.000000e+00 : f32
    %eq3A_298 = vector.broadcast %eq3A_297 : f32 to vector<64x1024xf32>
    %eq3A_299 = arith.cmpf oeq, %select_n3A_36, %eq3A_298 : vector<64x1024xf32>
    %convert_element_type3A_300 = arith.extui %eq3A_299 : vector<64x1024xi1> to vector<64x1024xi32>
    %convert_element_type3A_301 = arith.sitofp %convert_element_type3A_300 : vector<64x1024xi32> to vector<64x1024xf32>
    %slice3A_302 = vector.extract_strided_slice %get3A_21 {offsets = [0, 0, 0], sizes = [1, 64, 1024], strides = [1, 1, 1]} : vector<4x64x1024xf32> to vector<1x64x1024xf32>
    %squeeze3A_303 = vector.shape_cast %slice3A_302 : vector<1x64x1024xf32> to vector<64x1024xf32>
    %slice3A_304 = vector.extract_strided_slice %select_n3A {offsets = [6, 0], sizes = [1, 1], strides = [1, 1]} : vector<8x4xf32> to vector<1x1xf32>
    %squeeze3A_305 = vector.extract %slice3A_304[0, 0] : f32 from vector<1x1xf32>
    %mul3A_306 = vector.broadcast %squeeze3A_305 : f32 to vector<64x1024xf32>
    %mul3A_307 = arith.mulf %squeeze3A_303, %mul3A_306 : vector<64x1024xf32>
    %slice3A_308 = vector.extract_strided_slice %get3A_21 {offsets = [1, 0, 0], sizes = [1, 64, 1024], strides = [1, 1, 1]} : vector<4x64x1024xf32> to vector<1x64x1024xf32>
    %squeeze3A_309 = vector.shape_cast %slice3A_308 : vector<1x64x1024xf32> to vector<64x1024xf32>
    %slice3A_310 = vector.extract_strided_slice %select_n3A {offsets = [6, 1], sizes = [1, 1], strides = [1, 1]} : vector<8x4xf32> to vector<1x1xf32>
    %squeeze3A_311 = vector.extract %slice3A_310[0, 0] : f32 from vector<1x1xf32>
    %mul3A_312 = vector.broadcast %squeeze3A_311 : f32 to vector<64x1024xf32>
    %mul3A_313 = arith.mulf %squeeze3A_309, %mul3A_312 : vector<64x1024xf32>
    %add3A_314 = arith.addf %mul3A_307, %mul3A_313 : vector<64x1024xf32>
    %slice3A_315 = vector.extract_strided_slice %get3A_21 {offsets = [2, 0, 0], sizes = [1, 64, 1024], strides = [1, 1, 1]} : vector<4x64x1024xf32> to vector<1x64x1024xf32>
    %squeeze3A_316 = vector.shape_cast %slice3A_315 : vector<1x64x1024xf32> to vector<64x1024xf32>
    %slice3A_317 = vector.extract_strided_slice %select_n3A {offsets = [6, 2], sizes = [1, 1], strides = [1, 1]} : vector<8x4xf32> to vector<1x1xf32>
    %squeeze3A_318 = vector.extract %slice3A_317[0, 0] : f32 from vector<1x1xf32>
    %mul3A_319 = vector.broadcast %squeeze3A_318 : f32 to vector<64x1024xf32>
    %mul3A_320 = arith.mulf %squeeze3A_316, %mul3A_319 : vector<64x1024xf32>
    %add3A_321 = arith.addf %add3A_314, %mul3A_320 : vector<64x1024xf32>
    %slice3A_322 = vector.extract_strided_slice %get3A_21 {offsets = [3, 0, 0], sizes = [1, 64, 1024], strides = [1, 1, 1]} : vector<4x64x1024xf32> to vector<1x64x1024xf32>
    %squeeze3A_323 = vector.shape_cast %slice3A_322 : vector<1x64x1024xf32> to vector<64x1024xf32>
    %slice3A_324 = vector.extract_strided_slice %select_n3A {offsets = [6, 3], sizes = [1, 1], strides = [1, 1]} : vector<8x4xf32> to vector<1x1xf32>
    %squeeze3A_325 = vector.extract %slice3A_324[0, 0] : f32 from vector<1x1xf32>
    %mul3A_326 = vector.broadcast %squeeze3A_325 : f32 to vector<64x1024xf32>
    %mul3A_327 = arith.mulf %squeeze3A_323, %mul3A_326 : vector<64x1024xf32>
    %add3A_328 = arith.addf %add3A_321, %mul3A_327 : vector<64x1024xf32>
    %mul3A_329 = arith.mulf %convert_element_type3A_301, %add3A_328 : vector<64x1024xf32>
    %add3A_330 = arith.addf %add3A_291, %mul3A_329 : vector<64x1024xf32>
    %slice3A_331 = vector.extract_strided_slice %reshape3A_15 {offsets = [0, 6], sizes = [1, 1], strides = [1, 1]} : vector<1x8xf32> to vector<1x1xf32>
    %squeeze3A_332 = vector.extract %slice3A_331[0, 0] : f32 from vector<1x1xf32>
    %mul3A_333 = vector.broadcast %squeeze3A_332 : f32 to vector<64x1024xf32>
    %mul3A_334 = arith.mulf %convert_element_type3A_301, %mul3A_333 : vector<64x1024xf32>
    %add3A_335 = arith.addf %add3A_296, %mul3A_334 : vector<64x1024xf32>
    %eq3A_336 = arith.constant 7.000000e+00 : f32
    %eq3A_337 = vector.broadcast %eq3A_336 : f32 to vector<64x1024xf32>
    %eq3A_338 = arith.cmpf oeq, %select_n3A_36, %eq3A_337 : vector<64x1024xf32>
    %convert_element_type3A_339 = arith.extui %eq3A_338 : vector<64x1024xi1> to vector<64x1024xi32>
    %convert_element_type3A_340 = arith.sitofp %convert_element_type3A_339 : vector<64x1024xi32> to vector<64x1024xf32>
    %slice3A_341 = vector.extract_strided_slice %get3A_21 {offsets = [0, 0, 0], sizes = [1, 64, 1024], strides = [1, 1, 1]} : vector<4x64x1024xf32> to vector<1x64x1024xf32>
    %squeeze3A_342 = vector.shape_cast %slice3A_341 : vector<1x64x1024xf32> to vector<64x1024xf32>
    %slice3A_343 = vector.extract_strided_slice %select_n3A {offsets = [7, 0], sizes = [1, 1], strides = [1, 1]} : vector<8x4xf32> to vector<1x1xf32>
    %squeeze3A_344 = vector.extract %slice3A_343[0, 0] : f32 from vector<1x1xf32>
    %mul3A_345 = vector.broadcast %squeeze3A_344 : f32 to vector<64x1024xf32>
    %mul3A_346 = arith.mulf %squeeze3A_342, %mul3A_345 : vector<64x1024xf32>
    %slice3A_347 = vector.extract_strided_slice %get3A_21 {offsets = [1, 0, 0], sizes = [1, 64, 1024], strides = [1, 1, 1]} : vector<4x64x1024xf32> to vector<1x64x1024xf32>
    %squeeze3A_348 = vector.shape_cast %slice3A_347 : vector<1x64x1024xf32> to vector<64x1024xf32>
    %slice3A_349 = vector.extract_strided_slice %select_n3A {offsets = [7, 1], sizes = [1, 1], strides = [1, 1]} : vector<8x4xf32> to vector<1x1xf32>
    %squeeze3A_350 = vector.extract %slice3A_349[0, 0] : f32 from vector<1x1xf32>
    %mul3A_351 = vector.broadcast %squeeze3A_350 : f32 to vector<64x1024xf32>
    %mul3A_352 = arith.mulf %squeeze3A_348, %mul3A_351 : vector<64x1024xf32>
    %add3A_353 = arith.addf %mul3A_346, %mul3A_352 : vector<64x1024xf32>
    %slice3A_354 = vector.extract_strided_slice %get3A_21 {offsets = [2, 0, 0], sizes = [1, 64, 1024], strides = [1, 1, 1]} : vector<4x64x1024xf32> to vector<1x64x1024xf32>
    %squeeze3A_355 = vector.shape_cast %slice3A_354 : vector<1x64x1024xf32> to vector<64x1024xf32>
    %slice3A_356 = vector.extract_strided_slice %select_n3A {offsets = [7, 2], sizes = [1, 1], strides = [1, 1]} : vector<8x4xf32> to vector<1x1xf32>
    %squeeze3A_357 = vector.extract %slice3A_356[0, 0] : f32 from vector<1x1xf32>
    %mul3A_358 = vector.broadcast %squeeze3A_357 : f32 to vector<64x1024xf32>
    %mul3A_359 = arith.mulf %squeeze3A_355, %mul3A_358 : vector<64x1024xf32>
    %add3A_360 = arith.addf %add3A_353, %mul3A_359 : vector<64x1024xf32>
    %slice3A_361 = vector.extract_strided_slice %get3A_21 {offsets = [3, 0, 0], sizes = [1, 64, 1024], strides = [1, 1, 1]} : vector<4x64x1024xf32> to vector<1x64x1024xf32>
    %squeeze3A_362 = vector.shape_cast %slice3A_361 : vector<1x64x1024xf32> to vector<64x1024xf32>
    %slice3A_363 = vector.extract_strided_slice %select_n3A {offsets = [7, 3], sizes = [1, 1], strides = [1, 1]} : vector<8x4xf32> to vector<1x1xf32>
    %squeeze3A_364 = vector.extract %slice3A_363[0, 0] : f32 from vector<1x1xf32>
    %mul3A_365 = vector.broadcast %squeeze3A_364 : f32 to vector<64x1024xf32>
    %mul3A_366 = arith.mulf %squeeze3A_362, %mul3A_365 : vector<64x1024xf32>
    %add3A_367 = arith.addf %add3A_360, %mul3A_366 : vector<64x1024xf32>
    %mul3A_368 = arith.mulf %convert_element_type3A_340, %add3A_367 : vector<64x1024xf32>
    %add3A_369 = arith.addf %add3A_330, %mul3A_368 : vector<64x1024xf32>
    %slice3A_370 = vector.extract_strided_slice %reshape3A_15 {offsets = [0, 7], sizes = [1, 1], strides = [1, 1]} : vector<1x8xf32> to vector<1x1xf32>
    %squeeze3A_371 = vector.extract %slice3A_370[0, 0] : f32 from vector<1x1xf32>
    %mul3A_372 = vector.broadcast %squeeze3A_371 : f32 to vector<64x1024xf32>
    %mul3A_373 = arith.mulf %convert_element_type3A_340, %mul3A_372 : vector<64x1024xf32>
    %add3A_374 = arith.addf %add3A_335, %mul3A_373 : vector<64x1024xf32>
    %mul3A_375 = arith.constant 2.000000e+00 : f32
    %mul3A_376 = vector.broadcast %mul3A_375 : f32 to vector<64x1024xf32>
    %mul3A_377 = arith.mulf %mul3A_376, %add3A_369 : vector<64x1024xf32>
    %sub3A = arith.subf %add3A_58, %mul3A_377 : vector<64x1024xf32>
    %add3A_378 = arith.addf %sub3A, %add3A_374 : vector<64x1024xf32>
    %max3A_379 = arith.constant 0.000000e+00 : f32
    %max3A_380 = vector.broadcast %max3A_379 : f32 to vector<64x1024xf32>
    %max3A_381 = arith.maximumf %add3A_378, %max3A_380 : vector<64x1024xf32>
    %sqrt3A = math.sqrt %max3A_381 : vector<64x1024xf32>
    %sub3A_382 = arith.constant 5.000000e-01 : f32
    %sub3A_383 = vector.broadcast %sub3A_382 : f32 to vector<64x1024xf32>
    %sub3A_384 = arith.subf %sqrt3A, %sub3A_383 : vector<64x1024xf32>
    %max3A_385 = arith.constant 0.000000e+00 : f32
    %max3A_386 = vector.broadcast %max3A_385 : f32 to vector<64x1024xf32>
    %max3A_387 = arith.maximumf %sub3A_384, %max3A_386 : vector<64x1024xf32>
    %mul3A_388 = arith.mulf %max3A_387, %max3A_387 : vector<64x1024xf32>
    %add3A_389 = arith.constant 1.000000e+00 : f32
    %add3A_390 = vector.broadcast %add3A_389 : f32 to vector<64x1024xf32>
    %add3A_391 = arith.addf %mul3A_388, %add3A_390 : vector<64x1024xf32>
    %log3A = math.log %add3A_391 : vector<64x1024xf32>
    %get3A_392 = arith.constant 0 : index
    %get3A_393 = arith.constant 0 : index
    %get3A_394 = vector.load %arg7[%get3A_392, %get3A_393] : memref<8x1024xf32, #tpu.memory_space<vmem>>, vector<1x1024xf32>
    %get3A_395 = vector.shape_cast %get3A_394 : vector<1x1024xf32> to vector<1024xf32>
    %mul3A_396 = arith.mulf %convert_element_type3A_67, %log3A : vector<64x1024xf32>
    %reduce_sum3A_397 = arith.constant dense<0.000000e+00> : vector<1024xf32>
    %reduce_sum3A_398 = vector.multi_reduction <add>, %mul3A_396, %reduce_sum3A_397 [0] : vector<64x1024xf32> to vector<1024xf32>
    %add3A_399 = arith.addf %get3A_395, %reduce_sum3A_398 : vector<1024xf32>
    %swap3A = arith.constant 0 : index
    %swap3A_400 = arith.constant 0 : index
    %swap3A_401 = vector.load %arg7[%swap3A, %swap3A_400] : memref<8x1024xf32, #tpu.memory_space<vmem>>, vector<1x1024xf32>
    %swap3A_402 = vector.shape_cast %swap3A_401 : vector<1x1024xf32> to vector<1024xf32>
    %swap3A_403 = vector.shape_cast %add3A_399 : vector<1024xf32> to vector<1x1024xf32>
    tpu.vector_store %arg7[%swap3A, %swap3A_400], %swap3A_403 {strides = array<i32>} : memref<8x1024xf32, #tpu.memory_space<vmem>>, vector<1x1024xf32>,
    %get3A_404 = arith.constant 1 : index
    %get3A_405 = arith.constant 0 : index
    %get3A_406 = vector.load %arg7[%get3A_404, %get3A_405] : memref<8x1024xf32, #tpu.memory_space<vmem>>, vector<1x1024xf32>
    %get3A_407 = vector.shape_cast %get3A_406 : vector<1x1024xf32> to vector<1024xf32>
    %mul3A_408 = arith.mulf %convert_element_type3A_106, %log3A : vector<64x1024xf32>
    %reduce_sum3A_409 = arith.constant dense<0.000000e+00> : vector<1024xf32>
    %reduce_sum3A_410 = vector.multi_reduction <add>, %mul3A_408, %reduce_sum3A_409 [0] : vector<64x1024xf32> to vector<1024xf32>
    %add3A_411 = arith.addf %get3A_407, %reduce_sum3A_410 : vector<1024xf32>
    %swap3A_412 = arith.constant 1 : index
    %swap3A_413 = arith.constant 0 : index
    %swap3A_414 = vector.load %arg7[%swap3A_412, %swap3A_413] : memref<8x1024xf32, #tpu.memory_space<vmem>>, vector<1x1024xf32>
    %swap3A_415 = vector.shape_cast %swap3A_414 : vector<1x1024xf32> to vector<1024xf32>
    %swap3A_416 = vector.shape_cast %add3A_411 : vector<1024xf32> to vector<1x1024xf32>
    tpu.vector_store %arg7[%swap3A_412, %swap3A_413], %swap3A_416 {strides = array<i32>} : memref<8x1024xf32, #tpu.memory_space<vmem>>, vector<1x1024xf32>,
    %get3A_417 = arith.constant 2 : index
    %get3A_418 = arith.constant 0 : index
    %get3A_419 = vector.load %arg7[%get3A_417, %get3A_418] : memref<8x1024xf32, #tpu.memory_space<vmem>>, vector<1x1024xf32>
    %get3A_420 = vector.shape_cast %get3A_419 : vector<1x1024xf32> to vector<1024xf32>
    %mul3A_421 = arith.mulf %convert_element_type3A_145, %log3A : vector<64x1024xf32>
    %reduce_sum3A_422 = arith.constant dense<0.000000e+00> : vector<1024xf32>
    %reduce_sum3A_423 = vector.multi_reduction <add>, %mul3A_421, %reduce_sum3A_422 [0] : vector<64x1024xf32> to vector<1024xf32>
    %add3A_424 = arith.addf %get3A_420, %reduce_sum3A_423 : vector<1024xf32>
    %swap3A_425 = arith.constant 2 : index
    %swap3A_426 = arith.constant 0 : index
    %swap3A_427 = vector.load %arg7[%swap3A_425, %swap3A_426] : memref<8x1024xf32, #tpu.memory_space<vmem>>, vector<1x1024xf32>
    %swap3A_428 = vector.shape_cast %swap3A_427 : vector<1x1024xf32> to vector<1024xf32>
    %swap3A_429 = vector.shape_cast %add3A_424 : vector<1024xf32> to vector<1x1024xf32>
    tpu.vector_store %arg7[%swap3A_425, %swap3A_426], %swap3A_429 {strides = array<i32>} : memref<8x1024xf32, #tpu.memory_space<vmem>>, vector<1x1024xf32>,
    %get3A_430 = arith.constant 3 : index
    %get3A_431 = arith.constant 0 : index
    %get3A_432 = vector.load %arg7[%get3A_430, %get3A_431] : memref<8x1024xf32, #tpu.memory_space<vmem>>, vector<1x1024xf32>
    %get3A_433 = vector.shape_cast %get3A_432 : vector<1x1024xf32> to vector<1024xf32>
    %mul3A_434 = arith.mulf %convert_element_type3A_184, %log3A : vector<64x1024xf32>
    %reduce_sum3A_435 = arith.constant dense<0.000000e+00> : vector<1024xf32>
    %reduce_sum3A_436 = vector.multi_reduction <add>, %mul3A_434, %reduce_sum3A_435 [0] : vector<64x1024xf32> to vector<1024xf32>
    %add3A_437 = arith.addf %get3A_433, %reduce_sum3A_436 : vector<1024xf32>
    %swap3A_438 = arith.constant 3 : index
    %swap3A_439 = arith.constant 0 : index
    %swap3A_440 = vector.load %arg7[%swap3A_438, %swap3A_439] : memref<8x1024xf32, #tpu.memory_space<vmem>>, vector<1x1024xf32>
    %swap3A_441 = vector.shape_cast %swap3A_440 : vector<1x1024xf32> to vector<1024xf32>
    %swap3A_442 = vector.shape_cast %add3A_437 : vector<1024xf32> to vector<1x1024xf32>
    tpu.vector_store %arg7[%swap3A_438, %swap3A_439], %swap3A_442 {strides = array<i32>} : memref<8x1024xf32, #tpu.memory_space<vmem>>, vector<1x1024xf32>,
    %get3A_443 = arith.constant 4 : index
    %get3A_444 = arith.constant 0 : index
    %get3A_445 = vector.load %arg7[%get3A_443, %get3A_444] : memref<8x1024xf32, #tpu.memory_space<vmem>>, vector<1x1024xf32>
    %get3A_446 = vector.shape_cast %get3A_445 : vector<1x1024xf32> to vector<1024xf32>
    %mul3A_447 = arith.mulf %convert_element_type3A_223, %log3A : vector<64x1024xf32>
    %reduce_sum3A_448 = arith.constant dense<0.000000e+00> : vector<1024xf32>
    %reduce_sum3A_449 = vector.multi_reduction <add>, %mul3A_447, %reduce_sum3A_448 [0] : vector<64x1024xf32> to vector<1024xf32>
    %add3A_450 = arith.addf %get3A_446, %reduce_sum3A_449 : vector<1024xf32>
    %swap3A_451 = arith.constant 4 : index
    %swap3A_452 = arith.constant 0 : index
    %swap3A_453 = vector.load %arg7[%swap3A_451, %swap3A_452] : memref<8x1024xf32, #tpu.memory_space<vmem>>, vector<1x1024xf32>
    %swap3A_454 = vector.shape_cast %swap3A_453 : vector<1x1024xf32> to vector<1024xf32>
    %swap3A_455 = vector.shape_cast %add3A_450 : vector<1024xf32> to vector<1x1024xf32>
    tpu.vector_store %arg7[%swap3A_451, %swap3A_452], %swap3A_455 {strides = array<i32>} : memref<8x1024xf32, #tpu.memory_space<vmem>>, vector<1x1024xf32>,
    %get3A_456 = arith.constant 5 : index
    %get3A_457 = arith.constant 0 : index
    %get3A_458 = vector.load %arg7[%get3A_456, %get3A_457] : memref<8x1024xf32, #tpu.memory_space<vmem>>, vector<1x1024xf32>
    %get3A_459 = vector.shape_cast %get3A_458 : vector<1x1024xf32> to vector<1024xf32>
    %mul3A_460 = arith.mulf %convert_element_type3A_262, %log3A : vector<64x1024xf32>
    %reduce_sum3A_461 = arith.constant dense<0.000000e+00> : vector<1024xf32>
    %reduce_sum3A_462 = vector.multi_reduction <add>, %mul3A_460, %reduce_sum3A_461 [0] : vector<64x1024xf32> to vector<1024xf32>
    %add3A_463 = arith.addf %get3A_459, %reduce_sum3A_462 : vector<1024xf32>
    %swap3A_464 = arith.constant 5 : index
    %swap3A_465 = arith.constant 0 : index
    %swap3A_466 = vector.load %arg7[%swap3A_464, %swap3A_465] : memref<8x1024xf32, #tpu.memory_space<vmem>>, vector<1x1024xf32>
    %swap3A_467 = vector.shape_cast %swap3A_466 : vector<1x1024xf32> to vector<1024xf32>
    %swap3A_468 = vector.shape_cast %add3A_463 : vector<1024xf32> to vector<1x1024xf32>
    tpu.vector_store %arg7[%swap3A_464, %swap3A_465], %swap3A_468 {strides = array<i32>} : memref<8x1024xf32, #tpu.memory_space<vmem>>, vector<1x1024xf32>,
    %get3A_469 = arith.constant 6 : index
    %get3A_470 = arith.constant 0 : index
    %get3A_471 = vector.load %arg7[%get3A_469, %get3A_470] : memref<8x1024xf32, #tpu.memory_space<vmem>>, vector<1x1024xf32>
    %get3A_472 = vector.shape_cast %get3A_471 : vector<1x1024xf32> to vector<1024xf32>
    %mul3A_473 = arith.mulf %convert_element_type3A_301, %log3A : vector<64x1024xf32>
    %reduce_sum3A_474 = arith.constant dense<0.000000e+00> : vector<1024xf32>
    %reduce_sum3A_475 = vector.multi_reduction <add>, %mul3A_473, %reduce_sum3A_474 [0] : vector<64x1024xf32> to vector<1024xf32>
    %add3A_476 = arith.addf %get3A_472, %reduce_sum3A_475 : vector<1024xf32>
    %swap3A_477 = arith.constant 6 : index
    %swap3A_478 = arith.constant 0 : index
    %swap3A_479 = vector.load %arg7[%swap3A_477, %swap3A_478] : memref<8x1024xf32, #tpu.memory_space<vmem>>, vector<1x1024xf32>
    %swap3A_480 = vector.shape_cast %swap3A_479 : vector<1x1024xf32> to vector<1024xf32>
    %swap3A_481 = vector.shape_cast %add3A_476 : vector<1024xf32> to vector<1x1024xf32>
    tpu.vector_store %arg7[%swap3A_477, %swap3A_478], %swap3A_481 {strides = array<i32>} : memref<8x1024xf32, #tpu.memory_space<vmem>>, vector<1x1024xf32>,
    %get3A_482 = arith.constant 7 : index
    %get3A_483 = arith.constant 0 : index
    %get3A_484 = vector.load %arg7[%get3A_482, %get3A_483] : memref<8x1024xf32, #tpu.memory_space<vmem>>, vector<1x1024xf32>
    %get3A_485 = vector.shape_cast %get3A_484 : vector<1x1024xf32> to vector<1024xf32>
    %mul3A_486 = arith.mulf %convert_element_type3A_340, %log3A : vector<64x1024xf32>
    %reduce_sum3A_487 = arith.constant dense<0.000000e+00> : vector<1024xf32>
    %reduce_sum3A_488 = vector.multi_reduction <add>, %mul3A_486, %reduce_sum3A_487 [0] : vector<64x1024xf32> to vector<1024xf32>
    %add3A_489 = arith.addf %get3A_485, %reduce_sum3A_488 : vector<1024xf32>
    %swap3A_490 = arith.constant 7 : index
    %swap3A_491 = arith.constant 0 : index
    %swap3A_492 = vector.load %arg7[%swap3A_490, %swap3A_491] : memref<8x1024xf32, #tpu.memory_space<vmem>>, vector<1x1024xf32>
    %swap3A_493 = vector.shape_cast %swap3A_492 : vector<1x1024xf32> to vector<1024xf32>
    %swap3A_494 = vector.shape_cast %add3A_489 : vector<1024xf32> to vector<1x1024xf32>
    tpu.vector_store %arg7[%swap3A_490, %swap3A_491], %swap3A_494 {strides = array<i32>} : memref<8x1024xf32, #tpu.memory_space<vmem>>, vector<1x1024xf32>,
    %eq3A_495 = arith.constant 3 : i32
    %eq3A_496 = arith.cmpi eq, %arg1, %eq3A_495 : i32
    %convert_element_type3A_497 = arith.extui %eq3A_496 : i1 to i32
    %cond3A_498 = arith.constant 0 : i32
    %cond3A_499 = arith.cmpi ne, %convert_element_type3A_497, %cond3A_498 : i32
    scf.if %cond3A_499 {
      %get3A_500 = arith.constant 0 : index
      %get3A_501 = arith.constant 0 : index
      %get3A_502 = vector.load %arg7[%get3A_500, %get3A_501] : memref<8x1024xf32, #tpu.memory_space<vmem>>, vector<8x1024xf32>
      %reduce_sum3A_503 = arith.constant dense<0.000000e+00> : vector<8xf32>
      %reduce_sum3A_504 = vector.multi_reduction <add>, %get3A_502, %reduce_sum3A_503 [1] : vector<8x1024xf32> to vector<8xf32>
      %reshape3A_505 = vector.shape_cast %reduce_sum3A_504 : vector<8xf32> to vector<1x8xf32>
      %slice3A_506 = vector.extract_strided_slice %get3A_5 {offsets = [0, 1], sizes = [8, 1], strides = [1, 1]} : vector<8x6xf32> to vector<8x1xf32>
      %squeeze3A_507 = vector.shape_cast %slice3A_506 : vector<8x1xf32> to vector<8xf32>
      %reshape3A_508 = vector.shape_cast %squeeze3A_507 : vector<8xf32> to vector<1x8xf32>
      %iota3A_509 = tpu.iota {dimensions = array<i32: 1>} : vector<1x8xi32>
      %gt3A_510 = arith.constant 0.000000e+00 : f32
      %gt3A_511 = vector.broadcast %gt3A_510 : f32 to vector<1x8xf32>
      %gt3A_512 = arith.cmpf ogt, %reshape3A, %gt3A_511 : vector<1x8xf32>
      %convert_element_type3A_513 = arith.extui %gt3A_512 : vector<1x8xi1> to vector<1x8xi32>
      %convert_element_type3A_514 = arith.sitofp %convert_element_type3A_513 : vector<1x8xi32> to vector<1x8xf32>
      %reduce_sum3A_515 = vector.shape_cast %convert_element_type3A_514 : vector<1x8xf32> to vector<1x1x8xf32>
      %reduce_sum3A_516 = arith.constant dense<0.000000e+00> : vector<1xf32>
      %reduce_sum3A_517 = vector.multi_reduction <add>, %reduce_sum3A_515, %reduce_sum3A_516 [1, 2] : vector<1x1x8xf32> to vector<1xf32>
      %reduce_sum3A_518 = vector.shape_cast %reduce_sum3A_517 : vector<1xf32> to vector<1x1x1xf32>
      %reduce_sum3A_519 = vector.extract %reduce_sum3A_518[0, 0, 0] : f32 from vector<1x1x1xf32>
      %max3A_520 = arith.constant 1.000000e+00 : f32
      %max3A_521 = vector.broadcast %max3A_520 : f32 to vector<1x8xf32>
      %max3A_522 = arith.maximumf %reshape3A_508, %max3A_521 : vector<1x8xf32>
      %div3A_523 = arith.divf %reshape3A_505, %max3A_522 : vector<1x8xf32>
      %ne3A = arith.constant 0 : i32
      %ne3A_524 = vector.broadcast %ne3A : i32 to vector<1x8xi32>
      %ne3A_525 = arith.cmpi ne, %iota3A_509, %ne3A_524 : vector<1x8xi32>
      %and3A = arith.andi %gt3A_512, %ne3A_525 : vector<1x8xi1>
      %jit3A_526 = arith.constant 8 : i32
      %broadcast_in_dim3A_527 = vector.broadcast %jit3A_526 : i32 to vector<1x8xi32>
      %select_n3A_528 = arith.select %and3A, %iota3A_509, %broadcast_in_dim3A_527 : vector<1x8xi1>, vector<1x8xi32>
      %reduce_min3A = vector.shape_cast %select_n3A_528 : vector<1x8xi32> to vector<1x1x8xi32>
      %reduce_min3A_529 = arith.constant dense<2147483647> : vector<1xi32>
      %reduce_min3A_530 = vector.multi_reduction <minsi>, %reduce_min3A, %reduce_min3A_529 [1, 2] : vector<1x1x8xi32> to vector<1xi32>
      %reduce_min3A_531 = vector.shape_cast %reduce_min3A_530 : vector<1xi32> to vector<1x1x1xi32>
      %reduce_min3A_532 = vector.extract %reduce_min3A_531[0, 0, 0] : i32 from vector<1x1x1xi32>
      %ne3A_533 = vector.broadcast %reduce_min3A_532 : i32 to vector<1x8xi32>
      %ne3A_534 = arith.cmpi ne, %iota3A_509, %ne3A_533 : vector<1x8xi32>
      %and3A_535 = arith.andi %and3A, %ne3A_534 : vector<1x8xi1>
      %convert_element_type3A_536 = arith.extui %and3A_535 : vector<1x8xi1> to vector<1x8xi32>
      %convert_element_type3A_537 = arith.sitofp %convert_element_type3A_536 : vector<1x8xi32> to vector<1x8xf32>
      %reduce_sum3A_538 = vector.shape_cast %convert_element_type3A_537 : vector<1x8xf32> to vector<1x1x8xf32>
      %reduce_sum3A_539 = arith.constant dense<0.000000e+00> : vector<1xf32>
      %reduce_sum3A_540 = vector.multi_reduction <add>, %reduce_sum3A_538, %reduce_sum3A_539 [1, 2] : vector<1x1x8xf32> to vector<1xf32>
      %reduce_sum3A_541 = vector.shape_cast %reduce_sum3A_540 : vector<1xf32> to vector<1x1x1xf32>
      %reduce_sum3A_542 = vector.extract %reduce_sum3A_541[0, 0, 0] : f32 from vector<1x1x1xf32>
      %jit3A_543 = arith.constant 0.000000e+00 : f32
      %broadcast_in_dim3A_544 = vector.broadcast %jit3A_543 : f32 to vector<1x8xf32>
      %select_n3A_545 = arith.select %and3A_535, %div3A_523, %broadcast_in_dim3A_544 : vector<1x8xi1>, vector<1x8xf32>
      %reduce_sum3A_546 = vector.shape_cast %select_n3A_545 : vector<1x8xf32> to vector<1x1x8xf32>
      %reduce_sum3A_547 = arith.constant dense<0.000000e+00> : vector<1xf32>
      %reduce_sum3A_548 = vector.multi_reduction <add>, %reduce_sum3A_546, %reduce_sum3A_547 [1, 2] : vector<1x1x8xf32> to vector<1xf32>
      %reduce_sum3A_549 = vector.shape_cast %reduce_sum3A_548 : vector<1xf32> to vector<1x1x1xf32>
      %reduce_sum3A_550 = vector.extract %reduce_sum3A_549[0, 0, 0] : f32 from vector<1x1x1xf32>
      %max3A_551 = arith.constant 1.000000e+00 : f32
      %max3A_552 = arith.maximumf %reduce_sum3A_542, %max3A_551 : f32
      %div3A_553 = arith.divf %reduce_sum3A_550, %max3A_552 : f32
      %iota3A_554 = tpu.iota {dimensions = array<i32: 0>} : vector<8x8xi32>
      %iota3A_555 = tpu.iota {dimensions = array<i32: 1>} : vector<8x8xi32>
      %reshape3A_556 = vector.shape_cast %gt3A_512 : vector<1x8xi1> to vector<8x1xi1>
      %broadcast_in_dim3A_557 = vector.shape_cast %reshape3A_556 : vector<8x1xi1> to vector<8x1xi1>
      %broadcast_in_dim3A_558 = vector.broadcast %broadcast_in_dim3A_557 : vector<8x1xi1> to vector<8x8xi1>
      %broadcast_in_dim3A_559 = vector.shape_cast %gt3A_512 : vector<1x8xi1> to vector<1x8xi1>
      %broadcast_in_dim3A_560 = vector.broadcast %broadcast_in_dim3A_559 : vector<1x8xi1> to vector<8x8xi1>
      %and3A_561 = arith.andi %broadcast_in_dim3A_558, %broadcast_in_dim3A_560 : vector<8x8xi1>
      %ne3A_562 = arith.cmpi ne, %iota3A_554, %iota3A_555 : vector<8x8xi32>
      %and3A_563 = arith.andi %and3A_561, %ne3A_562 : vector<8x8xi1>
      %ne3A_564 = arith.constant 0 : i32
      %ne3A_565 = vector.broadcast %ne3A_564 : i32 to vector<8x8xi32>
      %ne3A_566 = arith.cmpi ne, %iota3A_554, %ne3A_565 : vector<8x8xi32>
      %and3A_567 = arith.andi %and3A_563, %ne3A_566 : vector<8x8xi1>
      %ne3A_568 = arith.constant 0 : i32
      %ne3A_569 = vector.broadcast %ne3A_568 : i32 to vector<8x8xi32>
      %ne3A_570 = arith.cmpi ne, %iota3A_555, %ne3A_569 : vector<8x8xi32>
      %and3A_571 = arith.andi %and3A_567, %ne3A_570 : vector<8x8xi1>
      %transpose3A = tpu.transpose %select_n3A, [1, 0] : vector<8x4xf32> -> vector<4x8xf32>
      %dot_general3A = arith.constant dense<0.000000e+00> : vector<8x8xf32>
      %dot_general3A_572 = tpu.matmul %select_n3A, %transpose3A, %dot_general3A {dimension_numbers = #tpu.dot_dimension_numbers<[1], [0], [0], [1], [0, 0, 1, 1], [], []>, transpose_lhs_hint = false} : vector<8x4xf32>, vector<4x8xf32>, vector<8x8xf32> -> vector<8x8xf32>
      %reshape3A_573 = vector.shape_cast %reshape3A_15 : vector<1x8xf32> to vector<8x1xf32>
      %add3A_574 = vector.broadcast %reshape3A_573 : vector<8x1xf32> to vector<8x8xf32>
      %add3A_575 = vector.broadcast %reshape3A_15 : vector<1x8xf32> to vector<8x8xf32>
      %add3A_576 = arith.addf %add3A_574, %add3A_575 : vector<8x8xf32>
      %mul3A_577 = arith.constant 2.000000e+00 : f32
      %mul3A_578 = vector.broadcast %mul3A_577 : f32 to vector<8x8xf32>
      %mul3A_579 = arith.mulf %mul3A_578, %dot_general3A_572 : vector<8x8xf32>
      %sub3A_580 = arith.subf %add3A_576, %mul3A_579 : vector<8x8xf32>
      %max3A_581 = arith.constant 0.000000e+00 : f32
      %max3A_582 = vector.broadcast %max3A_581 : f32 to vector<8x8xf32>
      %max3A_583 = arith.maximumf %sub3A_580, %max3A_582 : vector<8x8xf32>
      %jit3A_584 = arith.constant 4.000000e+00 : f32
      %broadcast_in_dim3A_585 = vector.broadcast %jit3A_584 : f32 to vector<8x8xf32>
      %select_n3A_586 = arith.select %and3A_571, %max3A_583, %broadcast_in_dim3A_585 : vector<8x8xi1>, vector<8x8xf32>
      %sqrt3A_587 = math.sqrt %select_n3A_586 : vector<8x8xf32>
      %sub3A_588 = arith.constant 3.000000e+00 : f32
      %sub3A_589 = vector.broadcast %sub3A_588 : f32 to vector<8x8xf32>
      %sub3A_590 = arith.subf %sub3A_589, %sqrt3A_587 : vector<8x8xf32>
      %max3A_591 = arith.constant 0.000000e+00 : f32
      %max3A_592 = vector.broadcast %max3A_591 : f32 to vector<8x8xf32>
      %max3A_593 = arith.maximumf %sub3A_590, %max3A_592 : vector<8x8xf32>
      %integer_pow3A = arith.mulf %max3A_593, %max3A_593 : vector<8x8xf32>
      %add3A_594 = arith.constant 1.000000e+00 : f32
      %add3A_595 = vector.broadcast %add3A_594 : f32 to vector<8x8xf32>
      %add3A_596 = arith.addf %integer_pow3A, %add3A_595 : vector<8x8xf32>
      %log3A_597 = math.log %add3A_596 : vector<8x8xf32>
      %convert_element_type3A_598 = arith.extui %and3A_571 : vector<8x8xi1> to vector<8x8xi32>
      %convert_element_type3A_599 = arith.sitofp %convert_element_type3A_598 : vector<8x8xi32> to vector<8x8xf32>
      %reduce_sum3A_600 = vector.shape_cast %convert_element_type3A_599 : vector<8x8xf32> to vector<1x8x8xf32>
      %reduce_sum3A_601 = arith.constant dense<0.000000e+00> : vector<1xf32>
      %reduce_sum3A_602 = vector.multi_reduction <add>, %reduce_sum3A_600, %reduce_sum3A_601 [1, 2] : vector<1x8x8xf32> to vector<1xf32>
      %reduce_sum3A_603 = vector.shape_cast %reduce_sum3A_602 : vector<1xf32> to vector<1x1x1xf32>
      %reduce_sum3A_604 = vector.extract %reduce_sum3A_603[0, 0, 0] : f32 from vector<1x1x1xf32>
      %jit3A_605 = arith.constant 0.000000e+00 : f32
      %broadcast_in_dim3A_606 = vector.broadcast %jit3A_605 : f32 to vector<8x8xf32>
      %select_n3A_607 = arith.select %and3A_571, %log3A_597, %broadcast_in_dim3A_606 : vector<8x8xi1>, vector<8x8xf32>
      %reduce_sum3A_608 = vector.shape_cast %select_n3A_607 : vector<8x8xf32> to vector<1x8x8xf32>
      %reduce_sum3A_609 = arith.constant dense<0.000000e+00> : vector<1xf32>
      %reduce_sum3A_610 = vector.multi_reduction <add>, %reduce_sum3A_608, %reduce_sum3A_609 [1, 2] : vector<1x8x8xf32> to vector<1xf32>
      %reduce_sum3A_611 = vector.shape_cast %reduce_sum3A_610 : vector<1xf32> to vector<1x1x1xf32>
      %reduce_sum3A_612 = vector.extract %reduce_sum3A_611[0, 0, 0] : f32 from vector<1x1x1xf32>
      %max3A_613 = arith.constant 1.000000e+00 : f32
      %max3A_614 = arith.maximumf %reduce_sum3A_604, %max3A_613 : f32
      %div3A_615 = arith.divf %reduce_sum3A_612, %max3A_614 : f32
      %gt3A_616 = arith.constant 2.000000e+00 : f32
      %gt3A_617 = arith.cmpf ogt, %reduce_sum3A_519, %gt3A_616 : f32
      %jit3A_618 = arith.constant 0.000000e+00 : f32
      %select_n3A_619 = arith.select %gt3A_617, %div3A_615, %jit3A_618 : f32
      %ne3A_620 = arith.constant 0 : i32
      %ne3A_621 = vector.broadcast %ne3A_620 : i32 to vector<1x8xi32>
      %ne3A_622 = arith.cmpi ne, %iota3A_509, %ne3A_621 : vector<1x8xi32>
      %and3A_623 = arith.andi %gt3A_512, %ne3A_622 : vector<1x8xi1>
      %jit3A_624 = arith.constant 1.000000e+00 : f32
      %broadcast_in_dim3A_625 = vector.broadcast %jit3A_624 : f32 to vector<1x8xf32>
      %select_n3A_626 = arith.select %and3A_623, %reshape3A_15, %broadcast_in_dim3A_625 : vector<1x8xi1>, vector<1x8xf32>
      %sqrt3A_627 = math.sqrt %select_n3A_626 : vector<1x8xf32>
      %add3A_628 = arith.constant 1.000000e+00 : f32
      %add3A_629 = vector.broadcast %add3A_628 : f32 to vector<1x8xf32>
      %add3A_630 = arith.addf %sqrt3A_627, %add3A_629 : vector<1x8xf32>
      %log3A_631 = math.log %add3A_630 : vector<1x8xf32>
      %jit3A_632 = arith.constant 0.000000e+00 : f32
      %broadcast_in_dim3A_633 = vector.broadcast %jit3A_632 : f32 to vector<1x8xf32>
      %select_n3A_634 = arith.select %and3A_623, %log3A_631, %broadcast_in_dim3A_633 : vector<1x8xi1>, vector<1x8xf32>
      %reduce_sum3A_635 = vector.shape_cast %select_n3A_634 : vector<1x8xf32> to vector<1x1x8xf32>
      %reduce_sum3A_636 = arith.constant dense<0.000000e+00> : vector<1xf32>
      %reduce_sum3A_637 = vector.multi_reduction <add>, %reduce_sum3A_635, %reduce_sum3A_636 [1, 2] : vector<1x1x8xf32> to vector<1xf32>
      %reduce_sum3A_638 = vector.shape_cast %reduce_sum3A_637 : vector<1xf32> to vector<1x1x1xf32>
      %reduce_sum3A_639 = vector.extract %reduce_sum3A_638[0, 0, 0] : f32 from vector<1x1x1xf32>
      %max3A_640 = arith.constant 1.000000e+00 : f32
      %max3A_641 = arith.maximumf %reduce_sum3A_519, %max3A_640 : f32
      %div3A_642 = arith.divf %reduce_sum3A_639, %max3A_641 : f32
      %mul3A_643 = arith.constant 1.000000e-03 : f32
      %mul3A_644 = arith.mulf %div3A_642, %mul3A_643 : f32
      %add3A_645 = arith.addf %div3A_553, %select_n3A_619 : f32
      %add3A_646 = arith.addf %add3A_645, %mul3A_644 : f32
      %gt3A_647 = arith.constant 1.000000e+00 : f32
      %gt3A_648 = arith.cmpf ogt, %reduce_sum3A_519, %gt3A_647 : f32
      %jit3A_649 = arith.constant 0.000000e+00 : f32
      %select_n3A_650 = arith.select %gt3A_648, %add3A_646, %jit3A_649 : f32
      %broadcast_in_dim3A_651 = vector.broadcast %select_n3A_650 : f32 to vector<128xf32>
      %swap3A_652 = arith.constant 0 : index
      %swap3A_653 = arith.constant 0 : index
      %swap3A_654 = arith.constant 0 : index
      %swap3A_655 = vector.load %arg6[%swap3A_652, %swap3A_653, %swap3A_654] : memref<1x1x128xf32, #tpu.memory_space<vmem>>, vector<1x1x128xf32>
      %swap3A_656 = vector.shape_cast %swap3A_655 : vector<1x1x128xf32> to vector<128xf32>
      %swap3A_657 = vector.shape_cast %broadcast_in_dim3A_651 : vector<128xf32> to vector<1x1x128xf32>
      tpu.vector_store %arg6[%swap3A_652, %swap3A_653, %swap3A_654], %swap3A_657 {strides = array<i32>} : memref<1x1x128xf32, #tpu.memory_space<vmem>>, vector<1x1x128xf32>,
    } else {
    }
    return
  }
  func.func @transform_0(%arg0: i32, %arg1: i32) -> (i32, i32, i32) {
    %c0_i32 = arith.constant 0 : i32
    %c0_i32_0 = arith.constant 0 : i32
    %c0_i32_1 = arith.constant 0 : i32
    return %arg0, %c0_i32, %c0_i32_0 : i32, i32, i32
  }
  func.func @transform_1(%arg0: i32, %arg1: i32) -> (i32, i32, i32, i32) {
    %c0_i32 = arith.constant 0 : i32
    %c0_i32_0 = arith.constant 0 : i32
    %c0_i32_1 = arith.constant 0 : i32
    return %arg0, %c0_i32, %arg1, %c0_i32_0 : i32, i32, i32, i32
  }
  func.func @transform_2(%arg0: i32, %arg1: i32) -> (i32, i32, i32) {
    %c0_i32 = arith.constant 0 : i32
    %c0_i32_0 = arith.constant 0 : i32
    return %arg0, %arg1, %c0_i32 : i32, i32, i32
  }
  func.func @transform_3(%arg0: i32, %arg1: i32) -> (i32, i32, i32) {
    %c0_i32 = arith.constant 0 : i32
    %c0_i32_0 = arith.constant 0 : i32
    return %arg0, %arg1, %c0_i32 : i32, i32, i32
  }
  func.func @transform_4(%arg0: i32, %arg1: i32) -> (i32, i32, i32) {
    %c0_i32 = arith.constant 0 : i32
    %c0_i32_0 = arith.constant 0 : i32
    %c0_i32_1 = arith.constant 0 : i32
    return %arg0, %c0_i32, %c0_i32_0 : i32, i32, i32
  }
}

</mosaic_0001>

<sc_bundles>
// kernel: kernel.5.cloned.1.call-start
scs
__scs_entry_jumppad:
0x0: {  	(pc) =	sbr.rel $0x88, $3  }
0x1: {  	(tag) =	ssettag $0x0;
	lr =	simm.s32 $0x1  }
0x2: {  	[smem:$0x3F9D] =	sst lr;
	_ =	strace $0xD0000000  }
0x3: {  	_ = 	snop  }
0x4: {  	_ = 	snop  }
0x5: {  	_ = 	snop  }
0x6: {  	_ = 	snop  }
0x7: {  	_ = 	snop  }
__scs_overlays_trampoline_lowered:
0x8: {  	[smem:$0x3FAC] =	sst s0  }
0x9: {  	[smem:$0x3FAD] =	sst s1  }
0xa: {  	[smem:$0x3FAE] =	sst s2  }
0xb: {  	[smem:$0x3FAF] =	sst s3  }
0xc: {  	[smem:$0x3FB0] =	sst s4  }
0xd: {  	[smem:$0x3FB1] =	sst s5  }
0xe: {  	[smem:$0x3FB2] =	sst s6  }
0xf: {  	[smem:$0x3FB3] =	sst s7  }
0x10: {  	[smem:$0x3FB4] =	sst s8  }
0x11: {  	[smem:$0x3FB5] =	sst s9;
	s0 =	simm.s32 @!p0 $0x0  }
0x12: {  	s1 =	sld [smem:$0x3F9B];
	s0 =	simm.s32 @p0 $0x1  }
0x13: {  	[smem:$0x3FB6] =	sst s0;
	s0 =	simm.s32 @!p1 $0x0  }
0x14: {  	s2 =	sld [smem:$0x3F9A];
	s0 =	simm.s32 @p1 $0x1  }
0x15: {  	[smem:$0x3FB7] =	sst s0;
	s0 =	simm.s32 @!p2 $0x0  }
0x16: {  	s3 =	sld [smem:$0x3FDB];
	s0 =	simm.s32 @p2 $0x1  }
0x17: {  	s4 =	simm.s32 $0x1BF5;
	[smem:$0x3FB9] =	sst s0  }
0x18: {  	s0 =	sld [smem:$0x3F9C];
	_ =	swait.ge [sflag:s4], $0x0  }
0x19: {  	s7 =	sld [smem:$0x3F9D]  }
0x1a: {  	s8 =	sadd.s32 $0xFFFFE003, lr  }
0x1b: {  	s9 =	sadd.s32 $0xFFFFFEF7, lr;
	s5 =	simm.s32 $0xFFFFFFFF;
	p2 =	slt.u32 s8, $0xFFFFF086  }
0x1c: {  	p1 =	slt.u32 s9, $0xF7A;
	s5 =	simm.s32 @!p2 $0x0  }
0x1d: {  	s5 =	simm.s32 @p1 $0x1;
	p0 =	seq.s32 s7, s2  }
0x1e: {  	s7 =	smul.u32 @!p0 $0xF7A, s2;
	p2 =	seq.s32 @!p0 s5, $0x0  }
0x1f: {  	s9 =	smul.u32 $0xF7A, s1;
	s8 =	simm.s32 @!p0 $0x1BF5;
	p2 =	por !p2, p0  }
0x20: {  	[sflag:s8] =	ssyncset.s32 @!p0 $0xFFFFF086;
	s6 =	sadd.s32 @!p0 s3, s7;
	s7 =	simm.s32 @!p0 $0x108  }
0x21: {  	s3 =	sadd.s32 s3, s9;
	s6 =	sadd.s32 @!p0 $0x88, s6;
	s7 =	simm.s32 @p2 $0x1082  }
0x22: {  	[simem:s7], [sflag:s8] =	dma.local @!p0 [hbm:s6], $0xF7A  }
0x23: {  	s9 =	sor.u32 $0xD0000000, s2;
	s6 =	simm.s32 $0x108;
	_ =	swait.ge @!p0 [sflag:s8], $0x0  }
0x24: {  	s3 =	sadd.s32 $0x88, s3;
	s6 =	simm.s32 @!p1 $0x1082;
	[sflag:s4] =	ssyncset.s32 $0xFFFFF086  }
0x25: {  	[simem:s6], [sflag:s4] =	dma.local [hbm:s3], $0xF7A  }
0x26: {  	[smem:$0x3F9D] =	sst s1;
	(tag) =	ssettag s2;
	_ =	strace s9  }
0x27: {  	s1 =	sld [smem:$0x3FAD]  }
0x28: {  	s2 =	sld [smem:$0x3FAE]  }
0x29: {  	s4 =	sld [smem:$0x3FB0]  }
0x2a: {  	p0 =	seq.s32 s5, $0x0;
	s5 =	sld [smem:$0x3FB1]  }
0x2b: {  	s6 =	sld [smem:$0x3FB2]  }
0x2c: {  	s7 =	sld [smem:$0x3FB3]  }
0x2d: {  	s3 =	simm.s32 $0x108;
	s8 =	sld [smem:$0x3FB4]  }
0x2e: {  	s3 =	simm.s32 @!p0 $0x1082;
	s9 =	sld [smem:$0x3FB5]  }
0x2f: {  	lr =	sadd.s32 s0, s3;
	s0 =	sld [smem:$0x3FAC]  }
0x30: {  	s3 =	sld [smem:$0x3FAF]  }
0x31: {  	[smem:$0x3FB8] =	sst s10  }
0x32: {  	s10 =	sld [smem:$0x3FB6];
	_ =	sdelay $0x3  }
0x33: {  	p0 =	seq.s32 s10, $0x1;
	s10 =	sld [smem:$0x3FB8];
	_ =	sdelay $0x3  }
0x34: {  	[smem:$0x3FB8] =	sst s10  }
0x35: {  	s10 =	sld [smem:$0x3FB7];
	_ =	sdelay $0x3  }
0x36: {  	p1 =	seq.s32 s10, $0x1;
	s10 =	sld [smem:$0x3FB8];
	_ =	sdelay $0x3  }
0x37: {  	[smem:$0x3FB8] =	sst s10  }
0x38: {  	s10 =	sld [smem:$0x3FB9]  }
0x39: {  	_ = 	snop;
	(pc) =	sbr.ind lr, $3  }
0x3a: {  	_ = 	snop  }
0x3b: {  	_ = 	snop  }
0x3c: {  	p2 =	seq.s32 s10, $0x1;
	s10 =	sld [smem:$0x3FB8]  }
0x3d: {  	_ =	shalt  }
0x3e: {  	_ =	shalt  }
0x3f: {  	_ =	shalt  }
0x40: {  	_ =	shalt  }
0x41: {  	_ =	shalt  }
0x42: {  	_ =	shalt  }
0x43: {  	_ =	shalt  }
0x44: {  	_ =	shalt  }
0x45: {  	_ =	shalt  }
0x46: {  	_ =	shalt  }
0x47: {  	_ =	shalt  }
0x48: {  	_ =	shalt  }
0x49: {  	_ =	shalt  }
0x4a: {  	_ =	shalt  }
0x4b: {  	_ =	shalt  }
0x4c: {  	_ =	shalt  }
0x4d: {  	_ =	shalt  }
0x4e: {  	_ =	shalt  }
0x4f: {  	_ =	shalt  }
0x50: {  	_ =	shalt  }
0x51: {  	_ =	shalt  }
0x52: {  	_ =	shalt  }
0x53: {  	_ =	shalt  }
0x54: {  	_ =	shalt  }
0x55: {  	_ =	shalt  }
0x56: {  	_ =	shalt  }
0x57: {  	_ =	shalt  }
0x58: {  	_ =	shalt  }
0x59: {  	_ =	shalt  }
0x5a: {  	_ =	shalt  }
0x5b: {  	_ =	shalt  }
0x5c: {  	_ =	shalt  }
0x5d: {  	_ =	shalt  }
0x5e: {  	_ =	shalt  }
0x5f: {  	_ =	shalt  }
0x60: {  	_ =	shalt  }
0x61: {  	_ =	shalt  }
0x62: {  	_ =	shalt  }
0x63: {  	_ =	shalt  }
0x64: {  	_ =	shalt  }
0x65: {  	_ =	shalt  }
0x66: {  	_ =	shalt  }
0x67: {  	_ =	shalt  }
0x68: {  	_ =	shalt  }
0x69: {  	_ =	shalt  }
0x6a: {  	_ =	shalt  }
0x6b: {  	_ =	shalt  }
0x6c: {  	_ =	shalt  }
0x6d: {  	_ =	shalt  }
0x6e: {  	_ =	shalt  }
0x6f: {  	_ =	shalt  }
0x70: {  	_ =	shalt  }
0x71: {  	_ =	shalt  }
0x72: {  	_ =	shalt  }
0x73: {  	_ =	shalt  }
0x74: {  	_ =	shalt  }
0x75: {  	_ =	shalt  }
0x76: {  	_ =	shalt  }
0x77: {  	_ =	shalt  }
0x78: {  	_ =	shalt  }
0x79: {  	_ =	shalt  }
0x7a: {  	_ =	shalt  }
0x7b: {  	_ =	shalt  }
0x7c: {  	_ =	shalt  }
0x7d: {  	_ =	shalt  }
0x7e: {  	_ =	shalt  }
0x7f: {  	_ =	shalt  }
0x80: {  	_ =	shalt  }
0x81: {  	_ =	shalt  }
0x82: {  	_ =	shalt  }
0x83: {  	_ =	shalt  }
0x84: {  	_ =	shalt  }
0x85: {  	_ =	shalt  }
0x86: {  	_ =	shalt  }
0x87: {  	_ =	shalt  }
.Lfunc_end0:
.L_simem_size_0:
called_computation.1_lowered:
.L_overlay_start_0:
0x88: {  	s2 =	sld [smem:$0x3FD9]  }
0x89: {  	s3 =	sld [smem:$0x3FFE];
	_ =	sdelay $0x1  }
0x8a: {  	s1 =	srdreg.scid  }
0x8b: {  	s0 =	sand.u32 $0x1, s1  }
0x8c: {  	s16 =	sshll.u32 s0, $0xA;
	s2 =	sadd.s32 s3, s2  }
0x8d: {  	s2 =	sadd.s32 s2, s16  }
0x8e: {  	[smem:$0x3FC4] =	sst s2  }
0x8f: {  	_ = 	snop  }
0x90: {  	(tm) =	ssettm $0x1  }
0x91: {  	s17 =	sld [smem:$0x3FFB];
	_ =	sdelay $0x3  }
0x92: {  	_ =	strace s17  }
0x93: {  	s2 =	sld [smem:$0x3FFC];
	_ =	sdelay $0x3  }
0x94: {  	_ =	strace s2  }
0x95: {  	s2 =	sld [smem:$0x3FFD];
	_ =	sdelay $0x3  }
0x96: {  	_ =	strace s2  }
0x97: {  	_ =	strace $0x8FFFFFFF  }
0x98: {  	s18 =	sld [smem:$0x3FDB];
	_ =	sdelay $0x1  }
0x99: {  	s19 =	simm.s32 $_scs_section_size  }
0x9a: {  	s4 =	simm.s32 $_size__tile_overlayer_lowered;
	s5 =	simm.s32 $_tile_overlayer_lowered  }
0x9b: {  	s22 =	simm.s32 $0x1BFF;
	s21 =	sshll.u32 s5, $0x1;
	s2 =	sadd.s32 s19, s18  }
0x9c: {  	s6 =	simm.s32 $0x0;
	s20 =	sshll.u32 s4, $0x1;
	s4 =	sadd.s32 s21, s2  }
0x9d: {  	[timem:s6], [sflag:s22] =	dma.local [hbm:s4], s20  }
0x9e: {  	_ =	swait.ge [sflag:s22], s20  }
0x9f: {  	s3 =	ssub.s32 $0x0, s20;
	[sflag:s22] =	ssyncset.done $0x0  }
0xa0: {  	[sflag:s22] =	ssyncadd.s32 s3;
	_ =	sdelay $0x1  }
0xa1: {  	s23 =	simm.s32 $0x1B8B  }
0xa2: {  	_ =	swait.ge [sflag:s23], $0x1  }
0xa3: {  	[sflag:s23] =	ssyncset.done $0x0  }
0xa4: {  	s25 =	simm.s32 $0x1B8E;
	s24 =	sld [smem:$0x3FFE];
	[sflag:s23] =	ssyncadd.s32 $0xFFFFFFFF  }
0xa5: {  	s26 =	simm.s32 $execute0_lowered;
	[smem:$0x3FD2] =	sst s25  }
0xa6: {  	s4 =	sshll.u32 s26, $0x1;
	_ =	strace $0x80000049;
	[dreg:$0x1] =	wrdreg $0xFFFFFFFF  }
0xa7: {  	s28 =	simm.s32 $_size_execute0_lowered;
	s2 =	sadd.s32 s2, s4;
	[dreg:$0x0] =	wrdreg $0x0  }
0xa8: {  	s4 =	sshll.u32 s28, $0x1;
	[dreg:$0x2] =	wrdreg s2  }
0xa9: {  	[dreg:$0x3] =	wrdreg s4  }
0xaa: {  	[dreg:$0x4] =	wrdreg $0xC0  }
0xab: {  	_ =	task [dreg:s6], $0x5FFFF  }
0xac: {  	[dreg:$0x1] =	wrdreg $0xFFFFFFFF  }
0xad: {  	[dreg:$0x0] =	wrdreg $0x60  }
0xae: {  	[dreg:$0x2] =	wrdreg s24  }
0xaf: {  	[dreg:$0x3] =	wrdreg $0x9  }
0xb0: {  	_ =	task.clear_ibuf [dreg:s6], $0x4FFFF;
	_ =	strace $0x90000049  }
0xb1: {  	s29 =	simm.s32 $0x9;
	_ =	strace $0x8000004B  }
0xb2: {  	_ =	swait.ge [sflag:s29], $0x1  }
0xb3: {  	[sflag:s29] =	ssyncadd.s32 $0xFFFFFFFF  }
0xb4: {  	_ =	strace $0x9000004B  }
0xb5: {  	_ =	sfence  }
0xb6: {  	s30 =	sld [smem:$0x0];
	_ =	sdelay $0x2  }
0xb7: {  	s31 =	sshll.u32 s1, $0xD;
	s1 =	sshrl.u32 s1, $0x2  }
0xb8: {  	s3 =	sand.u32 $0x4000, s31;
	s1 =	sadd.s32 s1, s30  }
0xb9: {  	s0 =	sor.u32 s3, s0;
	s1 =	sshll.u32 s1, $0x11  }
0xba: {  	s0 =	sor.u32 s1, s0  }
0xbb: {  	s0 =	sadd.s32 $0x8F2B, s0  }
0xbc: {  	[sflag:s0] =	ssyncadd.remote.s32 $0x1  }
0xbd: {  	_ =	sfence.sel $0xFFFF  }
0xbe: {  	[dreg:$0x0] =	wrdreg $0xFFFFFFFF;
	(pc) =	sbr.abs _section_cstart, $3  }
0xbf: {  	[dreg:$0x1] =	wrdreg $0xFFFFFFFF  }
0xc0: {  	_ =	task.clear_ibuf [dreg:s6], $0x2FFFF;
	_ =	strace $0x9FFFFFFF  }
0xc1: {  	(tm) =	ssettm $0x7FFFFFFF  }
tec
execute0_lowered:
.L_overlay_start_1:
0x0: {  	(tag) =	ssettag $0x1  }
0x1: {  	s2 =	simm.s32 $0x0;
	vm0 =	vmmov $0x7;
	v8 =	vimm.s32 $0x0  }
0x2: {  	[smem:$0x7FF] =	sst s2;
	v8 =	vsel vm0, $0xFFFFFFFF, v8  }
0x3: {  	s0 =	rddreg [dreg:$0x0];
	vm14 =	vmmov $0xf;
	_ =	strace $0x8000004A;
	[tilespmem:$0x1FF10] =	vst v8;
	v8 =	vimm.s32 $0x0  }
0x4: {  	v8 =	vsel vm14, $0xFFFFFFFF, v8  }
0x5: {  	vm15 =	vmmov $0x1f;
	[tilespmem:$0x1FF20] =	vst v8;
	v8 =	vimm.s32 $0x0  }
0x6: {  	v8 =	vsel vm15, $0xFFFFFFFF, v8  }
0x7: {  	vm4 =	vmmov $0x3f;
	[tilespmem:$0x1FF30] =	vst v8;
	v8 =	vimm.s32 $0x0  }
0x8: {  	v8 =	vsel vm4, $0xFFFFFFFF, v8  }
0x9: {  	vm5 =	vmmov $0x7f;
	[tilespmem:$0x1FF40] =	vst v8;
	v8 =	vimm.s32 $0x0  }
0xa: {  	v8 =	vsel vm5, $0xFFFFFFFF, v8  }
0xb: {  	vm6 =	vmmov $0xff;
	[tilespmem:$0x1FF50] =	vst v8;
	v8 =	vimm.s32 $0x0  }
0xc: {  	v8 =	vsel vm6, $0xFFFFFFFF, v8  }
0xd: {  	vm7 =	vmmov $0x1ff;
	[tilespmem:$0x1FF60] =	vst v8;
	v8 =	vimm.s32 $0x0  }
0xe: {  	v8 =	vsel vm7, $0xFFFFFFFF, v8  }
0xf: {  	vm8 =	vmmov $0x3ff;
	[tilespmem:$0x1FF70] =	vst v8;
	v8 =	vimm.s32 $0x0  }
0x10: {  	v8 =	vsel vm8, $0xFFFFFFFF, v8  }
0x11: {  	vm9 =	vmmov $0x7ff;
	[tilespmem:$0x1FF80] =	vst v8;
	v8 =	vimm.s32 $0x0  }
0x12: {  	v8 =	vsel vm9, $0xFFFFFFFF, v8  }
0x13: {  	vm10 =	vmmov $0xfff;
	[tilespmem:$0x1FF90] =	vst v8;
	v8 =	vimm.s32 $0x0  }
0x14: {  	s1 =	srdreg.scid;
	v8 =	vsel vm10, $0xFFFFFFFF, v8  }
0x15: {  	s9 =	stileid.u32;
	s14 =	simm.s32 $0x1;
	s15 =	simm.s32 $0x4000;
	vm11 =	vmmov $0x1fff;
	[tilespmem:$0x1FFA0] =	vst v8;
	v8 =	vimm.s32 $0x0  }
0x16: {  	s16 =	simm.s32 $0x8000;
	s17 =	simm.s32 $0xC000;
	s18 =	simm.s32 $0x10000;
	v8 =	vsel vm11, $0xFFFFFFFF, v8  }
0x17: {  	s19 =	simm.s32 $0x14000;
	s20 =	simm.s32 $0x18000;
	vm12 =	vmmov $0x3fff;
	s21 =	simm.s32 $0x1C000;
	[tilespmem:$0x1FFB0] =	vst v8;
	v8 =	vimm.s32 $0x0  }
0x18: {  	s22 =	simm.s32 $0x1C300;
	s23 =	simm.s32 $0x0;
	s1 =	sand.u32 $0x1, s1;
	v8 =	vsel vm12, $0xFFFFFFFF, v8  }
0x19: {  	vm13 =	vmmov $0x7fff;
	s5 =	sshll.u32 s9, $0x1;
	s3 =	sadd.s32 $0x100A00, s0;
	s4 =	sadd.s32 $0x140A00, s0;
	[tilespmem:$0x1FFC0] =	vst v8;
	v8 =	vimm.s32 $0x0  }
0x1a: {  	s6 =	sadd.s32 $0xA00, s0;
	s9 =	sshll.u32 s9, $0x13;
	s7 =	sor.u32 s1, s5;
	v8 =	vsel vm13, $0xFFFFFFFF, v8  }
0x1b: {  	s5 =	sadd.s32 $0x180A00, s0;
	s1 =	ssub.s32 $0x2, s1;
	s9 =	sand.u32 $0x700000, s9;
	vm14 =	vmmov $0x1;
	[tilespmem:$0x1FFD0] =	vst v8;
	v8 =	vimm.s32 $0x0  }
0x1c: {  	v0 =	vlaneseq.u32;
	v1 =	vimm.f32 $0.0e+00;
	s8 =	sshll.u32 s7, $0x3;
	s7 =	sshll.u32 s7, $0x10;
	s10 =	sshrl.u32 s1, $0x1;
	v8 =	vsel vm14, $0xFFFFFFFF, v8  }
0x1d: {  	v3 =	vor.u32 $0x10, v0;
	s11 =	sand.u32 $0x30000, s7;
	s12 =	sadd.s32 s8, s0;
	s1 =	ssub.s32 s1, s10;
	vm15 =	vmmov $0x3;
	[tilespmem:$0x1FFE0] =	vst v8;
	v8 =	vimm.s32 $0x0  }
0x1e: {  	v4 =	vor.u32 $0x20, v0;
	v5 =	vor.u32 $0x30, v0;
	s10 =	sadd.s32 $0x10A00, s0;
	s8 =	sor.u32 s9, s11;
	s9 =	sadd.s32 $0x8A00, s0;
	v8 =	vsel vm15, $0xFFFFFFFF, v8  }
0x1f: {  	v2 =	vimm.f32 $1.000000000e+00;
	v6 =	vor.u32 $0x40, v0;
	v7 =	vor.u32 $0x50, v0;
	s11 =	sadd.s32 $0x18A00, s0;
	s12 =	sadd.s32 $0x1C0A00, s12;
	s13 =	smax.u32 s1, $0x1;
	[tilespmem:$0x1FFF0] =	vst v8  }
.LBB2_1:
0x20: {  	[tilespmem:$0x1C000] =	vst v1  }
0x21: {  	[tilespmem:$0x1C010] =	vst v1  }
0x22: {  	[tilespmem:$0x1C020] =	vst v1  }
0x23: {  	[tilespmem:$0x1C030] =	vst v1  }
0x24: {  	[tilespmem:$0x1C040] =	vst v1  }
0x25: {  	[tilespmem:$0x1C050] =	vst v1  }
0x26: {  	[tilespmem:$0x1C060] =	vst v1  }
0x27: {  	[tilespmem:$0x1C070] =	vst v1  }
0x28: {  	[tilespmem:$0x1C080] =	vst v1  }
0x29: {  	[tilespmem:$0x1C090] =	vst v1  }
0x2a: {  	[tilespmem:$0x1C0A0] =	vst v1  }
0x2b: {  	[tilespmem:$0x1C0B0] =	vst v1  }
0x2c: {  	[tilespmem:$0x1C0C0] =	vst v1  }
0x2d: {  	[tilespmem:$0x1C0D0] =	vst v1  }
0x2e: {  	[tilespmem:$0x1C0E0] =	vst v1  }
0x2f: {  	[tilespmem:$0x1C0F0] =	vst v1  }
0x30: {  	[tilespmem:$0x1C100] =	vst v1  }
0x31: {  	[tilespmem:$0x1C110] =	vst v1  }
0x32: {  	[tilespmem:$0x1C120] =	vst v1  }
0x33: {  	[tilespmem:$0x1C130] =	vst v1  }
0x34: {  	[tilespmem:$0x1C140] =	vst v1  }
0x35: {  	[tilespmem:$0x1C150] =	vst v1  }
0x36: {  	[tilespmem:$0x1C160] =	vst v1  }
0x37: {  	[tilespmem:$0x1C170] =	vst v1  }
0x38: {  	[tilespmem:$0x1C180] =	vst v1  }
0x39: {  	[tilespmem:$0x1C190] =	vst v1  }
0x3a: {  	[tilespmem:$0x1C1A0] =	vst v1  }
0x3b: {  	[tilespmem:$0x1C1B0] =	vst v1  }
0x3c: {  	[tilespmem:$0x1C1C0] =	vst v1  }
0x3d: {  	[tilespmem:$0x1C1D0] =	vst v1  }
0x3e: {  	[tilespmem:$0x1C1E0] =	vst v1  }
0x3f: {  	[tilespmem:$0x1C1F0] =	vst v1  }
0x40: {  	[tilespmem:$0x1C200] =	vst v1  }
0x41: {  	[tilespmem:$0x1C210] =	vst v1  }
0x42: {  	[tilespmem:$0x1C220] =	vst v1  }
0x43: {  	[tilespmem:$0x1C230] =	vst v1  }
0x44: {  	[tilespmem:$0x1C240] =	vst v1  }
0x45: {  	[tilespmem:$0x1C250] =	vst v1  }
0x46: {  	[tilespmem:$0x1C260] =	vst v1  }
0x47: {  	[tilespmem:$0x1C270] =	vst v1  }
0x48: {  	[tilespmem:$0x1C280] =	vst v1  }
0x49: {  	[tilespmem:$0x1C290] =	vst v1  }
0x4a: {  	[tilespmem:$0x1C2A0] =	vst v1  }
0x4b: {  	[tilespmem:$0x1C2B0] =	vst v1  }
0x4c: {  	[tilespmem:$0x1C2C0] =	vst v1  }
0x4d: {  	[tilespmem:$0x1C2D0] =	vst v1  }
0x4e: {  	[tilespmem:$0x1C2E0] =	vst v1  }
0x4f: {  	[tilespmem:$0x1C2F0] =	vst v1;
	s24 =	simm.s32 $0x0  }
.LBB2_2:
0x50: {  	s0 =	sshll.u32 s24, $0xE  }
0x51: {  	s1 =	sor.u32 s7, s0  }
0x52: {  	s1 =	sshrl.u32 s1, $0x3  }
0x53: {  	s25 =	sadd.s32 s3, s1  }
0x54: {  	[tilespmem:s2], [sflag:$0x1] =	stream.linear.gather [hbm4b:s25+s2], $0x4000, $0x38;
	[tilespmem:$0x1C380] =	vst v63  }
0x55: {  	_ =	swait.ge [sflag:s14], $0x4000  }
0x56: {  	[sflag:s14] =	ssyncset.done $0x0  }
0x57: {  	s26 =	sadd.s32 s4, s1;
	[sflag:s14] =	ssyncadd.s32 $0xFFFFC000  }
0x58: {  	[tilespmem:s15], [sflag:$0x1] =	stream.linear.gather [hbm4b:s26+s2], $0x4000, $0x38;
	[tilespmem:$0x1C380] =	vst v63  }
0x59: {  	_ =	swait.ge [sflag:s14], $0x4000  }
0x5a: {  	[sflag:s14] =	ssyncset.done $0x0  }
0x5b: {  	s1 =	sadd.s32 s5, s1;
	[sflag:s14] =	ssyncadd.s32 $0xFFFFC000  }
0x5c: {  	[tilespmem:s16], [sflag:$0x1] =	stream.linear.gather [hbm4b:s1+s2], $0x4000, $0x38;
	[tilespmem:$0x1C380] =	vst v63  }
0x5d: {  	s0 =	sor.u32 s0, s8;
	_ =	swait.ge [sflag:s14], $0x4000  }
0x5e: {  	s0 =	sshrl.u32 s0, $0x3;
	[sflag:s14] =	ssyncset.done $0x0  }
0x5f: {  	s26 =	sadd.s32 s6, s0;
	[sflag:s14] =	ssyncadd.s32 $0xFFFFC000  }
0x60: {  	[tilespmem:s17], [sflag:$0x1] =	stream.linear.gather [hbm4b:s26+s2], $0x4000, $0x38;
	[tilespmem:$0x1C380] =	vst v63  }
0x61: {  	_ =	swait.ge [sflag:s14], $0x4000  }
0x62: {  	[sflag:s14] =	ssyncset.done $0x0  }
0x63: {  	s25 =	sadd.s32 s0, s9;
	[sflag:s14] =	ssyncadd.s32 $0xFFFFC000  }
0x64: {  	[tilespmem:s18], [sflag:$0x1] =	stream.linear.gather [hbm4b:s25+s2], $0x4000, $0x38;
	[tilespmem:$0x1C380] =	vst v63  }
0x65: {  	_ =	swait.ge [sflag:s14], $0x4000  }
0x66: {  	[sflag:s14] =	ssyncset.done $0x0  }
0x67: {  	s26 =	sadd.s32 s0, s10;
	[sflag:s14] =	ssyncadd.s32 $0xFFFFC000  }
0x68: {  	[tilespmem:s19], [sflag:$0x1] =	stream.linear.gather [hbm4b:s26+s2], $0x4000, $0x38;
	[tilespmem:$0x1C380] =	vst v63  }
0x69: {  	_ =	swait.ge [sflag:s14], $0x4000  }
0x6a: {  	[sflag:s14] =	ssyncset.done $0x0  }
0x6b: {  	s0 =	sadd.s32 s0, s11;
	[sflag:s14] =	ssyncadd.s32 $0xFFFFC000  }
0x6c: {  	[tilespmem:s20], [sflag:$0x1] =	stream.linear.gather [hbm4b:s0+s2], $0x4000, $0x38;
	[tilespmem:$0x1C380] =	vst v63  }
0x6d: {  	_ =	swait.ge [sflag:s14], $0x4000  }
0x6e: {  	[sflag:s14] =	ssyncset.done $0x0  }
0x6f: {  	s1 =	simm.s32 $0x40;
	[sflag:s14] =	ssyncadd.s32 $0xFFFFC000  }
0x70: {  	s25 =	simm.s32 $0x8040;
	v8 =	vld [tilespmem:s1+$0x30]  }
0x71: {  	s26 =	simm.s32 $0x4040;
	v9 =	vld [tilespmem:s25+$0x30]  }
0x72: {  	v10 =	vld [tilespmem:s26+$0x30]  }
0x73: {  	v11 =	vld [tilespmem:s25+$0xFFFFFFC0]  }
0x74: {  	v12 =	vld [tilespmem:s25+$0xFFFFFFD0]  }
0x75: {  	v13 =	vld [tilespmem:s25+$0xFFFFFFE0]  }
0x76: {  	v15 =	vld [tilespmem:s25+$0x10]  }
0x77: {  	v16 =	vld [tilespmem:s25+$0x20];
	vm0 =	vgt.f32 v9, $5.000000000e-01  }
0x78: {  	v17 =	vld [tilespmem:s26+$0xFFFFFFC0];
	v8 =	vnsel vm0, $0x0, v8;
	vm0 =	vgt.f32 v10, $5.000000000e-01  }
0x79: {  	v18 =	vld [tilespmem:s1+$0xFFFFFFD0];
	v14 =	vnsel vm0, $0x0, v8  }
0x7a: {  	v20 =	vld [tilespmem:s26+$0xFFFFFFD0];
	v14 =	vtrunc.f32 v14  }
0x7b: {  	v21 =	vld [tilespmem:s1+$0xFFFFFFE0];
	v8 =	vtrunc.f32 v8;
	v14 =	vcvt.f32.s32 v14  }
0x7c: {  	v9 =	vld [tilespmem:s25+$0xFFFFFFF0];
	v8 =	vcvt.f32.s32 v8  }
0x7d: {  	vm1 =	vgt.f32 v16, $5.000000000e-01;
	v16 =	vld [tilespmem:s1+$0x10];
	v19 =	vmul.u32 $0x60, v14  }
0x7e: {  	v10 =	vld [tilespmem:s25+$0x0];
	vm4 =	vne.s32 v14, $0x0;
	v14 =	vmul.u32 $0x60, v8  }
0x7f: {  	v22 =	vld [tilespmem:s26+$0xFFFFFFE0];
	vm2 =	vne.s32 v8, $0x0;
	v8 =	vor.u32 v0, v19  }
0x80: {  	v23 =	vld [tilespmem:s1+$0xFFFFFFF0];
	v14 =	vor.u32 v3, v14  }
0x81: {  	v24 =	vld [tilespmem:s26+$0xFFFFFFF0];
	vm5 =	vgt.f32 v12, $5.000000000e-01;
	vm6 =	vgt.f32 v13, $5.000000000e-01;
	vm3 =	vgt.f32 v15, $5.000000000e-01  }
0x82: {  	v43 =	vld [tilespmem:s1+$0x20];
	vm0 =	vgt.f32 v11, $5.000000000e-01;
	vm7 =	vgt.f32 v9, $5.000000000e-01;
	v16 =	vnsel vm3, $0x0, v16  }
0x83: {  	v11 =	vld [tilespmem:s1+$0x0];
	vm8 =	vgt.f32 v10, $5.000000000e-01;
	v12 =	vadd.s32 v4, v19;
	v41 =	vadd.s32 v5, v19  }
0x84: {  	v26 =	vadd.s32 v6, v19;
	[tilespmem:v8+s21+$0x0] =	vst.idx.add.f32.msk vm4, v2;
	v8 =	vnsel vm5, $0x0, v18;
	vm5 =	vgt.f32 v20, $5.000000000e-01  }
0x85: {  	[tilespmem:v14+s21+$0x0] =	vst.idx.add.f32.msk vm2, v2;
	v9 =	vtrunc.f32 v8;
	vm2 =	vgt.f32 v17, $5.000000000e-01;
	v8 =	vnsel vm5, $0x0, v8  }
0x86: {  	v18 =	vld [tilespmem:s26+$0x10];
	v13 =	vcvt.f32.s32 v9;
	v9 =	vnsel vm6, $0x0, v21;
	v8 =	vtrunc.f32 v8  }
0x87: {  	s28 =	simm.s32 $0xC040;
	v14 =	vld [tilespmem:s26+$0x0];
	vm5 =	vgt.f32 v22, $5.000000000e-01;
	v15 =	vtrunc.f32 v9;
	v17 =	vcvt.f32.s32 v8  }
0x88: {  	v10 =	vld [tilespmem:s28+$0x30];
	v8 =	vnsel vm5, $0x0, v9;
	v9 =	vnsel vm7, $0x0, v23;
	vm5 =	vgt.f32 v24, $5.000000000e-01  }
0x89: {  	v23 =	vnsel vm1, $0x0, v43;
	v8 =	vtrunc.f32 v8;
	v39 =	vnsel vm5, $0x0, v9  }
0x8a: {  	v40 =	vtrunc.f32 v9;
	v9 =	vnsel vm8, $0x0, v11;
	v15 =	vcvt.f32.s32 v15  }
0x8b: {  	v28 =	vtrunc.f32 v23;
	v29 =	vmul.u32 $0x60, v13;
	vm6 =	vne.s32 v13, $0x0  }
0x8c: {  	v11 =	vtrunc.f32 v9;
	v21 =	vcvt.f32.s32 v40;
	vm3 =	vgt.f32 v18, $5.000000000e-01  }
0x8d: {  	s29 =	simm.s32 $0x10040;
	v18 =	vtrunc.f32 v16;
	vm5 =	vgt.f32 v14, $5.000000000e-01;
	v14 =	vcvt.f32.s32 v8;
	[tilespmem:v12+s21+$0x0] =	vst.idx.add.f32.msk vm4, v10  }
0x8e: {  	v8 =	vmul.u32 $0x60, v17;
	v11 =	vcvt.f32.s32 v11;
	v10 =	vtrunc.f32 v39;
	v12 =	vld [tilespmem:s29+$0x30]  }
0x8f: {  	v16 =	vnsel vm3, $0x0, v16;
	vm3 =	vne.s32 v17, $0x0;
	v42 =	vcvt.f32.s32 v10;
	v10 =	vld [tilespmem:s1+$0xFFFFFFC0]  }
0x90: {  	v52 =	vor.u32 v3, v29;
	vm7 =	vne.s32 v15, $0x0;
	v9 =	vnsel vm5, $0x0, v9  }
0x91: {  	v25 =	vld [tilespmem:s26+$0x20];
	v16 =	vtrunc.f32 v16;
	v44 =	vtrunc.f32 v9;
	v9 =	vmul.u32 $0x60, v14  }
0x92: {  	v13 =	vmul.u32 $0x60, v21;
	vm14 =	vne.s32 v14, $0x0;
	v24 =	vcvt.f32.s32 v44  }
0x93: {  	s30 =	simm.s32 $0x14040;
	v45 =	vcvt.f32.s32 v16;
	v14 =	vor.u32 v0, v9;
	vm15 =	vne.s32 v42, $0x0;
	[tilespmem:v41+s21+$0x0] =	vst.idx.add.f32.msk vm4, v12  }
0x94: {  	v16 =	vmul.u32 $0x60, v24;
	v12 =	vcvt.f32.s32 v18;
	v18 =	vnsel vm0, $0x0, v10;
	v20 =	vld [tilespmem:s30+$0x30]  }
0x95: {  	v10 =	vmul.u32 $0x60, v42;
	v27 =	vnsel vm2, $0x0, v18;
	v18 =	vtrunc.f32 v18  }
0x96: {  	vm0 =	vgt.f32 v25, $5.000000000e-01;
	v17 =	vcvt.f32.s32 v18;
	v18 =	vor.u32 v0, v8  }
0x97: {  	v23 =	vnsel vm0, $0x0, v23;
	vm0 =	vne.s32 v24, $0x0;
	v31 =	vor.u32 v0, v10  }
0x98: {  	vm8 =	vne.s32 v21, $0x0;
	vm9 =	vne.s32 v11, $0x0;
	v32 =	vor.u32 v0, v16;
	[tilespmem:v14+s21+$0x0] =	vst.idx.add.f32.msk vm14, v2  }
0x99: {  	s31 =	simm.s32 $0x18040;
	v50 =	vmul.u32 $0x60, v17;
	vm5 =	vne.s32 v17, $0x0;
	v17 =	vmul.u32 $0x60, v15;
	[tilespmem:v26+s21+$0x0] =	vst.idx.add.f32.msk vm4, v20  }
0x9a: {  	v13 =	vor.u32 v3, v13;
	v27 =	vtrunc.f32 v27;
	v15 =	vmul.u32 $0x60, v11;
	v47 =	vld [tilespmem:s31+$0x30]  }
0x9b: {  	v23 =	vtrunc.f32 v23;
	v27 =	vcvt.f32.s32 v27;
	v17 =	vor.u32 v3, v17;
	[tilespmem:v18+s21+$0x0] =	vst.idx.add.f32.msk vm3, v2  }
0x9c: {  	v46 =	vcvt.f32.s32 v23;
	v14 =	vor.u32 v3, v15;
	[tilespmem:v31+s21+$0x0] =	vst.idx.add.f32.msk vm15, v2  }
0x9d: {  	v19 =	vadd.s32 v7, v19;
	v30 =	vmul.u32 $0x60, v27;
	[tilespmem:v32+s21+$0x0] =	vst.idx.add.f32.msk vm0, v2  }
0x9e: {  	v28 =	vcvt.f32.s32 v28;
	vm2 =	vne.s32 v27, $0x0;
	v51 =	vmul.u32 $0x60, v46;
	[tilespmem:v52+s21+$0x0] =	vst.idx.add.f32.msk vm6, v2  }
0x9f: {  	vm11 =	vne.s32 v12, $0x0;
	vm10 =	vne.s32 v46, $0x0;
	v48 =	vor.u32 v0, v30;
	[tilespmem:v13+s21+$0x0] =	vst.idx.add.f32.msk vm8, v2  }
0xa0: {  	v11 =	vmul.u32 $0x60, v12;
	v12 =	vmul.u32 $0x60, v28;
	v18 =	vor.u32 v0, v51;
	[tilespmem:v17+s21+$0x0] =	vst.idx.add.f32.msk vm7, v2  }
0xa1: {  	vm6 =	vne.s32 v28, $0x0;
	[tilespmem:v14+s21+$0x0] =	vst.idx.add.f32.msk vm9, v2  }
0xa2: {  	v12 =	vor.u32 v3, v12;
	v17 =	vld [tilespmem:s28+$0xFFFFFFF0]  }
0xa3: {  	[tilespmem:v19+s21+$0x0] =	vst.idx.add.f32.msk vm4, v47  }
0xa4: {  	[tilespmem:v48+s21+$0x0] =	vst.idx.add.f32.msk vm2, v2  }
0xa5: {  	v53 =	vadd.s32 v4, v10;
	[tilespmem:v18+s21+$0x0] =	vst.idx.add.f32.msk vm10, v2  }
0xa6: {  	v19 =	vor.u32 v3, v50;
	v14 =	vld [tilespmem:s28+$0xFFFFFFE0]  }
0xa7: {  	[tilespmem:v12+s21+$0x0] =	vst.idx.add.f32.msk vm6, v2  }
0xa8: {  	v18 =	vadd.s32 v4, v9;
	v12 =	vld [tilespmem:s28+$0xFFFFFFD0]  }
0xa9: {  	v49 =	vmul.u32 $0x60, v45;
	vm4 =	vne.s32 v45, $0x0;
	v56 =	vld [tilespmem:s28+$0x20]  }
0xaa: {  	vm4 =	vmmov vm4;
	[tilespmem:v53+s21+$0x0] =	vst.idx.add.f32.msk vm15, v17  }
0xab: {  	v15 =	vor.u32 v0, v49;
	[tilespmem:v19+s21+$0x0] =	vst.idx.add.f32.msk vm5, v2  }
0xac: {  	v11 =	vor.u32 v3, v11;
	v19 =	vld [tilespmem:s28+$0x0]  }
0xad: {  	[tilespmem:v18+s21+$0x0] =	vst.idx.add.f32.msk vm14, v14  }
0xae: {  	v17 =	vld [tilespmem:s29+$0xFFFFFFF0]  }
0xaf: {  	v55 =	vadd.s32 v4, v16;
	v14 =	vld [tilespmem:s29+$0xFFFFFFE0]  }
0xb0: {  	v58 =	vadd.s32 v5, v10;
	[tilespmem:v15+s21+$0x0] =	vst.idx.add.f32.msk vm4, v2  }
0xb1: {  	[tilespmem:v11+s21+$0x0] =	vst.idx.add.f32.msk vm11, v2  }
0xb2: {  	v18 =	vadd.s32 v5, v9;
	v11 =	vld [tilespmem:s28+$0xFFFFFFC0]  }
0xb3: {  	v13 =	vadd.s32 v4, v30;
	v54 =	vld [tilespmem:s28+$0x10]  }
0xb4: {  	[tilespmem:v55+s21+$0x0] =	vst.idx.add.f32.msk vm0, v19  }
0xb5: {  	v15 =	vadd.s32 v4, v8;
	[tilespmem:v58+s21+$0x0] =	vst.idx.add.f32.msk vm15, v17  }
0xb6: {  	v19 =	vld [tilespmem:s29+$0x0]  }
0xb7: {  	[tilespmem:v18+s21+$0x0] =	vst.idx.add.f32.msk vm14, v14  }
0xb8: {  	[tilespmem:v13+s21+$0x0] =	vst.idx.add.f32.msk vm2, v11;
	v11 =	vadd.s32 v4, v51  }
0xb9: {  	v17 =	vld [tilespmem:s30+$0xFFFFFFF0]  }
0xba: {  	v57 =	vadd.s32 v4, v49;
	[tilespmem:v15+s21+$0x0] =	vst.idx.add.f32.msk vm3, v12  }
0xbb: {  	v14 =	vld [tilespmem:s30+$0xFFFFFFE0]  }
0xbc: {  	v59 =	vadd.s32 v5, v16;
	v12 =	vld [tilespmem:s29+$0xFFFFFFD0]  }
0xbd: {  	[tilespmem:v11+s21+$0x0] =	vst.idx.add.f32.msk vm10, v56  }
0xbe: {  	v13 =	vadd.s32 v5, v30;
	v11 =	vld [tilespmem:s29+$0xFFFFFFC0]  }
0xbf: {  	v61 =	vadd.s32 v6, v10;
	[tilespmem:v57+s21+$0x0] =	vst.idx.add.f32.msk vm4, v54  }
0xc0: {  	v21 =	vld [tilespmem:s29+$0x10]  }
0xc1: {  	v18 =	vadd.s32 v6, v9;
	[tilespmem:v59+s21+$0x0] =	vst.idx.add.f32.msk vm0, v19  }
0xc2: {  	vm5 =	vmmov vm10;
	v15 =	vadd.s32 v5, v8;
	v23 =	vld [tilespmem:s29+$0x20]  }
0xc3: {  	[tilespmem:v13+s21+$0x0] =	vst.idx.add.f32.msk vm2, v11;
	v11 =	vadd.s32 v5, v51  }
0xc4: {  	[tilespmem:v61+s21+$0x0] =	vst.idx.add.f32.msk vm15, v17  }
0xc5: {  	v19 =	vld [tilespmem:s30+$0x0]  }
0xc6: {  	v60 =	vadd.s32 v5, v49;
	[tilespmem:v18+s21+$0x0] =	vst.idx.add.f32.msk vm14, v14  }
0xc7: {  	[tilespmem:v15+s21+$0x0] =	vst.idx.add.f32.msk vm3, v12  }
0xc8: {  	[tilespmem:v11+s21+$0x0] =	vst.idx.add.f32.msk vm5, v23  }
0xc9: {  	v13 =	vadd.s32 v6, v30;
	v11 =	vld [tilespmem:s30+$0xFFFFFFC0]  }
0xca: {  	v62 =	vadd.s32 v6, v16;
	v12 =	vld [tilespmem:s30+$0xFFFFFFD0]  }
0xcb: {  	v15 =	vadd.s32 v6, v8;
	[tilespmem:v60+s21+$0x0] =	vst.idx.add.f32.msk vm4, v21  }
0xcc: {  	v63 =	vadd.s32 v6, v49;
	v21 =	vld [tilespmem:s30+$0x10]  }
0xcd: {  	v23 =	vld [tilespmem:s30+$0x20]  }
0xce: {  	[tilespmem:v13+s21+$0x0] =	vst.idx.add.f32.msk vm2, v11;
	v11 =	vadd.s32 v6, v51  }
0xcf: {  	[tilespmem:v62+s21+$0x0] =	vst.idx.add.f32.msk vm0, v19  }
0xd0: {  	[tilespmem:v15+s21+$0x0] =	vst.idx.add.f32.msk vm3, v12  }
0xd1: {  	[tilespmem:v63+s21+$0x0] =	vst.idx.add.f32.msk vm4, v21  }
0xd2: {  	v14 =	vadd.s32 v7, v8;
	v8 =	vadd.s32 v7, v51;
	v15 =	vld [tilespmem:s31+$0xFFFFFFC0]  }
0xd3: {  	v12 =	vadd.s32 v7, v9;
	v9 =	vadd.s32 v7, v49;
	[tilespmem:v11+s21+$0x0] =	vst.idx.add.f32.msk vm5, v23  }
0xd4: {  	s0 =	simm.s32 $0x0;
	s1 =	simm.s32 $0xC0;
	v13 =	vadd.s32 v7, v30;
	v11 =	vadd.s32 v7, v10;
	v10 =	vadd.s32 v7, v16;
	v16 =	vld [tilespmem:s31+$0xFFFFFFD0]  }
.LBB2_3:
0xd5: {  	v45 =	vld [tilespmem:s1+$0xFFFFFFD0]  }
0xd6: {  	v47 =	vld [tilespmem:s1+$0xFFFFFFF0]  }
0xd7: {  	v51 =	vld [tilespmem:s1+$0x0]  }
0xd8: {  	v55 =	vld [tilespmem:s1+$0x10]  }
0xd9: {  	s25 =	sadd.s32 $0x80, s25;
	v31 =	vld [tilespmem:s1+$0x20]  }
0xda: {  	v18 =	vld [tilespmem:s25+$0x30]  }
0xdb: {  	v20 =	vld [tilespmem:s25+$0xFFFFFFC0]  }
0xdc: {  	v21 =	vld [tilespmem:s25+$0xFFFFFFD0]  }
0xdd: {  	v22 =	vld [tilespmem:s25+$0xFFFFFFE0]  }
0xde: {  	v17 =	vimm.s32 $0x0;
	s26 =	sadd.s32 $0x80, s26;
	v24 =	vld [tilespmem:s25+$0x20]  }
0xdf: {  	v17 =	vsel vm14, $0xFFFFFFFF, v17;
	v25 =	vld [tilespmem:s26+$0xFFFFFFC0]  }
0xe0: {  	[tilespmem:$0x1FF00] =	vst v17;
	v17 =	vld [tilespmem:s1+$0x30]  }
0xe1: {  	v19 =	vld [tilespmem:s26+$0x30]  }
0xe2: {  	v35 =	vld [tilespmem:s1+$0xFFFFFFC0]  }
0xe3: {  	v46 =	vld [tilespmem:s26+$0xFFFFFFD0];
	vm6 =	vgt.f32 v18, $5.000000000e-01  }
0xe4: {  	v36 =	vld [tilespmem:s31+$0xFFFFFFE0];
	vm7 =	vgt.f32 v20, $5.000000000e-01;
	vm14 =	vgt.f32 v21, $5.000000000e-01;
	vm13 =	vgt.f32 v22, $5.000000000e-01  }
0xe5: {  	v37 =	vld [tilespmem:s31+$0xFFFFFFF0];
	vm9 =	vgt.f32 v24, $5.000000000e-01;
	vm8 =	vgt.f32 v25, $5.000000000e-01;
	v17 =	vnsel vm6, $0x0, v17  }
0xe6: {  	v23 =	vld [tilespmem:s25+$0xFFFFFFF0];
	vm6 =	vgt.f32 v19, $5.000000000e-01;
	v48 =	vnsel vm14, $0x0, v45;
	v31 =	vnsel vm9, $0x0, v31  }
0xe7: {  	v18 =	vld [tilespmem:s25+$0x0];
	v61 =	vnsel vm7, $0x0, v35;
	v44 =	vnsel vm6, $0x0, v17;
	v17 =	vtrunc.f32 v17  }
0xe8: {  	v19 =	vld [tilespmem:s25+$0x10];
	vm14 =	vgt.f32 v46, $5.000000000e-01;
	v60 =	vtrunc.f32 v31;
	v25 =	vtrunc.f32 v61  }
0xe9: {  	v39 =	vld [tilespmem:s31+$0x0];
	v27 =	vnsel vm14, $0x0, v48;
	v20 =	vtrunc.f32 v44;
	v17 =	vcvt.f32.s32 v17  }
0xea: {  	v43 =	vld [tilespmem:s31+$0x10];
	v41 =	vnsel vm8, $0x0, v61;
	v27 =	vtrunc.f32 v27;
	v20 =	vcvt.f32.s32 v20  }
0xeb: {  	v26 =	vld [tilespmem:s26+$0xFFFFFFE0];
	vm12 =	vgt.f32 v23, $5.000000000e-01;
	v25 =	vcvt.f32.s32 v25;
	v41 =	vtrunc.f32 v41  }
0xec: {  	v49 =	vld [tilespmem:s26+$0xFFFFFFF0];
	v41 =	vcvt.f32.s32 v41;
	vm11 =	vgt.f32 v18, $5.000000000e-01;
	v21 =	vmul.u32 $0x60, v20  }
0xed: {  	v18 =	vld [tilespmem:s1+$0xFFFFFFE0];
	vm10 =	vgt.f32 v19, $5.000000000e-01;
	vm6 =	vne.s32 v20, $0x0;
	v19 =	vmul.u32 $0x60, v17  }
0xee: {  	[tilespmem:v13+s21+$0x0] =	vst.idx.add.f32.msk vm2, v15;
	v27 =	vcvt.f32.s32 v27;
	vm1 =	vne.s32 v17, $0x0;
	v17 =	vor.u32 v0, v21  }
0xef: {  	[tilespmem:v14+s21+$0x0] =	vst.idx.add.f32.msk vm3, v16;
	v13 =	vmul.u32 $0x60, v25;
	v14 =	vmul.u32 $0x60, v41;
	v19 =	vor.u32 v3, v19  }
0xf0: {  	v52 =	vld [tilespmem:s26+$0x0];
	vm2 =	vne.s32 v41, $0x0;
	vm3 =	vne.s32 v27, $0x0;
	v57 =	vnsel vm10, $0x0, v55  }
0xf1: {  	v29 =	vld [tilespmem:s26+$0x10];
	v13 =	vor.u32 v3, v13;
	v54 =	vadd.s32 v4, v21;
	v34 =	vadd.s32 v5, v21  }
0xf2: {  	v33 =	vld [tilespmem:s26+$0x20];
	v59 =	vtrunc.f32 v57;
	v18 =	vnsel vm13, $0x0, v18;
	vm13 =	vgt.f32 v26, $5.000000000e-01  }
0xf3: {  	v53 =	vtrunc.f32 v18;
	[tilespmem:v17+s21+$0x0] =	vst.idx.add.f32.msk vm6, v2;
	v17 =	vnsel vm13, $0x0, v18;
	v18 =	vnsel vm12, $0x0, v47  }
0xf4: {  	vm12 =	vne.s32 v25, $0x0;
	[tilespmem:v19+s21+$0x0] =	vst.idx.add.f32.msk vm1, v2;
	v17 =	vtrunc.f32 v17;
	vm1 =	vgt.f32 v49, $5.000000000e-01  }
0xf5: {  	s28 =	sadd.s32 $0x80, s28;
	v45 =	vld [tilespmem:s31+$0x20];
	v28 =	vtrunc.f32 v18;
	v24 =	vnsel vm1, $0x0, v18;
	v18 =	vnsel vm11, $0x0, v51  }
0xf6: {  	v19 =	vld [tilespmem:s28+$0x30];
	vm1 =	vgt.f32 v52, $5.000000000e-01;
	v30 =	vcvt.f32.s32 v17;
	v28 =	vcvt.f32.s32 v28  }
0xf7: {  	[tilespmem:v11+s21+$0x0] =	vst.idx.add.f32.msk vm15, v37;
	v17 =	vmul.u32 $0x60, v27;
	v24 =	vtrunc.f32 v24;
	v56 =	vtrunc.f32 v18  }
0xf8: {  	[tilespmem:v10+s21+$0x0] =	vst.idx.add.f32.msk vm0, v39;
	v18 =	vnsel vm1, $0x0, v18;
	vm1 =	vgt.f32 v29, $5.000000000e-01;
	v29 =	vcvt.f32.s32 v59  }
0xf9: {  	[tilespmem:v9+s21+$0x0] =	vst.idx.add.f32.msk vm4, v43;
	v51 =	vor.u32 v0, v14;
	v24 =	vcvt.f32.s32 v24;
	v32 =	vtrunc.f32 v18  }
0xfa: {  	[tilespmem:v8+s21+$0x0] =	vst.idx.add.f32.msk vm5, v45;
	v23 =	vcvt.f32.s32 v56;
	v22 =	vnsel vm1, $0x0, v57;
	vm1 =	vgt.f32 v33, $5.000000000e-01  }
0xfb: {  	s29 =	sadd.s32 $0x80, s29;
	v47 =	vmul.u32 $0x60, v28;
	v16 =	vor.u32 v0, v17;
	v32 =	vcvt.f32.s32 v32;
	[tilespmem:v54+s21+$0x0] =	vst.idx.add.f32.msk vm6, v19  }
0xfc: {  	vm9 =	vne.s32 v28, $0x0;
	v22 =	vtrunc.f32 v22;
	v19 =	vmul.u32 $0x60, v24;
	v58 =	vld [tilespmem:s29+$0x30]  }
0xfd: {  	v38 =	vcvt.f32.s32 v22;
	vm15 =	vne.s32 v24, $0x0;
	v22 =	vmul.u32 $0x60, v32;
	v54 =	vld [tilespmem:$0x1FF00]  }
0xfe: {  	v31 =	vnsel vm1, $0x0, v31;
	vm0 =	vne.s32 v32, $0x0;
	[tilespmem:v51+s21+$0x0] =	vst.idx.add.f32.msk vm2, v2;
	v57 =	vor.u32 v0, v19  }
0xff: {  	v31 =	vtrunc.f32 v31;
	v15 =	vmul.u32 $0x60, v23;
	[tilespmem:v13+s21+$0x0] =	vst.idx.add.f32.msk vm12, v2;
	v52 =	vor.u32 v0, v22  }
0x100: {  	v59 =	vor.u32 v3, v47;
	vm8 =	vne.s32 v23, $0x0;
	v31 =	vcvt.f32.s32 v31;
	[tilespmem:v16+s21+$0x0] =	vst.idx.add.f32.msk vm3, v2  }
0x101: {  	s30 =	sadd.s32 $0x80, s30;
	v10 =	vor.u32 v3, v15;
	[tilespmem:v34+s21+$0x0] =	vst.idx.add.f32.msk vm6, v58  }
0x102: {  	v44 =	vmul.u32 $0x60, v31;
	vm1 =	vnez.u8 v54;
	v34 =	vld [tilespmem:s30+$0x30]  }
0x103: {  	vm11 =	vne.s32 v31, $0x0;
	[tilespmem:v57+s21+$0x0] =	vst.idx.add.f32.msk vm15, v2  }
0x104: {  	v58 =	vor.u32 v0, v44;
	[tilespmem:v52+s21+$0x0] =	vst.idx.add.f32.msk vm0, v2  }
0x105: {  	v26 =	vcvt.f32.s32 v53;
	v18 =	vmul.u32 $0x60, v30;
	[tilespmem:v59+s21+$0x0] =	vst.idx.add.f32.msk vm9, v2  }
0x106: {  	v62 =	vadd.s32 v6, v21;
	vm14 =	vne.s32 v30, $0x0;
	[tilespmem:v10+s21+$0x0] =	vst.idx.add.f32.msk vm8, v2  }
0x107: {  	v50 =	vtrunc.f32 v48;
	v46 =	vmul.u32 $0x60, v26;
	v63 =	vor.u32 v0, v18;
	v57 =	vld [tilespmem:s28+$0xFFFFFFF0]  }
0x108: {  	v20 =	vcvt.f32.s32 v50;
	vm10 =	vne.s32 v26, $0x0;
	[tilespmem:v12+s21+$0x0] =	vst.idx.add.f32.msk vm1, v36  }
0x109: {  	v11 =	vor.u32 v3, v46;
	[tilespmem:v58+s21+$0x0] =	vst.idx.add.f32.msk vm11, v2  }
0x10a: {  	v40 =	vmul.u32 $0x60, v20;
	v58 =	vld [tilespmem:s28+$0x0]  }
0x10b: {  	vm13 =	vne.s32 v20, $0x0;
	v25 =	vadd.s32 v4, v19;
	[tilespmem:v62+s21+$0x0] =	vst.idx.add.f32.msk vm6, v34  }
0x10c: {  	s31 =	sadd.s32 $0x80, s31;
	v42 =	vmul.u32 $0x60, v38;
	v12 =	vor.u32 v3, v40;
	[tilespmem:v63+s21+$0x0] =	vst.idx.add.f32.msk vm14, v2  }
0x10d: {  	v61 =	vadd.s32 v4, v22;
	vm1 =	vne.s32 v38, $0x0;
	v50 =	vld [tilespmem:s31+$0x30]  }
0x10e: {  	v53 =	vor.u32 v0, v42;
	[tilespmem:v11+s21+$0x0] =	vst.idx.add.f32.msk vm10, v2  }
0x10f: {  	v46 =	vadd.s32 v5, v19;
	v54 =	vadd.s32 v6, v19;
	v11 =	vadd.s32 v7, v19;
	v19 =	vld [tilespmem:s28+$0xFFFFFFE0]  }
0x110: {  	v48 =	vmul.u32 $0x60, v29;
	[tilespmem:v25+s21+$0x0] =	vst.idx.add.f32.msk vm15, v57  }
0x111: {  	v21 =	vadd.s32 v7, v21;
	vm7 =	vne.s32 v29, $0x0;
	[tilespmem:v12+s21+$0x0] =	vst.idx.add.f32.msk vm13, v2  }
0x112: {  	v15 =	vor.u32 v3, v48;
	[tilespmem:v61+s21+$0x0] =	vst.idx.add.f32.msk vm0, v58  }
0x113: {  	v23 =	vadd.s32 v4, v18;
	[tilespmem:v53+s21+$0x0] =	vst.idx.add.f32.msk vm1, v2  }
0x114: {  	v45 =	vadd.s32 v5, v18;
	v52 =	vadd.s32 v6, v18;
	v12 =	vadd.s32 v7, v18;
	v18 =	vld [tilespmem:s28+$0xFFFFFFD0]  }
0x115: {  	v20 =	vadd.s32 v4, v14;
	v61 =	vld [tilespmem:s29+$0x0]  }
0x116: {  	v28 =	vadd.s32 v5, v14;
	v30 =	vadd.s32 v5, v17;
	[tilespmem:v21+s21+$0x0] =	vst.idx.add.f32.msk vm6, v50  }
0x117: {  	v51 =	vadd.s32 v6, v17;
	v16 =	vadd.s32 v4, v17;
	[tilespmem:v15+s21+$0x0] =	vst.idx.add.f32.msk vm7, v2  }
0x118: {  	v13 =	vadd.s32 v7, v14;
	v50 =	vadd.s32 v6, v14;
	v14 =	vadd.s32 v7, v17;
	v17 =	vld [tilespmem:s28+$0xFFFFFFC0]  }
0x119: {  	v33 =	vcvt.f32.s32 v60;
	v47 =	vadd.s32 v5, v22;
	v59 =	vld [tilespmem:s28+$0x10]  }
0x11a: {  	[tilespmem:v23+s21+$0x0] =	vst.idx.add.f32.msk vm14, v19  }
0x11b: {  	v49 =	vmul.u32 $0x60, v33;
	v19 =	vld [tilespmem:s29+$0xFFFFFFF0]  }
0x11c: {  	vm6 =	vne.s32 v33, $0x0;
	[tilespmem:v16+s21+$0x0] =	vst.idx.add.f32.msk vm3, v18  }
0x11d: {  	v60 =	vor.u32 v3, v49;
	vm4 =	vmmov vm1;
	v18 =	vld [tilespmem:s29+$0xFFFFFFE0]  }
0x11e: {  	v62 =	vadd.s32 v4, v42;
	[tilespmem:v47+s21+$0x0] =	vst.idx.add.f32.msk vm0, v61  }
0x11f: {  	[tilespmem:v20+s21+$0x0] =	vst.idx.add.f32.msk vm2, v17  }
0x120: {  	v17 =	vld [tilespmem:s29+$0xFFFFFFD0]  }
0x121: {  	v20 =	vld [tilespmem:s30+$0x0]  }
0x122: {  	[tilespmem:v60+s21+$0x0] =	vst.idx.add.f32.msk vm6, v2  }
0x123: {  	[tilespmem:v62+s21+$0x0] =	vst.idx.add.f32.msk vm4, v59  }
0x124: {  	v16 =	vld [tilespmem:s29+$0xFFFFFFC0]  }
0x125: {  	[tilespmem:v46+s21+$0x0] =	vst.idx.add.f32.msk vm15, v19  }
0x126: {  	v60 =	vld [tilespmem:s28+$0x20]  }
0x127: {  	v55 =	vadd.s32 v6, v22;
	v62 =	vld [tilespmem:s29+$0x10]  }
0x128: {  	v19 =	vld [tilespmem:s30+$0xFFFFFFF0]  }
0x129: {  	vm5 =	vmmov vm11;
	[tilespmem:v45+s21+$0x0] =	vst.idx.add.f32.msk vm14, v18  }
0x12a: {  	v63 =	vadd.s32 v4, v44;
	[tilespmem:v30+s21+$0x0] =	vst.idx.add.f32.msk vm3, v17  }
0x12b: {  	v48 =	vadd.s32 v5, v42;
	v18 =	vld [tilespmem:s30+$0xFFFFFFE0]  }
0x12c: {  	[tilespmem:v55+s21+$0x0] =	vst.idx.add.f32.msk vm0, v20  }
0x12d: {  	[tilespmem:v28+s21+$0x0] =	vst.idx.add.f32.msk vm2, v16  }
0x12e: {  	v17 =	vld [tilespmem:s30+$0xFFFFFFD0]  }
0x12f: {  	[tilespmem:v63+s21+$0x0] =	vst.idx.add.f32.msk vm5, v60  }
0x130: {  	[tilespmem:v48+s21+$0x0] =	vst.idx.add.f32.msk vm4, v62  }
0x131: {  	v49 =	vadd.s32 v5, v44;
	v63 =	vld [tilespmem:s29+$0x20]  }
0x132: {  	v16 =	vld [tilespmem:s30+$0xFFFFFFC0]  }
0x133: {  	[tilespmem:v54+s21+$0x0] =	vst.idx.add.f32.msk vm15, v19  }
0x134: {  	v21 =	vld [tilespmem:s30+$0x10]  }
0x135: {  	[tilespmem:v52+s21+$0x0] =	vst.idx.add.f32.msk vm14, v18  }
0x136: {  	v56 =	vadd.s32 v6, v42;
	[tilespmem:v49+s21+$0x0] =	vst.idx.add.f32.msk vm5, v63  }
0x137: {  	s0 =	sadd.s32 $0x8, s0;
	v10 =	vadd.s32 v7, v22;
	v15 =	vadd.s32 v6, v44;
	v22 =	vld [tilespmem:s30+$0x20]  }
0x138: {  	p0 =	slt.u32 s0, $0x3F8;
	[tilespmem:v51+s21+$0x0] =	vst.idx.add.f32.msk vm3, v17  }
.Ltmp0:
0x139: {  	[tilespmem:v50+s21+$0x0] =	vst.idx.add.f32.msk vm2, v16;
	(pc) =	sbr.rel @p0 .LBB2_3-.Ltmp0, $4  }
0x13a: {  	v16 =	vld [tilespmem:s31+$0xFFFFFFD0]  }
0x13b: {  	[tilespmem:v56+s21+$0x0] =	vst.idx.add.f32.msk vm4, v21  }
0x13c: {  	[tilespmem:v15+s21+$0x0] =	vst.idx.add.f32.msk vm5, v22  }
0x13d: {  	s1 =	sadd.s32 $0x80, s1;
	v9 =	vadd.s32 v7, v42;
	v8 =	vadd.s32 v7, v44;
	v15 =	vld [tilespmem:s31+$0xFFFFFFC0]  }
0x13e: {  	v17 =	vld [tilespmem:s31+$0xFFFFFFE0]  }
0x13f: {  	v18 =	vld [tilespmem:s31+$0xFFFFFFF0]  }
0x140: {  	v19 =	vld [tilespmem:s31+$0x0]  }
0x141: {  	v20 =	vld [tilespmem:s31+$0x10]  }
0x142: {  	v21 =	vld [tilespmem:s31+$0x20]  }
0x143: {  	s24 =	sadd.s32 $0x1, s24;
	[tilespmem:v14+s21+$0x0] =	vst.idx.add.f32.msk vm3, v16  }
0x144: {  	p0 =	sne.s32 s24, $0x4;
	[tilespmem:v13+s21+$0x0] =	vst.idx.add.f32.msk vm2, v15  }
.Ltmp1:
0x145: {  	[tilespmem:v12+s21+$0x0] =	vst.idx.add.f32.msk vm14, v17;
	(pc) =	sbr.rel @p0 .LBB2_2-.Ltmp1, $4  }
0x146: {  	[tilespmem:v11+s21+$0x0] =	vst.idx.add.f32.msk vm15, v18  }
0x147: {  	[tilespmem:v10+s21+$0x0] =	vst.idx.add.f32.msk vm0, v19  }
0x148: {  	[tilespmem:v9+s21+$0x0] =	vst.idx.add.f32.msk vm4, v20  }
0x149: {  	[tilespmem:v8+s21+$0x0] =	vst.idx.add.f32.msk vm5, v21  }
0x14a: {  	v8 =	vld [tilespmem:$0x1C020]  }
0x14b: {  	v9 =	vld [tilespmem:$0x1C030]  }
0x14c: {  	v10 =	vld [tilespmem:$0x1C040]  }
0x14d: {  	v11 =	vld [tilespmem:$0x1C050]  }
0x14e: {  	v12 =	vld [tilespmem:$0x1C060]  }
0x14f: {  	(xrf2) =	vadd.scan.msk.f32 $0xffff, v8;
	v8 =	vld [tilespmem:$0x1C070]  }
0x150: {  	v25 =	vld [tilespmem:$0x1C080];
	(xrf2) =	vadd.scan.msk.f32 $0xffff, v9  }
0x151: {  	v26 =	vld [tilespmem:$0x1C090];
	(xrf2) =	vadd.scan.msk.f32 $0xffff, v10  }
0x152: {  	v27 =	vld [tilespmem:$0x1C0A0];
	(xrf2) =	vadd.scan.msk.f32 $0xffff, v11  }
0x153: {  	v28 =	vld [tilespmem:$0x1C0B0];
	(xrf2) =	vadd.scan.msk.f32 $0xffff, v12  }
0x154: {  	(xrf2) =	vadd.scan.msk.f32 $0xffff, v8;
	v8 =	vld [tilespmem:$0x1C0C0]  }
0x155: {  	v29 =	vld [tilespmem:$0x1C0D0];
	(xrf2) =	vadd.scan.msk.f32 $0xffff, v25  }
0x156: {  	v30 =	vld [tilespmem:$0x1C0E0];
	(xrf2) =	vadd.scan.msk.f32 $0xffff, v26  }
0x157: {  	v31 =	vld [tilespmem:$0x1C0F0];
	(xrf2) =	vadd.scan.msk.f32 $0xffff, v27  }
0x158: {  	v32 =	vld [tilespmem:$0x1C100];
	(xrf2) =	vadd.scan.msk.f32 $0xffff, v28  }
0x159: {  	v13, _, _ =	vpop (xrf2);
	(xrf2) =	vadd.scan.msk.f32 $0xffff, v8;
	v8 =	vld [tilespmem:$0x1C110]  }
0x15a: {  	v33 =	vld [tilespmem:$0x1C120];
	v14, _, _ =	vpop (xrf2);
	(xrf2) =	vadd.scan.msk.f32 $0xffff, v29  }
0x15b: {  	v34 =	vld [tilespmem:$0x1C130];
	v15, _, _ =	vpop (xrf2);
	(xrf2) =	vadd.scan.msk.f32 $0xffff, v30  }
0x15c: {  	v35 =	vld [tilespmem:$0x1C140];
	v16, _, _ =	vpop (xrf2);
	(xrf2) =	vadd.scan.msk.f32 $0xffff, v31  }
0x15d: {  	v36 =	vld [tilespmem:$0x1C150];
	v17, _, _ =	vpop (xrf2);
	(xrf2) =	vadd.scan.msk.f32 $0xffff, v32  }
0x15e: {  	v18, _, _ =	vpop (xrf2);
	(xrf2) =	vadd.scan.msk.f32 $0xffff, v8;
	v8 =	vld [tilespmem:$0x1C160]  }
0x15f: {  	v37 =	vld [tilespmem:$0x1C170];
	v19, _, _ =	vpop (xrf2);
	(xrf2) =	vadd.scan.msk.f32 $0xffff, v33  }
0x160: {  	v38 =	vld [tilespmem:$0x1C180];
	v22, _, _ =	vpop (xrf2);
	(xrf2) =	vadd.scan.msk.f32 $0xffff, v34  }
0x161: {  	v39 =	vld [tilespmem:$0x1C190];
	v25, _, _ =	vpop (xrf2);
	(xrf2) =	vadd.scan.msk.f32 $0xffff, v35  }
0x162: {  	v20 =	vld [tilespmem:$0x1C1A0];
	v26, _, _ =	vpop (xrf2);
	(xrf2) =	vadd.scan.msk.f32 $0xffff, v36  }
0x163: {  	v21 =	vld [tilespmem:$0x1C1B0];
	v23, _, _ =	vpop (xrf2);
	(xrf2) =	vadd.scan.msk.f32 $0xffff, v8  }
0x164: {  	v40 =	vld [tilespmem:$0x1C1C0];
	v24, _, _ =	vpop (xrf2);
	(xrf2) =	vadd.scan.msk.f32 $0xffff, v37  }
0x165: {  	v41 =	vld [tilespmem:$0x1C1D0];
	v12, _, _ =	vpop (xrf2);
	(xrf2) =	vadd.scan.msk.f32 $0xffff, v38  }
0x166: {  	v42 =	vld [tilespmem:$0x1C1E0];
	v8, _, _ =	vpop (xrf2);
	(xrf2) =	vadd.scan.msk.f32 $0xffff, v39  }
0x167: {  	v43 =	vld [tilespmem:$0x1C1F0];
	v29, _, _ =	vpop (xrf2);
	(xrf2) =	vadd.scan.msk.f32 $0xffff, v20  }
0x168: {  	v44 =	vld [tilespmem:$0x1C200];
	v30, _, _ =	vpop (xrf2);
	(xrf2) =	vadd.scan.msk.f32 $0xffff, v21  }
0x169: {  	v45 =	vld [tilespmem:$0x1C210];
	v31, _, _ =	vpop (xrf2);
	(xrf2) =	vadd.scan.msk.f32 $0xffff, v40  }
0x16a: {  	v46 =	vld [tilespmem:$0x1C220];
	v32, _, _ =	vpop (xrf2);
	(xrf2) =	vadd.scan.msk.f32 $0xffff, v41  }
0x16b: {  	v47 =	vld [tilespmem:$0x1C230];
	v33, _, _ =	vpop (xrf2);
	(xrf2) =	vadd.scan.msk.f32 $0xffff, v42  }
0x16c: {  	v48 =	vld [tilespmem:$0x1C240];
	v34, _, _ =	vpop (xrf2);
	(xrf2) =	vadd.scan.msk.f32 $0xffff, v43  }
0x16d: {  	v49 =	vld [tilespmem:$0x1C250];
	v35, _, _ =	vpop (xrf2);
	(xrf2) =	vadd.scan.msk.f32 $0xffff, v44  }
0x16e: {  	v50 =	vld [tilespmem:$0x1C260];
	v36, _, _ =	vpop (xrf2);
	(xrf2) =	vadd.scan.msk.f32 $0xffff, v45  }
0x16f: {  	v51 =	vld [tilespmem:$0x1C270];
	v37, _, _ =	vpop (xrf2);
	(xrf2) =	vadd.scan.msk.f32 $0xffff, v46  }
0x170: {  	v38 =	vld [tilespmem:$0x1C280];
	v27, _, _ =	vpop (xrf2);
	(xrf2) =	vadd.scan.msk.f32 $0xffff, v47  }
0x171: {  	v39 =	vld [tilespmem:$0x1C290];
	v28, _, _ =	vpop (xrf2);
	(xrf2) =	vadd.scan.msk.f32 $0xffff, v48  }
0x172: {  	v40 =	vld [tilespmem:$0x1C2A0];
	v20, _, _ =	vpop (xrf2);
	(xrf2) =	vadd.scan.msk.f32 $0xffff, v49  }
0x173: {  	v41 =	vld [tilespmem:$0x1C2B0];
	v21, _, _ =	vpop (xrf2);
	(xrf2) =	vadd.scan.msk.f32 $0xffff, v50  }
0x174: {  	v11, _, _ =	vpop (xrf2);
	(xrf2) =	vadd.scan.msk.f32 $0xffff, v51  }
0x175: {  	v10, _, _ =	vpop (xrf2);
	(xrf2) =	vadd.scan.msk.f32 $0xffff, v38  }
0x176: {  	(v2sf) =	vpush v17, $0xF;
	v9, _, _ =	vpop (xrf2);
	(xrf2) =	vadd.scan.msk.f32 $0xffff, v39  }
0x177: {  	(v2sf) =	vpush v18, $0xF;
	v38, _, _ =	vpop (xrf2);
	(xrf2) =	vadd.scan.msk.f32 $0xffff, v40  }
0x178: {  	(v2sf) =	vpush v23, $0xF;
	v39, _, _ =	vpop (xrf2);
	(xrf2) =	vadd.scan.msk.f32 $0xffff, v41  }
0x179: {  	(v2sf) =	vpush v24, $0xF;
	v40, _, _ =	vpop (xrf2)  }
0x17a: {  	(v2sf) =	vpush v31, $0xF;
	v41, _, _ =	vpop (xrf2)  }
0x17b: {  	(v2sf) =	vpush v32, $0xF;
	v42, _, _ =	vpop (xrf2)  }
0x17c: {  	(v2sf) =	vpush v37, $0xF;
	v43, _, _ =	vpop (xrf2)  }
0x17d: {  	(v2sf) =	vpush v27, $0xF;
	v44, _, _ =	vpop (xrf2)  }
0x17e: {  	(v2sf) =	vpush v10, $0xF;
	v45, _, _ =	vpop (xrf2)  }
0x17f: {  	(v2sf) =	vpush v9, $0xF;
	v46, _, _ =	vpop (xrf2)  }
0x180: {  	(v2sf) =	vpush v42, $0xF;
	v47, _, _ =	vpop (xrf2)  }
0x181: {  	(v2sf) =	vpush v43, $0xF;
	v48, _, _ =	vpop (xrf2)  }
0x182: {  	(v2sf) =	vpush v48, $0xF;
	v49, _, _ =	vpop (xrf2)  }
0x183: {  	(v2sf) =	vpush v49, $0xF;
	_ =	sdelay $0x1  }
0x184: {  	s0 =	spop (v2sf)  }
0x185: {  	s1 =	spop (v2sf);
	s0 =	sadd.f32 $0.0e+00, s0  }
0x186: {  	s1 =	sadd.f32 $0.0e+00, s1;
	s24 =	spop (v2sf)  }
0x187: {  	s25 =	spop (v2sf);
	s0 =	sadd.f32 s24, s0  }
0x188: {  	s1 =	sadd.f32 s25, s1;
	s26 =	spop (v2sf)  }
0x189: {  	s28 =	spop (v2sf);
	s0 =	sadd.f32 s26, s0  }
0x18a: {  	s1 =	sadd.f32 s28, s1;
	s29 =	spop (v2sf)  }
0x18b: {  	v54 =	vld [tilespmem:$0x1FF20];
	s30 =	spop (v2sf);
	s0 =	sadd.f32 s29, s0  }
0x18c: {  	v56 =	vld [tilespmem:$0x1FF30];
	s1 =	sadd.f32 s30, s1;
	s31 =	spop (v2sf)  }
0x18d: {  	v58 =	vld [tilespmem:$0x1FF40];
	s26 =	spop (v2sf);
	s0 =	sadd.f32 s31, s0  }
0x18e: {  	v60 =	vld [tilespmem:$0x1FF50];
	s1 =	sadd.f32 s26, s1;
	s28 =	spop (v2sf)  }
0x18f: {  	v62 =	vld [tilespmem:$0x1FF60];
	s29 =	spop (v2sf);
	s0 =	sadd.f32 s28, s0  }
0x190: {  	s1 =	sadd.f32 s29, s1;
	s30 =	spop (v2sf)  }
0x191: {  	s31 =	spop (v2sf);
	s0 =	sadd.f32 s30, s0  }
0x192: {  	vm0 =	vcmask $0x704;
	vm14 =	vcmask $0xB08;
	v52 =	vld [tilespmem:$0x1FF10];
	s1 =	sadd.f32 s31, s1  }
0x193: {  	vm1 =	vnez.u8 v54;
	vm2 =	vnez.u8 v56;
	vm4 =	vnez.u8 v60;
	v60 =	vld [tilespmem:$0x1FFA0];
	s0 =	ssub.f32 $6.553600000e+04, s0  }
0x194: {  	vm3 =	vnez.u8 v58;
	vm5 =	vnez.u8 v62;
	v13 =	vbroadcast v13, $0xF;
	s1 =	ssub.f32 $6.553600000e+04, s1  }
0x195: {  	v14 =	vbroadcast v14, $0xF;
	v15 =	vbroadcast v15, $0xF;
	v50 =	vmov s0  }
0x196: {  	v61 =	vbroadcast v22, $0xF;
	v22 =	vld [tilespmem:$0x1FF70];
	v63 =	vbroadcast v25, $0xF;
	v50 =	vsel vm0, s1, v50  }
0x197: {  	v25 =	vbroadcast v26, $0xF;
	v26 =	vld [tilespmem:$0x1FF80];
	vm0 =	vnez.u8 v52;
	v13 =	vsel vm14, v13, v50  }
0x198: {  	vm9 =	vnez.u8 v60;
	v53 =	vbroadcast v16, $0xF;
	v13 =	vsel vm0, v13, v14  }
0x199: {  	v55 =	vbroadcast v17, $0xF;
	v57 =	vbroadcast v18, $0xF;
	v13 =	vsel vm1, v13, v15  }
0x19a: {  	v59 =	vbroadcast v19, $0xF;
	v56 =	vbroadcast v24, $0xF;
	v13 =	vsel vm2, v13, v53  }
0x19b: {  	v60 =	vld [tilespmem:$0x1FFD0];
	vm6 =	vnez.u8 v22;
	v12 =	vbroadcast v12, $0xF;
	v13 =	vsel vm3, v13, v55  }
0x19c: {  	v24 =	vld [tilespmem:$0x1FFB0];
	vm7 =	vnez.u8 v26;
	v54 =	vbroadcast v31, $0xF;
	v13 =	vsel vm4, v13, v57  }
0x19d: {  	v58 =	vbroadcast v32, $0xF;
	v62 =	vbroadcast v33, $0xF;
	v57 =	vld [tilespmem:$0x1FFE0];
	v13 =	vsel vm5, v13, v59  }
0x19e: {  	v26 =	vbroadcast v35, $0xF;
	v51 =	vbroadcast v30, $0xF;
	v13 =	vsel vm6, v13, v61;
	v61 =	vld [tilespmem:$0x1FFF0]  }
0x19f: {  	v30 =	vbroadcast v37, $0xF;
	v11 =	vbroadcast v11, $0xF;
	v52 =	vld [tilespmem:$0x1FF90]  }
0x1a0: {  	vm15 =	vnez.u8 v60;
	v10 =	vbroadcast v10, $0xF;
	v32 =	vbroadcast v38, $0xF  }
0x1a1: {  	vm10 =	vnez.u8 v24;
	v38 =	vbroadcast v27, $0xF;
	v50 =	vbroadcast v29, $0xF;
	v55 =	vld [tilespmem:$0x1C2C0]  }
0x1a2: {  	v33 =	vbroadcast v39, $0xF;
	v37 =	vbroadcast v41, $0xF;
	v59 =	vld [tilespmem:$0x1C2D0];
	vm12 =	vnez.u8 v57  }
0x1a3: {  	v13 =	vsel vm7, v13, v63;
	v63 =	vld [tilespmem:$0x1C2E0];
	v15 =	vsel vm12, v50, v51;
	vm13 =	vnez.u8 v61  }
0x1a4: {  	v39 =	vbroadcast v42, $0xF;
	vm8 =	vnez.u8 v52;
	v14 =	vsel vm13, v15, v54  }
0x1a5: {  	v13 =	vsel vm8, v13, v25;
	v25 =	vbroadcast v34, $0xF;
	v14 =	vsel vm0, v14, v58  }
0x1a6: {  	v31 =	vld [tilespmem:$0x1C2F0];
	v41 =	vbroadcast v43, $0xF;
	v42 =	vbroadcast v44, $0xF;
	(xrf2) =	vadd.scan.msk.f32 $0xffff, v55;
	v14 =	vsel vm1, v14, v62  }
0x1a7: {  	v29 =	vbroadcast v36, $0xF;
	v36 =	vbroadcast v40, $0xF;
	(xrf2) =	vadd.scan.msk.f32 $0xffff, v59;
	v14 =	vsel vm2, v14, v25  }
0x1a8: {  	v44 =	vbroadcast v20, $0xF;
	v34 =	vld [tilespmem:$0x1FFC0];
	(xrf2) =	vadd.scan.msk.f32 $0xffff, v63;
	v15 =	vsel vm12, v32, v33;
	v14 =	vsel vm3, v14, v26  }
0x1a9: {  	v53 =	vbroadcast v23, $0xF;
	v35 =	vsel vm4, v14, v29;
	v14 =	vsel vm13, v15, v36  }
0x1aa: {  	v43 =	vbroadcast v45, $0xF;
	v45 =	vbroadcast v46, $0xF;
	v14 =	vsel vm0, v14, v37  }
0x1ab: {  	v46 =	vbroadcast v21, $0xF;
	v13 =	vsel vm9, v13, v53;
	(xrf2) =	vadd.scan.msk.f32 $0xffff, v31;
	v14 =	vsel vm1, v14, v39  }
0x1ac: {  	v40 =	vbroadcast v28, $0xF;
	v13 =	vsel vm10, v13, v56;
	v14 =	vsel vm2, v14, v41  }
0x1ad: {  	v50 =	vbroadcast v47, $0xF;
	vm11 =	vnez.u8 v34;
	v14 =	vsel vm3, v14, v42  }
0x1ae: {  	v12 =	vsel vm11, v13, v12;
	v13 =	vsel vm5, v35, v30;
	v14 =	vsel vm4, v14, v43  }
0x1af: {  	v51 =	vbroadcast v48, $0xF;
	v13 =	vsel vm6, v13, v38;
	v14 =	vsel vm5, v14, v45  }
0x1b0: {  	v53 =	vbroadcast v49, $0xF;
	v52, _, _ =	vpop (xrf2);
	v13 =	vsel vm7, v13, v40;
	v14 =	vsel vm6, v14, v50  }
0x1b1: {  	v55 =	vbroadcast v52, $0xF;
	v54, _, _ =	vpop (xrf2);
	v13 =	vsel vm8, v13, v44;
	v14 =	vsel vm7, v14, v51  }
0x1b2: {  	v57 =	vbroadcast v54, $0xF;
	v13 =	vsel vm9, v13, v46;
	v56, _, _ =	vpop (xrf2);
	v14 =	vsel vm8, v14, v53  }
0x1b3: {  	v11 =	vsel vm10, v13, v11;
	v59 =	vbroadcast v56, $0xF;
	v58 =	vsel vm9, v14, v55  }
0x1b4: {  	[tilespmem:$0x1C330] =	vst v1;
	v8 =	vsel vm15, v12, v8;
	v10 =	vsel vm11, v11, v10;
	v61 =	vsel vm10, v58, v57  }
0x1b5: {  	s23 =	sadd.s32 $0x1, s23;
	[tilespmem:$0x1C300] =	vst v8;
	v62, _, _ =	vpop (xrf2);
	v8 =	vsel vm15, v10, v9;
	v63 =	vsel vm11, v61, v59  }
0x1b6: {  	p0 =	sne.s32 s23, s13;
	[tilespmem:$0x1C310] =	vst v8;
	v8 =	vsel vm15, v63, v62  }
.Ltmp2:
0x1b7: {  	[tilespmem:$0x1C320] =	vst v8;
	(pc) =	sbr.rel @p0 .LBB2_1-.Ltmp2, $4  }
0x1b8: {  	[hbm4b:s12+s2] =	stream.linear.scatter [tilespmem:s22], [sflag:$0x1], $0x40, $0x38;
	[tilespmem:$0x1C380] =	vst v63  }
0x1b9: {  	_ =	swait.ge [sflag:s14], $0x40  }
0x1ba: {  	[sflag:s14] =	ssyncset.done $0x0  }
0x1bb: {  	[sflag:s14] =	ssyncadd.s32 $0xFFFFFFC0  }
0x1bc: {  	_ =	sfence.sel $0x180000  }
0x1bd: {  	[bflag:$0x0] =	sbarrier.arrive $0xFFFF  }
0x1be: {  	_ =	strace $0x9000004A  }
0x1bf: {  	s0 =	stileid.u32;
	[bflag:$0x2] =	sbarrier.arrive $0xFFFF  }
0x1c0: {  	p0 =	sne.s32 s0, $0x0;
	s0 =	rddreg [dreg:$0x1]  }
0x1c1: {  	s0 =	sadd.s32 @!p0 $0x100000, s0  }
0x1c2: {  	[sflag:s0] =	ssyncadd.tile.s32 @!p0 $0x1;
	_ =	shalt  }
.Lfunc_end2:
_tile_overlayer_lowered:
.L_overlay_start_2:
0x1c3: {  	(tag) =	ssettag $0x2  }
0x1c4: {  	s0 =	rddreg [dreg:$0x0];
	s2 =	stileid.u32  }
0x1c5: {  	s1 =	rddreg [dreg:$0x1];
	p0 =	sne.s32 s2, $0x0  }
0x1c6: {  	s3 =	rddreg [dreg:$0x2];
	[bflag:$0x3] =	sbarrier.arrive $0xFFFF;
	s2 =	simm.s32 @!p0 $0x1C01  }
0x1c7: {  	[timem:s3], [sflag:s2] =	dma.local @!p0 [hbm:s0], s1  }
0x1c8: {  	s0 =	simm.s32 @!p0 $0x1  }
0x1c9: {  	_ =	swait.ge @!p0 [sflag:s0], s1  }
0x1ca: {  	s1 =	ssub.s32 @!p0 $0x0, s1;
	[sflag:s0] =	ssyncset.done @!p0 $0x0  }
0x1cb: {  	[sflag:s0] =	ssyncadd.s32 @!p0 s1  }
0x1cc: {  	[bflag:$0x3] =	sbarrier.arrive $0xFFFF  }
0x1cd: {  	_ =	shalt  }

// kernel: sparse-core-data-format-call.cloned.1.call-start
scs
called_computation_lowered:
.L_overlay_start_0:
0x0: {  	s2 =	sld [smem:$0x3FD9]  }
0x1: {  	s3 =	sld [smem:$0x3FFE];
	_ =	sdelay $0x1  }
0x2: {  	s1 =	srdreg.scid  }
0x3: {  	s0 =	sand.u32 $0x1, s1  }
0x4: {  	s18 =	sshll.u32 s0, $0xA;
	s2 =	sadd.s32 s3, s2  }
0x5: {  	s2 =	sadd.s32 s2, s18  }
0x6: {  	[smem:$0x3FC4] =	sst s2  }
0x7: {  	_ = 	snop  }
0x8: {  	s2 =	sld [smem:$0x3FC9];
	(tm) =	ssettm $0x1  }
0x9: {  	s19 =	sld [smem:$0x3FFB];
	_ =	sdelay $0x3  }
0xa: {  	_ =	strace s19  }
0xb: {  	s3 =	sld [smem:$0x3FFC];
	_ =	sdelay $0x3  }
0xc: {  	_ =	strace s3  }
0xd: {  	s3 =	sld [smem:$0x3FFD];
	_ =	sdelay $0x3  }
0xe: {  	_ =	strace s3  }
0xf: {  	_ =	strace $0x8FFFFFFF  }
0x10: {  	s20 =	sld [smem:$0x3FDB];
	_ =	sdelay $0x1  }
0x11: {  	s4 =	simm.s32 $_scs_section_size  }
0x12: {  	s5 =	simm.s32 $_size__tile_overlayer_lowered;
	s6 =	simm.s32 $_tile_overlayer_lowered  }
0x13: {  	s23 =	simm.s32 $0x1BFF;
	s22 =	sshll.u32 s6, $0x1;
	s3 =	sadd.s32 s4, s20  }
0x14: {  	s7 =	simm.s32 $0x0;
	s21 =	sshll.u32 s5, $0x1;
	s5 =	sadd.s32 s22, s3  }
0x15: {  	[timem:s7], [sflag:s23] =	dma.local [hbm:s5], s21  }
0x16: {  	_ =	swait.ge [sflag:s23], s21  }
0x17: {  	s4 =	ssub.s32 $0x0, s21;
	[sflag:s23] =	ssyncset.done $0x0  }
0x18: {  	[sflag:s23] =	ssyncadd.s32 s4;
	_ =	sdelay $0x1  }
0x19: {  	s24 =	simm.s32 $0x1B8B  }
0x1a: {  	_ =	swait.ge [sflag:s24], $0x1  }
0x1b: {  	[sflag:s24] =	ssyncset.done $0x0  }
0x1c: {  	s26 =	simm.s32 $0x1B8E;
	s25 =	sld [smem:$0x3FFE];
	[sflag:s24] =	ssyncadd.s32 $0xFFFFFFFF  }
0x1d: {  	s27 =	simm.s32 $execute0_lowered;
	[smem:$0x3FD2] =	sst s26  }
0x1e: {  	s5 =	sshll.u32 s27, $0x1;
	_ =	strace $0x80000046;
	[dreg:$0x1] =	wrdreg $0xFFFFFFFF  }
0x1f: {  	s28 =	simm.s32 $_size_execute0_lowered;
	s3 =	sadd.s32 s3, s5;
	[dreg:$0x0] =	wrdreg $0x0  }
0x20: {  	s5 =	sshll.u32 s28, $0x1;
	[dreg:$0x2] =	wrdreg s3  }
0x21: {  	[dreg:$0x3] =	wrdreg s5  }
0x22: {  	[dreg:$0x4] =	wrdreg $0xC0  }
0x23: {  	_ =	task [dreg:s7], $0x5FFFF  }
0x24: {  	[dreg:$0x1] =	wrdreg $0xFFFFFFFF  }
0x25: {  	[dreg:$0x0] =	wrdreg $0x60  }
0x26: {  	[dreg:$0x2] =	wrdreg s2  }
0x27: {  	[dreg:$0x3] =	wrdreg s25  }
0x28: {  	[dreg:$0x4] =	wrdreg $0x9  }
0x29: {  	_ =	task.clear_ibuf [dreg:s7], $0x5FFFF;
	_ =	strace $0x90000046  }
0x2a: {  	s29 =	simm.s32 $0x9;
	_ =	strace $0x80000048  }
0x2b: {  	_ =	swait.ge [sflag:s29], $0x1  }
0x2c: {  	[sflag:s29] =	ssyncadd.s32 $0xFFFFFFFF  }
0x2d: {  	_ =	strace $0x90000048  }
0x2e: {  	_ =	sfence  }
0x2f: {  	s30 =	sld [smem:$0x0];
	_ =	sdelay $0x2  }
0x30: {  	s31 =	sshll.u32 s1, $0xD;
	s1 =	sshrl.u32 s1, $0x2  }
0x31: {  	s3 =	sand.u32 $0x4000, s31;
	s1 =	sadd.s32 s1, s30  }
0x32: {  	s0 =	sor.u32 s3, s0;
	s1 =	sshll.u32 s1, $0x11  }
0x33: {  	s0 =	sor.u32 s1, s0  }
0x34: {  	s0 =	sadd.s32 $0x8F2B, s0  }
0x35: {  	[sflag:s0] =	ssyncadd.remote.s32 $0x1  }
0x36: {  	_ =	sfence.sel $0xFFFF  }
0x37: {  	[dreg:$0x0] =	wrdreg $0xFFFFFFFF;
	(pc) =	sbr.abs _section_cstart, $3  }
0x38: {  	[dreg:$0x1] =	wrdreg $0xFFFFFFFF  }
0x39: {  	_ =	task.clear_ibuf [dreg:s7], $0x2FFFF;
	_ =	strace $0x9FFFFFFF  }
0x3a: {  	(tm) =	ssettm $0x7FFFFFFF  }
0x3b: {  	_ =	shalt  }
tec
execute0_lowered:
.L_overlay_start_1:
0x0: {  	(tag) =	ssettag $0x1  }
0x1: {  	s0 =	stileid.u32  }
0x2: {  	s1 =	srdreg.scid;
	s2 =	rddreg [dreg:$0x0]  }
0x3: {  	s4 =	rddreg [dreg:$0x1];
	s7 =	simm.s32 $0x1;
	s8 =	simm.s32 $0x2  }
0x4: {  	s15 =	simm.s32 $0x0;
	s3 =	sshll.u32 s0, $0x2;
	s1 =	sshll.u32 s1, $0x6  }
0x5: {  	s9 =	simm.s32 $0x1000;
	s10 =	simm.s32 $0x40000;
	s1 =	sor.u32 s3, s1  }
0x6: {  	s11 =	simm.s32 $0x0;
	s16 =	simm.s32 $0x0;
	s3 =	sand.u32 $0x60, s1  }
0x7: {  	s14 =	simm.s32 $0x0;
	s4 =	sadd.s32 $0xA00, s4;
	s6 =	ssub.s32 $0x800, s3  }
.Ltmp0:
0x8: {  	s1 =	rddreg [dreg:$0x2];
	s5 =	sand.u32 $0x60, s6;
	(pc) =	sbr.rel .LBB1_1-.Ltmp0, $4  }
0x9: {  	_ =	strace $0x80000047;
	s12 =	smov.u32 s3;
	p0 =	sne.s32 s5, $0x0  }
0xa: {  	s6 =	sshrl.u32 s6, $0x7;
	s5 =	simm.s32 $0x1;
	s7 =	simm.s32 @!p0 $0x0  }
0xb: {  	[sflag:s5] =	ssyncpa.u1 $0x0;
	s6 =	sadd.s32 s7, s6;
	s7 =	sand.u32 $0x7, s0  }
0xc: {  	[sflag:s8] =	ssyncpa.u1 $0x0;
	s8 =	sadd.s32 $0x1, s6;
	s13 =	smov.u32 s7  }
.LBB1_7:
0xd: {  	s17 =	sadd.s32 $0x80, s12  }
0xe: {  	s15 =	sadd.s32 $0x8, s13;
	s19 =	smov.u32 s13;
	p1 =	sgt.s32 s17, $0x7FF  }
0xf: {  	s19 =	smov.u32 @p1 s15  }
0x10: {  	s17 =	smov.u32 @p1 s3;
	p1 =	sgt.s32 s19, $0x7  }
0x11: {  	s19 =	smov.u32 @p1 s7;
	p1 =	sne.s32 s14, s8  }
.Ltmp1:
0x12: {  	p0 =	slt.u32 s14, $0x2;
	(pc) =	sbr.rel @!p1 .LBB1_8-.Ltmp1, $4  }
0x13: {  	s18 =	simm.s32 @!p0 $0x2  }
0x14: {  	s16 =	smov.u32 s13;
	s11 =	sadd.s32 $0x4000, s11;
	_ =	swait.ge @!p0 [sflag:s18], $0x4000  }
0x15: {  	s15 =	smov.u32 s12;
	[sflag:s18] =	ssyncset.done @!p0 $0x0;
	s12 =	smov.u32 s17  }
0x16: {  	s14 =	sadd.s32 $0x1, s14;
	[sflag:s18] =	ssyncadd.s32 @!p0 $0xFFFFC000;
	s13 =	smov.u32 s19  }
.LBB1_1:
0x17: {  	p0 =	sge.u32 s14, s6  }
0x18: {  	s31 =	sadd.s32 $0xFFFFFFFF, s14;
	s17 =	sxor.u32 @!p0 $0xFFFFFFFF, s14;
	s18 =	sshll.u32 @!p0 s13, $0x11  }
0x19: {  	s19 =	sshll.u32 @!p0 s12, $0x6;
	s17 =	sshll.u32 @!p0 s17, $0xE;
	s18 =	sadd.s32 @!p0 s2, s18  }
0x1a: {  	s17 =	sand.u32 @!p0 $0x4000, s17;
	s18 =	sadd.s32 @!p0 s19, s18;
	s19 =	simm.s32 @!p0 $0x0  }
0x1b: {  	[tilespmem:s17], [sflag:$0x1] =	stream.linear.gather @!p0 [hbm4b:s18+s19], $0x4000, $0x38;
	[tilespmem:$0x10000] =	vst v63  }
0x1c: {  	p0 =	sge.u32 s31, s6  }
.Ltmp2:
0x1d: {  	_ = 	snop;
	(pc) =	sbr.rel @p0 .LBB1_7-.Ltmp2, $1  }
0x1e: {  	_ =	sdelay $0x3  }
0x1f: {  	s18 =	sand.u32 $0x4000, s11  }
0x20: {  	_ =	swait.ge [sflag:s5], $0x4000;
	s20 =	sshll.u32 s14, $0xE;
	s17 =	sor.u32 $0x8040, s18  }
0x21: {  	s19 =	sor.u32 $0x40, s18;
	[sflag:s5] =	ssyncset.done $0x0;
	s31 =	sand.u32 $0x4000, s20  }
0x22: {  	s20 =	simm.s32 $0x0;
	[sflag:s5] =	ssyncadd.s32 $0xFFFFC000;
	s18 =	sor.u32 $0x8000, s31  }
.LBB1_3:
0x23: {  	v0 =	vmov s19;
	_ =	sdelay $0x3  }
0x24: {  	s22 =	simm.s32 $0x0  }
0x25: {  	v6 =	vld.idx.msk [tilespmem:v0+s22+$0x30 ss:$0x1], $0xffff  }
0x26: {  	v7 =	vld.idx.msk [tilespmem:v0+s22+$0xFFFFFFC0 ss:$0x1], $0xffff  }
0x27: {  	v5 =	vld.idx.msk [tilespmem:v0+s22+$0xFFFFFFD0 ss:$0x1], $0xffff  }
0x28: {  	v4 =	vld.idx.msk [tilespmem:v0+s22+$0xFFFFFFE0 ss:$0x1], $0xffff  }
0x29: {  	v3 =	vld.idx.msk [tilespmem:v0+s22+$0xFFFFFFF0 ss:$0x1], $0xffff  }
0x2a: {  	v1 =	vld.idx.msk [tilespmem:v0+s22+$0x0 ss:$0x1], $0xffff  }
0x2b: {  	v2 =	vld.idx.msk [tilespmem:v0+s22+$0x10 ss:$0x1], $0xffff;
	[tilespmem:s17+$0x30] =	vst v6  }
0x2c: {  	s21 =	simm.s32 $0x80;
	s23 =	simm.s32 $0x400;
	[tilespmem:s17+$0xFFFFFFC0] =	vst v7;
	v6 =	vld.idx.msk [tilespmem:v0+s22+$0x20 ss:$0x1], $0xffff;
	s22 =	smov.u32 s17  }
.LBB1_4:
0x2d: {  	p0 =	sne.s32 s23, $0x600;
	v7 =	vld.idx.msk [tilespmem:v0+s21+$0x30 ss:$0x1], $0xffff;
	[tilespmem:s22+$0xFFFFFFD0] =	vst v5  }
0x2e: {  	v8 =	vld.idx.msk [tilespmem:v0+s21+$0xFFFFFFC0 ss:$0x1], $0xffff;
	[tilespmem:s22+$0xFFFFFFE0] =	vst v4  }
0x2f: {  	v5 =	vld.idx.msk [tilespmem:v0+s21+$0xFFFFFFD0 ss:$0x1], $0xffff;
	[tilespmem:s22+$0xFFFFFFF0] =	vst v3  }
.Ltmp3:
0x30: {  	v4 =	vld.idx.msk [tilespmem:v0+s21+$0xFFFFFFE0 ss:$0x1], $0xffff;
	[tilespmem:s22+$0x0] =	vst v1;
	(pc) =	sbr.rel @p0 .LBB1_4-.Ltmp3, $4  }
0x31: {  	v3 =	vld.idx.msk [tilespmem:v0+s21+$0xFFFFFFF0 ss:$0x1], $0xffff;
	[tilespmem:s22+$0x10] =	vst v2  }
0x32: {  	v1 =	vld.idx.msk [tilespmem:v0+s21+$0x0 ss:$0x1], $0xffff;
	[tilespmem:s22+$0x20] =	vst v6;
	s22 =	sadd.s32 $0x1000, s22  }
0x33: {  	v2 =	vld.idx.msk [tilespmem:v0+s21+$0x10 ss:$0x1], $0xffff;
	[tilespmem:s22+$0x30] =	vst v7  }
0x34: {  	[tilespmem:s22+$0xFFFFFFC0] =	vst v8;
	v6 =	vld.idx.msk [tilespmem:v0+s21+$0x20 ss:$0x1], $0xffff;
	s21 =	sshra.s32 s23, $0x2;
	s23 =	sadd.s32 $0x200, s23  }
0x35: {  	_ =	sdelay $0x2  }
0x36: {  	[tilespmem:s22+$0xFFFFFFD0] =	vst v5  }
0x37: {  	v56 =	vld.idx.msk [tilespmem:v0+s21+$0x30 ss:$0x1], $0xffff;
	[tilespmem:s22+$0xFFFFFFE0] =	vst v4  }
0x38: {  	v57 =	vld.idx.msk [tilespmem:v0+s21+$0xFFFFFFC0 ss:$0x1], $0xffff;
	[tilespmem:s22+$0xFFFFFFF0] =	vst v3  }
0x39: {  	v58 =	vld.idx.msk [tilespmem:v0+s21+$0xFFFFFFD0 ss:$0x1], $0xffff;
	[tilespmem:s22+$0x0] =	vst v1  }
0x3a: {  	v59 =	vld.idx.msk [tilespmem:v0+s21+$0xFFFFFFE0 ss:$0x1], $0xffff;
	[tilespmem:s22+$0x10] =	vst v2  }
0x3b: {  	v60 =	vld.idx.msk [tilespmem:v0+s21+$0xFFFFFFF0 ss:$0x1], $0xffff;
	s31 =	sadd.s32 $0x1000, s22;
	[tilespmem:s22+$0x20] =	vst v6  }
0x3c: {  	v61 =	vld.idx.msk [tilespmem:v0+s21+$0x0 ss:$0x1], $0xffff;
	[tilespmem:s31+$0x30] =	vst v56  }
0x3d: {  	v62 =	vld.idx.msk [tilespmem:v0+s21+$0x10 ss:$0x1], $0xffff;
	s20 =	sadd.s32 $0x1, s20;
	[tilespmem:s31+$0xFFFFFFC0] =	vst v57  }
0x3e: {  	v63 =	vld.idx.msk [tilespmem:v0+s21+$0x20 ss:$0x1], $0xffff;
	p0 =	sne.s32 s20, $0x20;
	[tilespmem:s31+$0xFFFFFFD0] =	vst v58  }
.Ltmp4:
0x3f: {  	[tilespmem:s31+$0xFFFFFFE0] =	vst v59;
	(pc) =	sbr.rel @p0 .LBB1_3-.Ltmp4, $4  }
0x40: {  	[tilespmem:s31+$0xFFFFFFF0] =	vst v60  }
0x41: {  	[tilespmem:s31+$0x0] =	vst v61  }
0x42: {  	[tilespmem:s31+$0x10] =	vst v62  }
0x43: {  	s17 =	sadd.s32 $0x80, s17;
	s19 =	sadd.s32 $0x200, s19;
	[tilespmem:s31+$0x20] =	vst v63  }
.Ltmp5:
0x44: {  	(pc) =	sbr.rel .LBB1_7-.Ltmp5, $4  }
0x45: {  	s16 =	sshll.u32 s16, $0x11;
	s15 =	sshll.u32 s15, $0x4  }
0x46: {  	s15 =	sand.u32 $0x7FF0, s15;
	s16 =	sadd.s32 s4, s16  }
0x47: {  	s15 =	sadd.s32 s15, s16  }
0x48: {  	[hbm4b:s15+s9] =	stream.strided.scatter [tilespmem:s18], [sflag:$0x2], $0x4000, s10, s9, $0x38;
	[tilespmem:$0x10000] =	vst v63  }
.LBB1_8:
0x49: {  	_ =	sfence.sel $0x180000  }
0x4a: {  	s2 =	simm.s32 $0x1;
	[bflag:$0x0] =	sbarrier.arrive $0xFFFF  }
0x4b: {  	s31 =	simm.s32 $0x2;
	[sflag:s2] =	ssyncpa.u1 $0x1  }
0x4c: {  	[sflag:s31] =	ssyncpa.u1 $0x1  }
0x4d: {  	p0 =	sne.s32 s0, $0x0;
	_ =	strace $0x90000047  }
0x4e: {  	s0 =	sadd.s32 @!p0 $0x100000, s1;
	[bflag:$0x2] =	sbarrier.arrive $0xFFFF  }
0x4f: {  	[sflag:s0] =	ssyncadd.tile.s32 @!p0 $0x1;
	_ =	shalt  }
.Lfunc_end1:
_tile_overlayer_lowered:
.L_overlay_start_2:
0x50: {  	(tag) =	ssettag $0x2  }
0x51: {  	s0 =	rddreg [dreg:$0x0];
	s2 =	stileid.u32  }
0x52: {  	s1 =	rddreg [dreg:$0x1];
	p0 =	sne.s32 s2, $0x0  }
0x53: {  	s3 =	rddreg [dreg:$0x2];
	[bflag:$0x3] =	sbarrier.arrive $0xFFFF;
	s2 =	simm.s32 @!p0 $0x1C01  }
0x54: {  	[timem:s3], [sflag:s2] =	dma.local @!p0 [hbm:s0], s1  }
0x55: {  	s0 =	simm.s32 @!p0 $0x1  }
0x56: {  	_ =	swait.ge @!p0 [sflag:s0], s1  }
0x57: {  	s1 =	ssub.s32 @!p0 $0x0, s1;
	[sflag:s0] =	ssyncset.done @!p0 $0x0  }
0x58: {  	[sflag:s0] =	ssyncadd.s32 @!p0 s1  }
0x59: {  	[bflag:$0x3] =	sbarrier.arrive $0xFFFF  }
0x5a: {  	_ =	shalt  }

</sc_bundles>
